<compile_context>
chip_gen: v7x
topology: tpu7x:2x2x1
jax: 0.10.2.dev20260603
libtpu: 0.0.44.dev20260713+nightly
codegen_flags: <defaults>
</compile_context>

<pallas_src>
import functools

import jax
import jax.numpy as jnp
from jax import lax
from jax.experimental import pallas as pl
from jax.experimental.pallas import tpu as pltpu
from jax.experimental.pallas import tpu_sc as plsc

EMB = 64
B = 16384
L = 50

NC = 2
NS = 16
NW = NC * NS
BAGS_PER_W = B // NW
CHUNK = 16
N_CHUNKS = BAGS_PER_W // CHUNK
IDX_PER_CHUNK = CHUNK * L
VPR = EMB // 16


def _emb_body(x_hbm, tab_hbm, out_hbm, idx_v, rows0_v, rows1_v, acc_v,
              sem0, sem1):
    wid = lax.axis_index("s") * NC + lax.axis_index("c")
    bag0 = wid * BAGS_PER_W
    chunk0 = wid * N_CHUNKS

    pltpu.sync_copy(x_hbm.at[pl.ds(chunk0, N_CHUNKS)], idx_v)

    rows = (rows0_v, rows1_v)
    sems = (sem0, sem1)

    def start(c, b):
        return pltpu.async_copy(tab_hbm.at[idx_v.at[c]], rows[b], sems[b])

    def reduce_chunk(c, b):
        rows_v = rows[b]
        base_bag = bag0 + c * CHUNK

        def bag_body(j, carry2):
            base = j * L
            accs = tuple(rows_v[base, pl.ds(16 * k, 16)]
                         for k in range(VPR))
            for i in range(1, L):
                accs = tuple(a + rows_v[base + i, pl.ds(16 * k, 16)]
                             for k, a in enumerate(accs))
            for k in range(VPR):
                acc_v[j, pl.ds(16 * k, 16)] = accs[k] * (1.0 / L)
            return carry2

        lax.fori_loop(0, CHUNK, bag_body, 0)
        pltpu.sync_copy(acc_v, out_hbm.at[pl.ds(base_bag, CHUNK)])

    start(0, 0)

    def pair_body(p, carry):
        c0 = 2 * p
        start(c0 + 1, 1)
        pltpu.make_async_copy(tab_hbm.at[idx_v.at[c0]], rows[0],
                              sems[0]).wait()
        reduce_chunk(c0, 0)

        @pl.when(c0 + 2 < N_CHUNKS)
        def _():
            start(c0 + 2, 0)

        pltpu.make_async_copy(tab_hbm.at[idx_v.at[c0 + 1]], rows[1],
                              sems[1]).wait()
        reduce_chunk(c0 + 1, 1)
        return carry

    lax.fori_loop(0, N_CHUNKS // 2, pair_body, 0)


_embed_bag = functools.partial(
    pl.kernel,
    mesh=plsc.VectorSubcoreMesh(core_axis_name="c", subcore_axis_name="s"),
    out_type=jax.ShapeDtypeStruct((B, EMB), jnp.float32),
    scratch_types=[
        pltpu.VMEM((N_CHUNKS, IDX_PER_CHUNK), jnp.int32),
        pltpu.VMEM((IDX_PER_CHUNK, EMB), jnp.float32),
        pltpu.VMEM((IDX_PER_CHUNK, EMB), jnp.float32),
        pltpu.VMEM((CHUNK, EMB), jnp.float32),
        pltpu.SemaphoreType.DMA,
        pltpu.SemaphoreType.DMA,
    ],
    compiler_params=pltpu.CompilerParams(use_tc_tiling_on_sc=False),
)(_emb_body)


def _mlp_body(e_ref, w1_ref, b1_ref, w2_ref, b2_ref, o_ref):
    h = jnp.dot(e_ref[...], w1_ref[...],
                preferred_element_type=jnp.float32) + b1_ref[...]
    h = jnp.maximum(h, 0.0)
    z = jnp.sum(h * w2_ref[...], axis=1, keepdims=True) + b2_ref[...]
    o_ref[...] = 1.0 / (1.0 + jnp.exp(-z))


_N_BLOCKS = 8
_BLK = B // _N_BLOCKS

_mlp = pl.pallas_call(
    _mlp_body,
    grid=(_N_BLOCKS,),
    in_specs=[
        pl.BlockSpec((_BLK, EMB), lambda i: (i, 0)),
        pl.BlockSpec((EMB, 128), lambda i: (0, 0)),
        pl.BlockSpec((1, 128), lambda i: (0, 0)),
        pl.BlockSpec((1, 128), lambda i: (0, 0)),
        pl.BlockSpec((1, 1), lambda i: (0, 0)),
    ],
    out_specs=pl.BlockSpec((_BLK, 1), lambda i: (i, 0)),
    out_shape=jax.ShapeDtypeStruct((B, 1), jnp.float32),
)


def kernel(x, emb_table, W1, b1, W2, b2):
    embeds = _embed_bag(x.reshape(B // CHUNK, IDX_PER_CHUNK), emb_table)
    return _mlp(embeds, W1, b1.reshape(1, 128), W2.reshape(1, 128),
                b2.reshape(1, 1))

# --- scband reference (transcript-rebuilt; emitter-appended) ---
"""Pipeline reference for scband-simple-model-24257975287990 (READ-ONLY COPY).

The authoritative reference and input builder live on the scoring server;
editing this copy changes nothing except your own understanding.
"""

import jax, jax.numpy as jnp
import numpy as np

VOCAB = 1000000
EMB = 64
B = 16384
L = 50

def setup_inputs(seed: int = 0) -> dict:
    key = jax.random.key(seed)
    k1, k2, k3, k4, k5 = jax.random.split(key, 5)
    x = jax.random.randint(k1, (B, L), 0, VOCAB, dtype=jnp.int32)
    emb_table = jax.random.normal(k2, (VOCAB, EMB), dtype=jnp.float32) * 0.02
    W1 = jax.random.normal(k3, (EMB, 128), dtype=jnp.float32) * 0.05
    b1 = jnp.zeros((128,), dtype=jnp.float32)
    W2 = jax.random.normal(k4, (128, 1), dtype=jnp.float32) * 0.05
    b2 = jnp.zeros((1,), dtype=jnp.float32)
    return {"x": x, "emb_table": emb_table, "W1": W1, "b1": b1, "W2": W2, "b2": b2}

def reference(x, emb_table, W1, b1, W2, b2):
    # nn.EmbeddingBag default mode='mean' over the bag dimension (per row of x)
    gathered = jnp.take(emb_table, x, axis=0)        # [B, L, EMB]
    embeds = gathered.mean(axis=1)                   # [B, EMB]
    embeds = jnp.squeeze(embeds)                     # no-op for [B, EMB]
    hidden = jax.nn.relu(embeds @ W1 + b1)           # [B, 128]
    pred = jax.nn.sigmoid(hidden @ W2 + b2)          # [B, 1]
    return pred

if __name__ == "__main__":
    import jax
    _d = setup_inputs()
    print(jax.jit(kernel)(*tuple(_d.values())))

</pallas_src>

<mosaic_0001>
#map = affine_map<(d0, d1) -> (0, 0)>
module attributes {stable_mosaic.version = 14 : i64} {
  func.func @_emb_body(%arg0: i32, %arg1: i32, %arg2: memref<1024x800xi32, #tpu.memory_space<hbm>>, %arg3: memref<1000000x64xf32, #tpu.memory_space<hbm>>, %arg4: memref<16384x64xf32, #tpu.memory_space<hbm>>, %arg5: memref<32x800xi32, #tpu.memory_space<vmem>>, %arg6: memref<800x64xf32, #tpu.memory_space<vmem>>, %arg7: memref<800x64xf32, #tpu.memory_space<vmem>>, %arg8: memref<16x64xf32, #tpu.memory_space<vmem>>, %arg9: memref<!tpu.dma_semaphore, #tpu.memory_space<semaphore_mem>>, %arg10: memref<!tpu.dma_semaphore, #tpu.memory_space<semaphore_mem>>) attributes {dimension_semantics = [#tpu.dimension_semantics<core_parallel>, #tpu.dimension_semantics<subcore_parallel>], iteration_bounds = array<i64: 2, 16>, scalar_prefetch = 0 : i64, scratch_operands = 6 : i64, tpu.core_type = #tpu.core_type<sc_vector_subcore>, window_params = [{transform_indices = #map}, {transform_indices = #map}, {transform_indices = #map}]} {
    %mul3A = arith.constant 2 : i32
    %mul3A_0 = arith.muli %arg1, %mul3A : i32
    %add3A = arith.addi %mul3A_0, %arg0 : i32
    %mul3A_1 = arith.constant 512 : i32
    %mul3A_2 = arith.muli %add3A, %mul3A_1 : i32
    %mul3A_3 = arith.constant 32 : i32
    %mul3A_4 = arith.muli %add3A, %mul3A_3 : i32
    "tpu.region"() ({
      %run_scoped3A = tpu.sem_alloc : memref<!tpu.dma_semaphore, #tpu.memory_space<semaphore_mem>>
      %dma_start3A_16 = arith.constant 0 : i32
      %dma_start3A_17 = tpu.memref_slice %arg2[%mul3A_4, %dma_start3A_16] : memref<1024x800xi32, #tpu.memory_space<hbm>> -> memref<32x800xi32, #tpu.memory_space<hbm>>
      %dma_start3A_18 = arith.constant 0 : i32
      %dma_start3A_19 = tpu.memref_slice %arg2[%mul3A_4, %dma_start3A_18] : memref<1024x800xi32, #tpu.memory_space<hbm>> -> memref<32x800xi32, #tpu.memory_space<hbm>>
      tpu.enqueue_dma source(%dma_start3A_19 : memref<32x800xi32, #tpu.memory_space<hbm>>) target(%arg5 : memref<32x800xi32, #tpu.memory_space<vmem>>) target_semaphore(%run_scoped3A : memref<!tpu.dma_semaphore, #tpu.memory_space<semaphore_mem>>)
      %dma_wait3A = arith.constant 0 : i32
      %dma_wait3A_20 = tpu.memref_slice %arg2[%mul3A_4, %dma_wait3A] : memref<1024x800xi32, #tpu.memory_space<hbm>> -> memref<32x800xi32, #tpu.memory_space<hbm>>
      %dma_wait3A_21 = arith.constant 0 : i32
      %dma_wait3A_22 = tpu.memref_slice %arg2[%mul3A_4, %dma_wait3A_21] : memref<1024x800xi32, #tpu.memory_space<hbm>> -> memref<32x800xi32, #tpu.memory_space<hbm>>
      tpu.wait_dma2 semaphore(%run_scoped3A : memref<!tpu.dma_semaphore, #tpu.memory_space<semaphore_mem>>) src(%dma_wait3A_22 : memref<32x800xi32, #tpu.memory_space<hbm>>) dst(%arg5 : memref<32x800xi32, #tpu.memory_space<vmem>>)
      tpu.yield
    }) : () -> ()
    %dma_start3A = arith.constant 0 : i32
    %dma_start3A_5 = arith.constant 0 : i32
    %dma_start3A_6 = tpu.memref_slice %arg5[%dma_start3A, %dma_start3A_5] : memref<32x800xi32, #tpu.memory_space<vmem>> -> memref<1x800xi32, #tpu.memory_space<vmem>>
    %dma_start3A_7 = tpu.memref_squeeze %dma_start3A_6 : memref<1x800xi32, #tpu.memory_space<vmem>> -> memref<800xi32, #tpu.memory_space<vmem>>
    %dma_start3A_8 = arith.constant 0 : i32
    %dma_start3A_9 = arith.constant 0 : i32
    %dma_start3A_10 = tpu.memref_slice %arg3[%dma_start3A_8, %dma_start3A_9] : memref<1000000x64xf32, #tpu.memory_space<hbm>> -> memref<1000000x64xf32, #tpu.memory_space<hbm>>
    tpu.enqueue_indirect_dma source(%dma_start3A_10 : memref<1000000x64xf32, #tpu.memory_space<hbm>>) target(%arg6 : memref<800x64xf32, #tpu.memory_space<vmem>>) offsets(%dma_start3A_7 : memref<800xi32, #tpu.memory_space<vmem>>) semaphore(%arg9 : memref<!tpu.dma_semaphore, #tpu.memory_space<semaphore_mem>>)
    %scan3A = arith.constant 0 : i32
    %scan3A_11 = arith.constant 0 : i32
    %scan3A_12 = arith.constant 16 : i32
    %scan3A_13 = arith.addi %scan3A_11, %scan3A_12 : i32
    %scan3A_14 = arith.constant 1 : i32
    scf.for %scan3A_16 = %scan3A_11 to %scan3A_13 step %scan3A_14  : i32 {
      %mul3A_17 = arith.constant 2 : i32
      %mul3A_18 = arith.muli %mul3A_17, %scan3A_16 : i32
      %add3A_19 = arith.constant 1 : i32
      %add3A_20 = arith.addi %mul3A_18, %add3A_19 : i32
      %dma_start3A_21 = arith.constant 0 : i32
      %dma_start3A_22 = tpu.memref_slice %arg5[%add3A_20, %dma_start3A_21] : memref<32x800xi32, #tpu.memory_space<vmem>> -> memref<1x800xi32, #tpu.memory_space<vmem>>
      %dma_start3A_23 = tpu.memref_squeeze %dma_start3A_22 : memref<1x800xi32, #tpu.memory_space<vmem>> -> memref<800xi32, #tpu.memory_space<vmem>>
      %dma_start3A_24 = arith.constant 0 : i32
      %dma_start3A_25 = arith.constant 0 : i32
      %dma_start3A_26 = tpu.memref_slice %arg3[%dma_start3A_24, %dma_start3A_25] : memref<1000000x64xf32, #tpu.memory_space<hbm>> -> memref<1000000x64xf32, #tpu.memory_space<hbm>>
      tpu.enqueue_indirect_dma source(%dma_start3A_26 : memref<1000000x64xf32, #tpu.memory_space<hbm>>) target(%arg7 : memref<800x64xf32, #tpu.memory_space<vmem>>) offsets(%dma_start3A_23 : memref<800xi32, #tpu.memory_space<vmem>>) semaphore(%arg10 : memref<!tpu.dma_semaphore, #tpu.memory_space<semaphore_mem>>)
      %dma_wait3A = arith.constant 0 : i32
      %dma_wait3A_27 = tpu.memref_slice %arg5[%mul3A_18, %dma_wait3A] : memref<32x800xi32, #tpu.memory_space<vmem>> -> memref<1x800xi32, #tpu.memory_space<vmem>>
      %dma_wait3A_28 = tpu.memref_squeeze %dma_wait3A_27 : memref<1x800xi32, #tpu.memory_space<vmem>> -> memref<800xi32, #tpu.memory_space<vmem>>
      %dma_wait3A_29 = arith.constant 0 : i32
      %dma_wait3A_30 = arith.constant 0 : i32
      %dma_wait3A_31 = tpu.memref_slice %arg3[%dma_wait3A_29, %dma_wait3A_30] : memref<1000000x64xf32, #tpu.memory_space<hbm>> -> memref<1000000x64xf32, #tpu.memory_space<hbm>>
      tpu.wait_indirect_dma semaphore(%arg9 : memref<!tpu.dma_semaphore, #tpu.memory_space<semaphore_mem>>) src(%dma_wait3A_31 : memref<1000000x64xf32, #tpu.memory_space<hbm>>) dst(%arg6 : memref<800x64xf32, #tpu.memory_space<vmem>>)
      %mul3A_32 = arith.constant 16 : i32
      %mul3A_33 = arith.muli %mul3A_18, %mul3A_32 : i32
      %add3A_34 = arith.addi %mul3A_2, %mul3A_33 : i32
      %scan3A_35 = arith.constant 0 : i32
      %scan3A_36 = arith.constant 0 : i32
      %scan3A_37 = arith.constant 16 : i32
      %scan3A_38 = arith.addi %scan3A_36, %scan3A_37 : i32
      %scan3A_39 = arith.constant 1 : i32
      scf.for %scan3A_64 = %scan3A_36 to %scan3A_38 step %scan3A_39  : i32 {
        %mul3A_65 = arith.constant 50 : i32
        %mul3A_66 = arith.muli %scan3A_64, %mul3A_65 : i32
        %get3A = arith.index_cast %mul3A_66 : i32 to index
        %get3A_67 = arith.constant 0 : index
        %get3A_68 = tpu.vector_load %arg6[%get3A, %get3A_67] {strides = array<i32>} : memref<800x64xf32, #tpu.memory_space<vmem>>, vector<1x16xf32>,
        %get3A_69 = vector.shape_cast %get3A_68 : vector<1x16xf32> to vector<16xf32>
        %get3A_70 = arith.index_cast %mul3A_66 : i32 to index
        %get3A_71 = arith.constant 16 : index
        %get3A_72 = tpu.vector_load %arg6[%get3A_70, %get3A_71] {strides = array<i32>} : memref<800x64xf32, #tpu.memory_space<vmem>>, vector<1x16xf32>,
        %get3A_73 = vector.shape_cast %get3A_72 : vector<1x16xf32> to vector<16xf32>
        %get3A_74 = arith.index_cast %mul3A_66 : i32 to index
        %get3A_75 = arith.constant 32 : index
        %get3A_76 = tpu.vector_load %arg6[%get3A_74, %get3A_75] {strides = array<i32>} : memref<800x64xf32, #tpu.memory_space<vmem>>, vector<1x16xf32>,
        %get3A_77 = vector.shape_cast %get3A_76 : vector<1x16xf32> to vector<16xf32>
        %get3A_78 = arith.index_cast %mul3A_66 : i32 to index
        %get3A_79 = arith.constant 48 : index
        %get3A_80 = tpu.vector_load %arg6[%get3A_78, %get3A_79] {strides = array<i32>} : memref<800x64xf32, #tpu.memory_space<vmem>>, vector<1x16xf32>,
        %get3A_81 = vector.shape_cast %get3A_80 : vector<1x16xf32> to vector<16xf32>
        %add3A_82 = arith.constant 1 : i32
        %add3A_83 = arith.addi %mul3A_66, %add3A_82 : i32
        %get3A_84 = arith.index_cast %add3A_83 : i32 to index
        %get3A_85 = arith.constant 0 : index
        %get3A_86 = tpu.vector_load %arg6[%get3A_84, %get3A_85] {strides = array<i32>} : memref<800x64xf32, #tpu.memory_space<vmem>>, vector<1x16xf32>,
        %get3A_87 = vector.shape_cast %get3A_86 : vector<1x16xf32> to vector<16xf32>
        %add3A_88 = arith.addf %get3A_69, %get3A_87 : vector<16xf32>
        %add3A_89 = arith.constant 1 : i32
        %add3A_90 = arith.addi %mul3A_66, %add3A_89 : i32
        %get3A_91 = arith.index_cast %add3A_90 : i32 to index
        %get3A_92 = arith.constant 16 : index
        %get3A_93 = tpu.vector_load %arg6[%get3A_91, %get3A_92] {strides = array<i32>} : memref<800x64xf32, #tpu.memory_space<vmem>>, vector<1x16xf32>,
        %get3A_94 = vector.shape_cast %get3A_93 : vector<1x16xf32> to vector<16xf32>
        %add3A_95 = arith.addf %get3A_73, %get3A_94 : vector<16xf32>
        %add3A_96 = arith.constant 1 : i32
        %add3A_97 = arith.addi %mul3A_66, %add3A_96 : i32
        %get3A_98 = arith.index_cast %add3A_97 : i32 to index
        %get3A_99 = arith.constant 32 : index
        %get3A_100 = tpu.vector_load %arg6[%get3A_98, %get3A_99] {strides = array<i32>} : memref<800x64xf32, #tpu.memory_space<vmem>>, vector<1x16xf32>,
        %get3A_101 = vector.shape_cast %get3A_100 : vector<1x16xf32> to vector<16xf32>
        %add3A_102 = arith.addf %get3A_77, %get3A_101 : vector<16xf32>
        %add3A_103 = arith.constant 1 : i32
        %add3A_104 = arith.addi %mul3A_66, %add3A_103 : i32
        %get3A_105 = arith.index_cast %add3A_104 : i32 to index
        %get3A_106 = arith.constant 48 : index
        %get3A_107 = tpu.vector_load %arg6[%get3A_105, %get3A_106] {strides = array<i32>} : memref<800x64xf32, #tpu.memory_space<vmem>>, vector<1x16xf32>,
        %get3A_108 = vector.shape_cast %get3A_107 : vector<1x16xf32> to vector<16xf32>
        %add3A_109 = arith.addf %get3A_81, %get3A_108 : vector<16xf32>
        %add3A_110 = arith.constant 2 : i32
        %add3A_111 = arith.addi %mul3A_66, %add3A_110 : i32
        %get3A_112 = arith.index_cast %add3A_111 : i32 to index
        %get3A_113 = arith.constant 0 : index
        %get3A_114 = tpu.vector_load %arg6[%get3A_112, %get3A_113] {strides = array<i32>} : memref<800x64xf32, #tpu.memory_space<vmem>>, vector<1x16xf32>,
        %get3A_115 = vector.shape_cast %get3A_114 : vector<1x16xf32> to vector<16xf32>
        %add3A_116 = arith.addf %add3A_88, %get3A_115 : vector<16xf32>
        %add3A_117 = arith.constant 2 : i32
        %add3A_118 = arith.addi %mul3A_66, %add3A_117 : i32
        %get3A_119 = arith.index_cast %add3A_118 : i32 to index
        %get3A_120 = arith.constant 16 : index
        %get3A_121 = tpu.vector_load %arg6[%get3A_119, %get3A_120] {strides = array<i32>} : memref<800x64xf32, #tpu.memory_space<vmem>>, vector<1x16xf32>,
        %get3A_122 = vector.shape_cast %get3A_121 : vector<1x16xf32> to vector<16xf32>
        %add3A_123 = arith.addf %add3A_95, %get3A_122 : vector<16xf32>
        %add3A_124 = arith.constant 2 : i32
        %add3A_125 = arith.addi %mul3A_66, %add3A_124 : i32
        %get3A_126 = arith.index_cast %add3A_125 : i32 to index
        %get3A_127 = arith.constant 32 : index
        %get3A_128 = tpu.vector_load %arg6[%get3A_126, %get3A_127] {strides = array<i32>} : memref<800x64xf32, #tpu.memory_space<vmem>>, vector<1x16xf32>,
        %get3A_129 = vector.shape_cast %get3A_128 : vector<1x16xf32> to vector<16xf32>
        %add3A_130 = arith.addf %add3A_102, %get3A_129 : vector<16xf32>
        %add3A_131 = arith.constant 2 : i32
        %add3A_132 = arith.addi %mul3A_66, %add3A_131 : i32
        %get3A_133 = arith.index_cast %add3A_132 : i32 to index
        %get3A_134 = arith.constant 48 : index
        %get3A_135 = tpu.vector_load %arg6[%get3A_133, %get3A_134] {strides = array<i32>} : memref<800x64xf32, #tpu.memory_space<vmem>>, vector<1x16xf32>,
        %get3A_136 = vector.shape_cast %get3A_135 : vector<1x16xf32> to vector<16xf32>
        %add3A_137 = arith.addf %add3A_109, %get3A_136 : vector<16xf32>
        %add3A_138 = arith.constant 3 : i32
        %add3A_139 = arith.addi %mul3A_66, %add3A_138 : i32
        %get3A_140 = arith.index_cast %add3A_139 : i32 to index
        %get3A_141 = arith.constant 0 : index
        %get3A_142 = tpu.vector_load %arg6[%get3A_140, %get3A_141] {strides = array<i32>} : memref<800x64xf32, #tpu.memory_space<vmem>>, vector<1x16xf32>,
        %get3A_143 = vector.shape_cast %get3A_142 : vector<1x16xf32> to vector<16xf32>
        %add3A_144 = arith.addf %add3A_116, %get3A_143 : vector<16xf32>
        %add3A_145 = arith.constant 3 : i32
        %add3A_146 = arith.addi %mul3A_66, %add3A_145 : i32
        %get3A_147 = arith.index_cast %add3A_146 : i32 to index
        %get3A_148 = arith.constant 16 : index
        %get3A_149 = tpu.vector_load %arg6[%get3A_147, %get3A_148] {strides = array<i32>} : memref<800x64xf32, #tpu.memory_space<vmem>>, vector<1x16xf32>,
        %get3A_150 = vector.shape_cast %get3A_149 : vector<1x16xf32> to vector<16xf32>
        %add3A_151 = arith.addf %add3A_123, %get3A_150 : vector<16xf32>
        %add3A_152 = arith.constant 3 : i32
        %add3A_153 = arith.addi %mul3A_66, %add3A_152 : i32
        %get3A_154 = arith.index_cast %add3A_153 : i32 to index
        %get3A_155 = arith.constant 32 : index
        %get3A_156 = tpu.vector_load %arg6[%get3A_154, %get3A_155] {strides = array<i32>} : memref<800x64xf32, #tpu.memory_space<vmem>>, vector<1x16xf32>,
        %get3A_157 = vector.shape_cast %get3A_156 : vector<1x16xf32> to vector<16xf32>
        %add3A_158 = arith.addf %add3A_130, %get3A_157 : vector<16xf32>
        %add3A_159 = arith.constant 3 : i32
        %add3A_160 = arith.addi %mul3A_66, %add3A_159 : i32
        %get3A_161 = arith.index_cast %add3A_160 : i32 to index
        %get3A_162 = arith.constant 48 : index
        %get3A_163 = tpu.vector_load %arg6[%get3A_161, %get3A_162] {strides = array<i32>} : memref<800x64xf32, #tpu.memory_space<vmem>>, vector<1x16xf32>,
        %get3A_164 = vector.shape_cast %get3A_163 : vector<1x16xf32> to vector<16xf32>
        %add3A_165 = arith.addf %add3A_137, %get3A_164 : vector<16xf32>
        %add3A_166 = arith.constant 4 : i32
        %add3A_167 = arith.addi %mul3A_66, %add3A_166 : i32
        %get3A_168 = arith.index_cast %add3A_167 : i32 to index
        %get3A_169 = arith.constant 0 : index
        %get3A_170 = tpu.vector_load %arg6[%get3A_168, %get3A_169] {strides = array<i32>} : memref<800x64xf32, #tpu.memory_space<vmem>>, vector<1x16xf32>,
        %get3A_171 = vector.shape_cast %get3A_170 : vector<1x16xf32> to vector<16xf32>
        %add3A_172 = arith.addf %add3A_144, %get3A_171 : vector<16xf32>
        %add3A_173 = arith.constant 4 : i32
        %add3A_174 = arith.addi %mul3A_66, %add3A_173 : i32
        %get3A_175 = arith.index_cast %add3A_174 : i32 to index
        %get3A_176 = arith.constant 16 : index
        %get3A_177 = tpu.vector_load %arg6[%get3A_175, %get3A_176] {strides = array<i32>} : memref<800x64xf32, #tpu.memory_space<vmem>>, vector<1x16xf32>,
        %get3A_178 = vector.shape_cast %get3A_177 : vector<1x16xf32> to vector<16xf32>
        %add3A_179 = arith.addf %add3A_151, %get3A_178 : vector<16xf32>
        %add3A_180 = arith.constant 4 : i32
        %add3A_181 = arith.addi %mul3A_66, %add3A_180 : i32
        %get3A_182 = arith.index_cast %add3A_181 : i32 to index
        %get3A_183 = arith.constant 32 : index
        %get3A_184 = tpu.vector_load %arg6[%get3A_182, %get3A_183] {strides = array<i32>} : memref<800x64xf32, #tpu.memory_space<vmem>>, vector<1x16xf32>,
        %get3A_185 = vector.shape_cast %get3A_184 : vector<1x16xf32> to vector<16xf32>
        %add3A_186 = arith.addf %add3A_158, %get3A_185 : vector<16xf32>
        %add3A_187 = arith.constant 4 : i32
        %add3A_188 = arith.addi %mul3A_66, %add3A_187 : i32
        %get3A_189 = arith.index_cast %add3A_188 : i32 to index
        %get3A_190 = arith.constant 48 : index
        %get3A_191 = tpu.vector_load %arg6[%get3A_189, %get3A_190] {strides = array<i32>} : memref<800x64xf32, #tpu.memory_space<vmem>>, vector<1x16xf32>,
        %get3A_192 = vector.shape_cast %get3A_191 : vector<1x16xf32> to vector<16xf32>
        %add3A_193 = arith.addf %add3A_165, %get3A_192 : vector<16xf32>
        %add3A_194 = arith.constant 5 : i32
        %add3A_195 = arith.addi %mul3A_66, %add3A_194 : i32
        %get3A_196 = arith.index_cast %add3A_195 : i32 to index
        %get3A_197 = arith.constant 0 : index
        %get3A_198 = tpu.vector_load %arg6[%get3A_196, %get3A_197] {strides = array<i32>} : memref<800x64xf32, #tpu.memory_space<vmem>>, vector<1x16xf32>,
        %get3A_199 = vector.shape_cast %get3A_198 : vector<1x16xf32> to vector<16xf32>
        %add3A_200 = arith.addf %add3A_172, %get3A_199 : vector<16xf32>
        %add3A_201 = arith.constant 5 : i32
        %add3A_202 = arith.addi %mul3A_66, %add3A_201 : i32
        %get3A_203 = arith.index_cast %add3A_202 : i32 to index
        %get3A_204 = arith.constant 16 : index
        %get3A_205 = tpu.vector_load %arg6[%get3A_203, %get3A_204] {strides = array<i32>} : memref<800x64xf32, #tpu.memory_space<vmem>>, vector<1x16xf32>,
        %get3A_206 = vector.shape_cast %get3A_205 : vector<1x16xf32> to vector<16xf32>
        %add3A_207 = arith.addf %add3A_179, %get3A_206 : vector<16xf32>
        %add3A_208 = arith.constant 5 : i32
        %add3A_209 = arith.addi %mul3A_66, %add3A_208 : i32
        %get3A_210 = arith.index_cast %add3A_209 : i32 to index
        %get3A_211 = arith.constant 32 : index
        %get3A_212 = tpu.vector_load %arg6[%get3A_210, %get3A_211] {strides = array<i32>} : memref<800x64xf32, #tpu.memory_space<vmem>>, vector<1x16xf32>,
        %get3A_213 = vector.shape_cast %get3A_212 : vector<1x16xf32> to vector<16xf32>
        %add3A_214 = arith.addf %add3A_186, %get3A_213 : vector<16xf32>
        %add3A_215 = arith.constant 5 : i32
        %add3A_216 = arith.addi %mul3A_66, %add3A_215 : i32
        %get3A_217 = arith.index_cast %add3A_216 : i32 to index
        %get3A_218 = arith.constant 48 : index
        %get3A_219 = tpu.vector_load %arg6[%get3A_217, %get3A_218] {strides = array<i32>} : memref<800x64xf32, #tpu.memory_space<vmem>>, vector<1x16xf32>,
        %get3A_220 = vector.shape_cast %get3A_219 : vector<1x16xf32> to vector<16xf32>
        %add3A_221 = arith.addf %add3A_193, %get3A_220 : vector<16xf32>
        %add3A_222 = arith.constant 6 : i32
        %add3A_223 = arith.addi %mul3A_66, %add3A_222 : i32
        %get3A_224 = arith.index_cast %add3A_223 : i32 to index
        %get3A_225 = arith.constant 0 : index
        %get3A_226 = tpu.vector_load %arg6[%get3A_224, %get3A_225] {strides = array<i32>} : memref<800x64xf32, #tpu.memory_space<vmem>>, vector<1x16xf32>,
        %get3A_227 = vector.shape_cast %get3A_226 : vector<1x16xf32> to vector<16xf32>
        %add3A_228 = arith.addf %add3A_200, %get3A_227 : vector<16xf32>
        %add3A_229 = arith.constant 6 : i32
        %add3A_230 = arith.addi %mul3A_66, %add3A_229 : i32
        %get3A_231 = arith.index_cast %add3A_230 : i32 to index
        %get3A_232 = arith.constant 16 : index
        %get3A_233 = tpu.vector_load %arg6[%get3A_231, %get3A_232] {strides = array<i32>} : memref<800x64xf32, #tpu.memory_space<vmem>>, vector<1x16xf32>,
        %get3A_234 = vector.shape_cast %get3A_233 : vector<1x16xf32> to vector<16xf32>
        %add3A_235 = arith.addf %add3A_207, %get3A_234 : vector<16xf32>
        %add3A_236 = arith.constant 6 : i32
        %add3A_237 = arith.addi %mul3A_66, %add3A_236 : i32
        %get3A_238 = arith.index_cast %add3A_237 : i32 to index
        %get3A_239 = arith.constant 32 : index
        %get3A_240 = tpu.vector_load %arg6[%get3A_238, %get3A_239] {strides = array<i32>} : memref<800x64xf32, #tpu.memory_space<vmem>>, vector<1x16xf32>,
        %get3A_241 = vector.shape_cast %get3A_240 : vector<1x16xf32> to vector<16xf32>
        %add3A_242 = arith.addf %add3A_214, %get3A_241 : vector<16xf32>
        %add3A_243 = arith.constant 6 : i32
        %add3A_244 = arith.addi %mul3A_66, %add3A_243 : i32
        %get3A_245 = arith.index_cast %add3A_244 : i32 to index
        %get3A_246 = arith.constant 48 : index
        %get3A_247 = tpu.vector_load %arg6[%get3A_245, %get3A_246] {strides = array<i32>} : memref<800x64xf32, #tpu.memory_space<vmem>>, vector<1x16xf32>,
        %get3A_248 = vector.shape_cast %get3A_247 : vector<1x16xf32> to vector<16xf32>
        %add3A_249 = arith.addf %add3A_221, %get3A_248 : vector<16xf32>
        %add3A_250 = arith.constant 7 : i32
        %add3A_251 = arith.addi %mul3A_66, %add3A_250 : i32
        %get3A_252 = arith.index_cast %add3A_251 : i32 to index
        %get3A_253 = arith.constant 0 : index
        %get3A_254 = tpu.vector_load %arg6[%get3A_252, %get3A_253] {strides = array<i32>} : memref<800x64xf32, #tpu.memory_space<vmem>>, vector<1x16xf32>,
        %get3A_255 = vector.shape_cast %get3A_254 : vector<1x16xf32> to vector<16xf32>
        %add3A_256 = arith.addf %add3A_228, %get3A_255 : vector<16xf32>
        %add3A_257 = arith.constant 7 : i32
        %add3A_258 = arith.addi %mul3A_66, %add3A_257 : i32
        %get3A_259 = arith.index_cast %add3A_258 : i32 to index
        %get3A_260 = arith.constant 16 : index
        %get3A_261 = tpu.vector_load %arg6[%get3A_259, %get3A_260] {strides = array<i32>} : memref<800x64xf32, #tpu.memory_space<vmem>>, vector<1x16xf32>,
        %get3A_262 = vector.shape_cast %get3A_261 : vector<1x16xf32> to vector<16xf32>
        %add3A_263 = arith.addf %add3A_235, %get3A_262 : vector<16xf32>
        %add3A_264 = arith.constant 7 : i32
        %add3A_265 = arith.addi %mul3A_66, %add3A_264 : i32
        %get3A_266 = arith.index_cast %add3A_265 : i32 to index
        %get3A_267 = arith.constant 32 : index
        %get3A_268 = tpu.vector_load %arg6[%get3A_266, %get3A_267] {strides = array<i32>} : memref<800x64xf32, #tpu.memory_space<vmem>>, vector<1x16xf32>,
        %get3A_269 = vector.shape_cast %get3A_268 : vector<1x16xf32> to vector<16xf32>
        %add3A_270 = arith.addf %add3A_242, %get3A_269 : vector<16xf32>
        %add3A_271 = arith.constant 7 : i32
        %add3A_272 = arith.addi %mul3A_66, %add3A_271 : i32
        %get3A_273 = arith.index_cast %add3A_272 : i32 to index
        %get3A_274 = arith.constant 48 : index
        %get3A_275 = tpu.vector_load %arg6[%get3A_273, %get3A_274] {strides = array<i32>} : memref<800x64xf32, #tpu.memory_space<vmem>>, vector<1x16xf32>,
        %get3A_276 = vector.shape_cast %get3A_275 : vector<1x16xf32> to vector<16xf32>
        %add3A_277 = arith.addf %add3A_249, %get3A_276 : vector<16xf32>
        %add3A_278 = arith.constant 8 : i32
        %add3A_279 = arith.addi %mul3A_66, %add3A_278 : i32
        %get3A_280 = arith.index_cast %add3A_279 : i32 to index
        %get3A_281 = arith.constant 0 : index
        %get3A_282 = tpu.vector_load %arg6[%get3A_280, %get3A_281] {strides = array<i32>} : memref<800x64xf32, #tpu.memory_space<vmem>>, vector<1x16xf32>,
        %get3A_283 = vector.shape_cast %get3A_282 : vector<1x16xf32> to vector<16xf32>
        %add3A_284 = arith.addf %add3A_256, %get3A_283 : vector<16xf32>
        %add3A_285 = arith.constant 8 : i32
        %add3A_286 = arith.addi %mul3A_66, %add3A_285 : i32
        %get3A_287 = arith.index_cast %add3A_286 : i32 to index
        %get3A_288 = arith.constant 16 : index
        %get3A_289 = tpu.vector_load %arg6[%get3A_287, %get3A_288] {strides = array<i32>} : memref<800x64xf32, #tpu.memory_space<vmem>>, vector<1x16xf32>,
        %get3A_290 = vector.shape_cast %get3A_289 : vector<1x16xf32> to vector<16xf32>
        %add3A_291 = arith.addf %add3A_263, %get3A_290 : vector<16xf32>
        %add3A_292 = arith.constant 8 : i32
        %add3A_293 = arith.addi %mul3A_66, %add3A_292 : i32
        %get3A_294 = arith.index_cast %add3A_293 : i32 to index
        %get3A_295 = arith.constant 32 : index
        %get3A_296 = tpu.vector_load %arg6[%get3A_294, %get3A_295] {strides = array<i32>} : memref<800x64xf32, #tpu.memory_space<vmem>>, vector<1x16xf32>,
        %get3A_297 = vector.shape_cast %get3A_296 : vector<1x16xf32> to vector<16xf32>
        %add3A_298 = arith.addf %add3A_270, %get3A_297 : vector<16xf32>
        %add3A_299 = arith.constant 8 : i32
        %add3A_300 = arith.addi %mul3A_66, %add3A_299 : i32
        %get3A_301 = arith.index_cast %add3A_300 : i32 to index
        %get3A_302 = arith.constant 48 : index
        %get3A_303 = tpu.vector_load %arg6[%get3A_301, %get3A_302] {strides = array<i32>} : memref<800x64xf32, #tpu.memory_space<vmem>>, vector<1x16xf32>,
        %get3A_304 = vector.shape_cast %get3A_303 : vector<1x16xf32> to vector<16xf32>
        %add3A_305 = arith.addf %add3A_277, %get3A_304 : vector<16xf32>
        %add3A_306 = arith.constant 9 : i32
        %add3A_307 = arith.addi %mul3A_66, %add3A_306 : i32
        %get3A_308 = arith.index_cast %add3A_307 : i32 to index
        %get3A_309 = arith.constant 0 : index
        %get3A_310 = tpu.vector_load %arg6[%get3A_308, %get3A_309] {strides = array<i32>} : memref<800x64xf32, #tpu.memory_space<vmem>>, vector<1x16xf32>,
        %get3A_311 = vector.shape_cast %get3A_310 : vector<1x16xf32> to vector<16xf32>
        %add3A_312 = arith.addf %add3A_284, %get3A_311 : vector<16xf32>
        %add3A_313 = arith.constant 9 : i32
        %add3A_314 = arith.addi %mul3A_66, %add3A_313 : i32
        %get3A_315 = arith.index_cast %add3A_314 : i32 to index
        %get3A_316 = arith.constant 16 : index
        %get3A_317 = tpu.vector_load %arg6[%get3A_315, %get3A_316] {strides = array<i32>} : memref<800x64xf32, #tpu.memory_space<vmem>>, vector<1x16xf32>,
        %get3A_318 = vector.shape_cast %get3A_317 : vector<1x16xf32> to vector<16xf32>
        %add3A_319 = arith.addf %add3A_291, %get3A_318 : vector<16xf32>
        %add3A_320 = arith.constant 9 : i32
        %add3A_321 = arith.addi %mul3A_66, %add3A_320 : i32
        %get3A_322 = arith.index_cast %add3A_321 : i32 to index
        %get3A_323 = arith.constant 32 : index
        %get3A_324 = tpu.vector_load %arg6[%get3A_322, %get3A_323] {strides = array<i32>} : memref<800x64xf32, #tpu.memory_space<vmem>>, vector<1x16xf32>,
        %get3A_325 = vector.shape_cast %get3A_324 : vector<1x16xf32> to vector<16xf32>
        %add3A_326 = arith.addf %add3A_298, %get3A_325 : vector<16xf32>
        %add3A_327 = arith.constant 9 : i32
        %add3A_328 = arith.addi %mul3A_66, %add3A_327 : i32
        %get3A_329 = arith.index_cast %add3A_328 : i32 to index
        %get3A_330 = arith.constant 48 : index
        %get3A_331 = tpu.vector_load %arg6[%get3A_329, %get3A_330] {strides = array<i32>} : memref<800x64xf32, #tpu.memory_space<vmem>>, vector<1x16xf32>,
        %get3A_332 = vector.shape_cast %get3A_331 : vector<1x16xf32> to vector<16xf32>
        %add3A_333 = arith.addf %add3A_305, %get3A_332 : vector<16xf32>
        %add3A_334 = arith.constant 10 : i32
        %add3A_335 = arith.addi %mul3A_66, %add3A_334 : i32
        %get3A_336 = arith.index_cast %add3A_335 : i32 to index
        %get3A_337 = arith.constant 0 : index
        %get3A_338 = tpu.vector_load %arg6[%get3A_336, %get3A_337] {strides = array<i32>} : memref<800x64xf32, #tpu.memory_space<vmem>>, vector<1x16xf32>,
        %get3A_339 = vector.shape_cast %get3A_338 : vector<1x16xf32> to vector<16xf32>
        %add3A_340 = arith.addf %add3A_312, %get3A_339 : vector<16xf32>
        %add3A_341 = arith.constant 10 : i32
        %add3A_342 = arith.addi %mul3A_66, %add3A_341 : i32
        %get3A_343 = arith.index_cast %add3A_342 : i32 to index
        %get3A_344 = arith.constant 16 : index
        %get3A_345 = tpu.vector_load %arg6[%get3A_343, %get3A_344] {strides = array<i32>} : memref<800x64xf32, #tpu.memory_space<vmem>>, vector<1x16xf32>,
        %get3A_346 = vector.shape_cast %get3A_345 : vector<1x16xf32> to vector<16xf32>
        %add3A_347 = arith.addf %add3A_319, %get3A_346 : vector<16xf32>
        %add3A_348 = arith.constant 10 : i32
        %add3A_349 = arith.addi %mul3A_66, %add3A_348 : i32
        %get3A_350 = arith.index_cast %add3A_349 : i32 to index
        %get3A_351 = arith.constant 32 : index
        %get3A_352 = tpu.vector_load %arg6[%get3A_350, %get3A_351] {strides = array<i32>} : memref<800x64xf32, #tpu.memory_space<vmem>>, vector<1x16xf32>,
        %get3A_353 = vector.shape_cast %get3A_352 : vector<1x16xf32> to vector<16xf32>
        %add3A_354 = arith.addf %add3A_326, %get3A_353 : vector<16xf32>
        %add3A_355 = arith.constant 10 : i32
        %add3A_356 = arith.addi %mul3A_66, %add3A_355 : i32
        %get3A_357 = arith.index_cast %add3A_356 : i32 to index
        %get3A_358 = arith.constant 48 : index
        %get3A_359 = tpu.vector_load %arg6[%get3A_357, %get3A_358] {strides = array<i32>} : memref<800x64xf32, #tpu.memory_space<vmem>>, vector<1x16xf32>,
        %get3A_360 = vector.shape_cast %get3A_359 : vector<1x16xf32> to vector<16xf32>
        %add3A_361 = arith.addf %add3A_333, %get3A_360 : vector<16xf32>
        %add3A_362 = arith.constant 11 : i32
        %add3A_363 = arith.addi %mul3A_66, %add3A_362 : i32
        %get3A_364 = arith.index_cast %add3A_363 : i32 to index
        %get3A_365 = arith.constant 0 : index
        %get3A_366 = tpu.vector_load %arg6[%get3A_364, %get3A_365] {strides = array<i32>} : memref<800x64xf32, #tpu.memory_space<vmem>>, vector<1x16xf32>,
        %get3A_367 = vector.shape_cast %get3A_366 : vector<1x16xf32> to vector<16xf32>
        %add3A_368 = arith.addf %add3A_340, %get3A_367 : vector<16xf32>
        %add3A_369 = arith.constant 11 : i32
        %add3A_370 = arith.addi %mul3A_66, %add3A_369 : i32
        %get3A_371 = arith.index_cast %add3A_370 : i32 to index
        %get3A_372 = arith.constant 16 : index
        %get3A_373 = tpu.vector_load %arg6[%get3A_371, %get3A_372] {strides = array<i32>} : memref<800x64xf32, #tpu.memory_space<vmem>>, vector<1x16xf32>,
        %get3A_374 = vector.shape_cast %get3A_373 : vector<1x16xf32> to vector<16xf32>
        %add3A_375 = arith.addf %add3A_347, %get3A_374 : vector<16xf32>
        %add3A_376 = arith.constant 11 : i32
        %add3A_377 = arith.addi %mul3A_66, %add3A_376 : i32
        %get3A_378 = arith.index_cast %add3A_377 : i32 to index
        %get3A_379 = arith.constant 32 : index
        %get3A_380 = tpu.vector_load %arg6[%get3A_378, %get3A_379] {strides = array<i32>} : memref<800x64xf32, #tpu.memory_space<vmem>>, vector<1x16xf32>,
        %get3A_381 = vector.shape_cast %get3A_380 : vector<1x16xf32> to vector<16xf32>
        %add3A_382 = arith.addf %add3A_354, %get3A_381 : vector<16xf32>
        %add3A_383 = arith.constant 11 : i32
        %add3A_384 = arith.addi %mul3A_66, %add3A_383 : i32
        %get3A_385 = arith.index_cast %add3A_384 : i32 to index
        %get3A_386 = arith.constant 48 : index
        %get3A_387 = tpu.vector_load %arg6[%get3A_385, %get3A_386] {strides = array<i32>} : memref<800x64xf32, #tpu.memory_space<vmem>>, vector<1x16xf32>,
        %get3A_388 = vector.shape_cast %get3A_387 : vector<1x16xf32> to vector<16xf32>
        %add3A_389 = arith.addf %add3A_361, %get3A_388 : vector<16xf32>
        %add3A_390 = arith.constant 12 : i32
        %add3A_391 = arith.addi %mul3A_66, %add3A_390 : i32
        %get3A_392 = arith.index_cast %add3A_391 : i32 to index
        %get3A_393 = arith.constant 0 : index
        %get3A_394 = tpu.vector_load %arg6[%get3A_392, %get3A_393] {strides = array<i32>} : memref<800x64xf32, #tpu.memory_space<vmem>>, vector<1x16xf32>,
        %get3A_395 = vector.shape_cast %get3A_394 : vector<1x16xf32> to vector<16xf32>
        %add3A_396 = arith.addf %add3A_368, %get3A_395 : vector<16xf32>
        %add3A_397 = arith.constant 12 : i32
        %add3A_398 = arith.addi %mul3A_66, %add3A_397 : i32
        %get3A_399 = arith.index_cast %add3A_398 : i32 to index
        %get3A_400 = arith.constant 16 : index
        %get3A_401 = tpu.vector_load %arg6[%get3A_399, %get3A_400] {strides = array<i32>} : memref<800x64xf32, #tpu.memory_space<vmem>>, vector<1x16xf32>,
        %get3A_402 = vector.shape_cast %get3A_401 : vector<1x16xf32> to vector<16xf32>
        %add3A_403 = arith.addf %add3A_375, %get3A_402 : vector<16xf32>
        %add3A_404 = arith.constant 12 : i32
        %add3A_405 = arith.addi %mul3A_66, %add3A_404 : i32
        %get3A_406 = arith.index_cast %add3A_405 : i32 to index
        %get3A_407 = arith.constant 32 : index
        %get3A_408 = tpu.vector_load %arg6[%get3A_406, %get3A_407] {strides = array<i32>} : memref<800x64xf32, #tpu.memory_space<vmem>>, vector<1x16xf32>,
        %get3A_409 = vector.shape_cast %get3A_408 : vector<1x16xf32> to vector<16xf32>
        %add3A_410 = arith.addf %add3A_382, %get3A_409 : vector<16xf32>
        %add3A_411 = arith.constant 12 : i32
        %add3A_412 = arith.addi %mul3A_66, %add3A_411 : i32
        %get3A_413 = arith.index_cast %add3A_412 : i32 to index
        %get3A_414 = arith.constant 48 : index
        %get3A_415 = tpu.vector_load %arg6[%get3A_413, %get3A_414] {strides = array<i32>} : memref<800x64xf32, #tpu.memory_space<vmem>>, vector<1x16xf32>,
        %get3A_416 = vector.shape_cast %get3A_415 : vector<1x16xf32> to vector<16xf32>
        %add3A_417 = arith.addf %add3A_389, %get3A_416 : vector<16xf32>
        %add3A_418 = arith.constant 13 : i32
        %add3A_419 = arith.addi %mul3A_66, %add3A_418 : i32
        %get3A_420 = arith.index_cast %add3A_419 : i32 to index
        %get3A_421 = arith.constant 0 : index
        %get3A_422 = tpu.vector_load %arg6[%get3A_420, %get3A_421] {strides = array<i32>} : memref<800x64xf32, #tpu.memory_space<vmem>>, vector<1x16xf32>,
        %get3A_423 = vector.shape_cast %get3A_422 : vector<1x16xf32> to vector<16xf32>
        %add3A_424 = arith.addf %add3A_396, %get3A_423 : vector<16xf32>
        %add3A_425 = arith.constant 13 : i32
        %add3A_426 = arith.addi %mul3A_66, %add3A_425 : i32
        %get3A_427 = arith.index_cast %add3A_426 : i32 to index
        %get3A_428 = arith.constant 16 : index
        %get3A_429 = tpu.vector_load %arg6[%get3A_427, %get3A_428] {strides = array<i32>} : memref<800x64xf32, #tpu.memory_space<vmem>>, vector<1x16xf32>,
        %get3A_430 = vector.shape_cast %get3A_429 : vector<1x16xf32> to vector<16xf32>
        %add3A_431 = arith.addf %add3A_403, %get3A_430 : vector<16xf32>
        %add3A_432 = arith.constant 13 : i32
        %add3A_433 = arith.addi %mul3A_66, %add3A_432 : i32
        %get3A_434 = arith.index_cast %add3A_433 : i32 to index
        %get3A_435 = arith.constant 32 : index
        %get3A_436 = tpu.vector_load %arg6[%get3A_434, %get3A_435] {strides = array<i32>} : memref<800x64xf32, #tpu.memory_space<vmem>>, vector<1x16xf32>,
        %get3A_437 = vector.shape_cast %get3A_436 : vector<1x16xf32> to vector<16xf32>
        %add3A_438 = arith.addf %add3A_410, %get3A_437 : vector<16xf32>
        %add3A_439 = arith.constant 13 : i32
        %add3A_440 = arith.addi %mul3A_66, %add3A_439 : i32
        %get3A_441 = arith.index_cast %add3A_440 : i32 to index
        %get3A_442 = arith.constant 48 : index
        %get3A_443 = tpu.vector_load %arg6[%get3A_441, %get3A_442] {strides = array<i32>} : memref<800x64xf32, #tpu.memory_space<vmem>>, vector<1x16xf32>,
        %get3A_444 = vector.shape_cast %get3A_443 : vector<1x16xf32> to vector<16xf32>
        %add3A_445 = arith.addf %add3A_417, %get3A_444 : vector<16xf32>
        %add3A_446 = arith.constant 14 : i32
        %add3A_447 = arith.addi %mul3A_66, %add3A_446 : i32
        %get3A_448 = arith.index_cast %add3A_447 : i32 to index
        %get3A_449 = arith.constant 0 : index
        %get3A_450 = tpu.vector_load %arg6[%get3A_448, %get3A_449] {strides = array<i32>} : memref<800x64xf32, #tpu.memory_space<vmem>>, vector<1x16xf32>,
        %get3A_451 = vector.shape_cast %get3A_450 : vector<1x16xf32> to vector<16xf32>
        %add3A_452 = arith.addf %add3A_424, %get3A_451 : vector<16xf32>
        %add3A_453 = arith.constant 14 : i32
        %add3A_454 = arith.addi %mul3A_66, %add3A_453 : i32
        %get3A_455 = arith.index_cast %add3A_454 : i32 to index
        %get3A_456 = arith.constant 16 : index
        %get3A_457 = tpu.vector_load %arg6[%get3A_455, %get3A_456] {strides = array<i32>} : memref<800x64xf32, #tpu.memory_space<vmem>>, vector<1x16xf32>,
        %get3A_458 = vector.shape_cast %get3A_457 : vector<1x16xf32> to vector<16xf32>
        %add3A_459 = arith.addf %add3A_431, %get3A_458 : vector<16xf32>
        %add3A_460 = arith.constant 14 : i32
        %add3A_461 = arith.addi %mul3A_66, %add3A_460 : i32
        %get3A_462 = arith.index_cast %add3A_461 : i32 to index
        %get3A_463 = arith.constant 32 : index
        %get3A_464 = tpu.vector_load %arg6[%get3A_462, %get3A_463] {strides = array<i32>} : memref<800x64xf32, #tpu.memory_space<vmem>>, vector<1x16xf32>,
        %get3A_465 = vector.shape_cast %get3A_464 : vector<1x16xf32> to vector<16xf32>
        %add3A_466 = arith.addf %add3A_438, %get3A_465 : vector<16xf32>
        %add3A_467 = arith.constant 14 : i32
        %add3A_468 = arith.addi %mul3A_66, %add3A_467 : i32
        %get3A_469 = arith.index_cast %add3A_468 : i32 to index
        %get3A_470 = arith.constant 48 : index
        %get3A_471 = tpu.vector_load %arg6[%get3A_469, %get3A_470] {strides = array<i32>} : memref<800x64xf32, #tpu.memory_space<vmem>>, vector<1x16xf32>,
        %get3A_472 = vector.shape_cast %get3A_471 : vector<1x16xf32> to vector<16xf32>
        %add3A_473 = arith.addf %add3A_445, %get3A_472 : vector<16xf32>
        %add3A_474 = arith.constant 15 : i32
        %add3A_475 = arith.addi %mul3A_66, %add3A_474 : i32
        %get3A_476 = arith.index_cast %add3A_475 : i32 to index
        %get3A_477 = arith.constant 0 : index
        %get3A_478 = tpu.vector_load %arg6[%get3A_476, %get3A_477] {strides = array<i32>} : memref<800x64xf32, #tpu.memory_space<vmem>>, vector<1x16xf32>,
        %get3A_479 = vector.shape_cast %get3A_478 : vector<1x16xf32> to vector<16xf32>
        %add3A_480 = arith.addf %add3A_452, %get3A_479 : vector<16xf32>
        %add3A_481 = arith.constant 15 : i32
        %add3A_482 = arith.addi %mul3A_66, %add3A_481 : i32
        %get3A_483 = arith.index_cast %add3A_482 : i32 to index
        %get3A_484 = arith.constant 16 : index
        %get3A_485 = tpu.vector_load %arg6[%get3A_483, %get3A_484] {strides = array<i32>} : memref<800x64xf32, #tpu.memory_space<vmem>>, vector<1x16xf32>,
        %get3A_486 = vector.shape_cast %get3A_485 : vector<1x16xf32> to vector<16xf32>
        %add3A_487 = arith.addf %add3A_459, %get3A_486 : vector<16xf32>
        %add3A_488 = arith.constant 15 : i32
        %add3A_489 = arith.addi %mul3A_66, %add3A_488 : i32
        %get3A_490 = arith.index_cast %add3A_489 : i32 to index
        %get3A_491 = arith.constant 32 : index
        %get3A_492 = tpu.vector_load %arg6[%get3A_490, %get3A_491] {strides = array<i32>} : memref<800x64xf32, #tpu.memory_space<vmem>>, vector<1x16xf32>,
        %get3A_493 = vector.shape_cast %get3A_492 : vector<1x16xf32> to vector<16xf32>
        %add3A_494 = arith.addf %add3A_466, %get3A_493 : vector<16xf32>
        %add3A_495 = arith.constant 15 : i32
        %add3A_496 = arith.addi %mul3A_66, %add3A_495 : i32
        %get3A_497 = arith.index_cast %add3A_496 : i32 to index
        %get3A_498 = arith.constant 48 : index
        %get3A_499 = tpu.vector_load %arg6[%get3A_497, %get3A_498] {strides = array<i32>} : memref<800x64xf32, #tpu.memory_space<vmem>>, vector<1x16xf32>,
        %get3A_500 = vector.shape_cast %get3A_499 : vector<1x16xf32> to vector<16xf32>
        %add3A_501 = arith.addf %add3A_473, %get3A_500 : vector<16xf32>
        %add3A_502 = arith.constant 16 : i32
        %add3A_503 = arith.addi %mul3A_66, %add3A_502 : i32
        %get3A_504 = arith.index_cast %add3A_503 : i32 to index
        %get3A_505 = arith.constant 0 : index
        %get3A_506 = tpu.vector_load %arg6[%get3A_504, %get3A_505] {strides = array<i32>} : memref<800x64xf32, #tpu.memory_space<vmem>>, vector<1x16xf32>,
        %get3A_507 = vector.shape_cast %get3A_506 : vector<1x16xf32> to vector<16xf32>
        %add3A_508 = arith.addf %add3A_480, %get3A_507 : vector<16xf32>
        %add3A_509 = arith.constant 16 : i32
        %add3A_510 = arith.addi %mul3A_66, %add3A_509 : i32
        %get3A_511 = arith.index_cast %add3A_510 : i32 to index
        %get3A_512 = arith.constant 16 : index
        %get3A_513 = tpu.vector_load %arg6[%get3A_511, %get3A_512] {strides = array<i32>} : memref<800x64xf32, #tpu.memory_space<vmem>>, vector<1x16xf32>,
        %get3A_514 = vector.shape_cast %get3A_513 : vector<1x16xf32> to vector<16xf32>
        %add3A_515 = arith.addf %add3A_487, %get3A_514 : vector<16xf32>
        %add3A_516 = arith.constant 16 : i32
        %add3A_517 = arith.addi %mul3A_66, %add3A_516 : i32
        %get3A_518 = arith.index_cast %add3A_517 : i32 to index
        %get3A_519 = arith.constant 32 : index
        %get3A_520 = tpu.vector_load %arg6[%get3A_518, %get3A_519] {strides = array<i32>} : memref<800x64xf32, #tpu.memory_space<vmem>>, vector<1x16xf32>,
        %get3A_521 = vector.shape_cast %get3A_520 : vector<1x16xf32> to vector<16xf32>
        %add3A_522 = arith.addf %add3A_494, %get3A_521 : vector<16xf32>
        %add3A_523 = arith.constant 16 : i32
        %add3A_524 = arith.addi %mul3A_66, %add3A_523 : i32
        %get3A_525 = arith.index_cast %add3A_524 : i32 to index
        %get3A_526 = arith.constant 48 : index
        %get3A_527 = tpu.vector_load %arg6[%get3A_525, %get3A_526] {strides = array<i32>} : memref<800x64xf32, #tpu.memory_space<vmem>>, vector<1x16xf32>,
        %get3A_528 = vector.shape_cast %get3A_527 : vector<1x16xf32> to vector<16xf32>
        %add3A_529 = arith.addf %add3A_501, %get3A_528 : vector<16xf32>
        %add3A_530 = arith.constant 17 : i32
        %add3A_531 = arith.addi %mul3A_66, %add3A_530 : i32
        %get3A_532 = arith.index_cast %add3A_531 : i32 to index
        %get3A_533 = arith.constant 0 : index
        %get3A_534 = tpu.vector_load %arg6[%get3A_532, %get3A_533] {strides = array<i32>} : memref<800x64xf32, #tpu.memory_space<vmem>>, vector<1x16xf32>,
        %get3A_535 = vector.shape_cast %get3A_534 : vector<1x16xf32> to vector<16xf32>
        %add3A_536 = arith.addf %add3A_508, %get3A_535 : vector<16xf32>
        %add3A_537 = arith.constant 17 : i32
        %add3A_538 = arith.addi %mul3A_66, %add3A_537 : i32
        %get3A_539 = arith.index_cast %add3A_538 : i32 to index
        %get3A_540 = arith.constant 16 : index
        %get3A_541 = tpu.vector_load %arg6[%get3A_539, %get3A_540] {strides = array<i32>} : memref<800x64xf32, #tpu.memory_space<vmem>>, vector<1x16xf32>,
        %get3A_542 = vector.shape_cast %get3A_541 : vector<1x16xf32> to vector<16xf32>
        %add3A_543 = arith.addf %add3A_515, %get3A_542 : vector<16xf32>
        %add3A_544 = arith.constant 17 : i32
        %add3A_545 = arith.addi %mul3A_66, %add3A_544 : i32
        %get3A_546 = arith.index_cast %add3A_545 : i32 to index
        %get3A_547 = arith.constant 32 : index
        %get3A_548 = tpu.vector_load %arg6[%get3A_546, %get3A_547] {strides = array<i32>} : memref<800x64xf32, #tpu.memory_space<vmem>>, vector<1x16xf32>,
        %get3A_549 = vector.shape_cast %get3A_548 : vector<1x16xf32> to vector<16xf32>
        %add3A_550 = arith.addf %add3A_522, %get3A_549 : vector<16xf32>
        %add3A_551 = arith.constant 17 : i32
        %add3A_552 = arith.addi %mul3A_66, %add3A_551 : i32
        %get3A_553 = arith.index_cast %add3A_552 : i32 to index
        %get3A_554 = arith.constant 48 : index
        %get3A_555 = tpu.vector_load %arg6[%get3A_553, %get3A_554] {strides = array<i32>} : memref<800x64xf32, #tpu.memory_space<vmem>>, vector<1x16xf32>,
        %get3A_556 = vector.shape_cast %get3A_555 : vector<1x16xf32> to vector<16xf32>
        %add3A_557 = arith.addf %add3A_529, %get3A_556 : vector<16xf32>
        %add3A_558 = arith.constant 18 : i32
        %add3A_559 = arith.addi %mul3A_66, %add3A_558 : i32
        %get3A_560 = arith.index_cast %add3A_559 : i32 to index
        %get3A_561 = arith.constant 0 : index
        %get3A_562 = tpu.vector_load %arg6[%get3A_560, %get3A_561] {strides = array<i32>} : memref<800x64xf32, #tpu.memory_space<vmem>>, vector<1x16xf32>,
        %get3A_563 = vector.shape_cast %get3A_562 : vector<1x16xf32> to vector<16xf32>
        %add3A_564 = arith.addf %add3A_536, %get3A_563 : vector<16xf32>
        %add3A_565 = arith.constant 18 : i32
        %add3A_566 = arith.addi %mul3A_66, %add3A_565 : i32
        %get3A_567 = arith.index_cast %add3A_566 : i32 to index
        %get3A_568 = arith.constant 16 : index
        %get3A_569 = tpu.vector_load %arg6[%get3A_567, %get3A_568] {strides = array<i32>} : memref<800x64xf32, #tpu.memory_space<vmem>>, vector<1x16xf32>,
        %get3A_570 = vector.shape_cast %get3A_569 : vector<1x16xf32> to vector<16xf32>
        %add3A_571 = arith.addf %add3A_543, %get3A_570 : vector<16xf32>
        %add3A_572 = arith.constant 18 : i32
        %add3A_573 = arith.addi %mul3A_66, %add3A_572 : i32
        %get3A_574 = arith.index_cast %add3A_573 : i32 to index
        %get3A_575 = arith.constant 32 : index
        %get3A_576 = tpu.vector_load %arg6[%get3A_574, %get3A_575] {strides = array<i32>} : memref<800x64xf32, #tpu.memory_space<vmem>>, vector<1x16xf32>,
        %get3A_577 = vector.shape_cast %get3A_576 : vector<1x16xf32> to vector<16xf32>
        %add3A_578 = arith.addf %add3A_550, %get3A_577 : vector<16xf32>
        %add3A_579 = arith.constant 18 : i32
        %add3A_580 = arith.addi %mul3A_66, %add3A_579 : i32
        %get3A_581 = arith.index_cast %add3A_580 : i32 to index
        %get3A_582 = arith.constant 48 : index
        %get3A_583 = tpu.vector_load %arg6[%get3A_581, %get3A_582] {strides = array<i32>} : memref<800x64xf32, #tpu.memory_space<vmem>>, vector<1x16xf32>,
        %get3A_584 = vector.shape_cast %get3A_583 : vector<1x16xf32> to vector<16xf32>
        %add3A_585 = arith.addf %add3A_557, %get3A_584 : vector<16xf32>
        %add3A_586 = arith.constant 19 : i32
        %add3A_587 = arith.addi %mul3A_66, %add3A_586 : i32
        %get3A_588 = arith.index_cast %add3A_587 : i32 to index
        %get3A_589 = arith.constant 0 : index
        %get3A_590 = tpu.vector_load %arg6[%get3A_588, %get3A_589] {strides = array<i32>} : memref<800x64xf32, #tpu.memory_space<vmem>>, vector<1x16xf32>,
        %get3A_591 = vector.shape_cast %get3A_590 : vector<1x16xf32> to vector<16xf32>
        %add3A_592 = arith.addf %add3A_564, %get3A_591 : vector<16xf32>
        %add3A_593 = arith.constant 19 : i32
        %add3A_594 = arith.addi %mul3A_66, %add3A_593 : i32
        %get3A_595 = arith.index_cast %add3A_594 : i32 to index
        %get3A_596 = arith.constant 16 : index
        %get3A_597 = tpu.vector_load %arg6[%get3A_595, %get3A_596] {strides = array<i32>} : memref<800x64xf32, #tpu.memory_space<vmem>>, vector<1x16xf32>,
        %get3A_598 = vector.shape_cast %get3A_597 : vector<1x16xf32> to vector<16xf32>
        %add3A_599 = arith.addf %add3A_571, %get3A_598 : vector<16xf32>
        %add3A_600 = arith.constant 19 : i32
        %add3A_601 = arith.addi %mul3A_66, %add3A_600 : i32
        %get3A_602 = arith.index_cast %add3A_601 : i32 to index
        %get3A_603 = arith.constant 32 : index
        %get3A_604 = tpu.vector_load %arg6[%get3A_602, %get3A_603] {strides = array<i32>} : memref<800x64xf32, #tpu.memory_space<vmem>>, vector<1x16xf32>,
        %get3A_605 = vector.shape_cast %get3A_604 : vector<1x16xf32> to vector<16xf32>
        %add3A_606 = arith.addf %add3A_578, %get3A_605 : vector<16xf32>
        %add3A_607 = arith.constant 19 : i32
        %add3A_608 = arith.addi %mul3A_66, %add3A_607 : i32
        %get3A_609 = arith.index_cast %add3A_608 : i32 to index
        %get3A_610 = arith.constant 48 : index
        %get3A_611 = tpu.vector_load %arg6[%get3A_609, %get3A_610] {strides = array<i32>} : memref<800x64xf32, #tpu.memory_space<vmem>>, vector<1x16xf32>,
        %get3A_612 = vector.shape_cast %get3A_611 : vector<1x16xf32> to vector<16xf32>
        %add3A_613 = arith.addf %add3A_585, %get3A_612 : vector<16xf32>
        %add3A_614 = arith.constant 20 : i32
        %add3A_615 = arith.addi %mul3A_66, %add3A_614 : i32
        %get3A_616 = arith.index_cast %add3A_615 : i32 to index
        %get3A_617 = arith.constant 0 : index
        %get3A_618 = tpu.vector_load %arg6[%get3A_616, %get3A_617] {strides = array<i32>} : memref<800x64xf32, #tpu.memory_space<vmem>>, vector<1x16xf32>,
        %get3A_619 = vector.shape_cast %get3A_618 : vector<1x16xf32> to vector<16xf32>
        %add3A_620 = arith.addf %add3A_592, %get3A_619 : vector<16xf32>
        %add3A_621 = arith.constant 20 : i32
        %add3A_622 = arith.addi %mul3A_66, %add3A_621 : i32
        %get3A_623 = arith.index_cast %add3A_622 : i32 to index
        %get3A_624 = arith.constant 16 : index
        %get3A_625 = tpu.vector_load %arg6[%get3A_623, %get3A_624] {strides = array<i32>} : memref<800x64xf32, #tpu.memory_space<vmem>>, vector<1x16xf32>,
        %get3A_626 = vector.shape_cast %get3A_625 : vector<1x16xf32> to vector<16xf32>
        %add3A_627 = arith.addf %add3A_599, %get3A_626 : vector<16xf32>
        %add3A_628 = arith.constant 20 : i32
        %add3A_629 = arith.addi %mul3A_66, %add3A_628 : i32
        %get3A_630 = arith.index_cast %add3A_629 : i32 to index
        %get3A_631 = arith.constant 32 : index
        %get3A_632 = tpu.vector_load %arg6[%get3A_630, %get3A_631] {strides = array<i32>} : memref<800x64xf32, #tpu.memory_space<vmem>>, vector<1x16xf32>,
        %get3A_633 = vector.shape_cast %get3A_632 : vector<1x16xf32> to vector<16xf32>
        %add3A_634 = arith.addf %add3A_606, %get3A_633 : vector<16xf32>
        %add3A_635 = arith.constant 20 : i32
        %add3A_636 = arith.addi %mul3A_66, %add3A_635 : i32
        %get3A_637 = arith.index_cast %add3A_636 : i32 to index
        %get3A_638 = arith.constant 48 : index
        %get3A_639 = tpu.vector_load %arg6[%get3A_637, %get3A_638] {strides = array<i32>} : memref<800x64xf32, #tpu.memory_space<vmem>>, vector<1x16xf32>,
        %get3A_640 = vector.shape_cast %get3A_639 : vector<1x16xf32> to vector<16xf32>
        %add3A_641 = arith.addf %add3A_613, %get3A_640 : vector<16xf32>
        %add3A_642 = arith.constant 21 : i32
        %add3A_643 = arith.addi %mul3A_66, %add3A_642 : i32
        %get3A_644 = arith.index_cast %add3A_643 : i32 to index
        %get3A_645 = arith.constant 0 : index
        %get3A_646 = tpu.vector_load %arg6[%get3A_644, %get3A_645] {strides = array<i32>} : memref<800x64xf32, #tpu.memory_space<vmem>>, vector<1x16xf32>,
        %get3A_647 = vector.shape_cast %get3A_646 : vector<1x16xf32> to vector<16xf32>
        %add3A_648 = arith.addf %add3A_620, %get3A_647 : vector<16xf32>
        %add3A_649 = arith.constant 21 : i32
        %add3A_650 = arith.addi %mul3A_66, %add3A_649 : i32
        %get3A_651 = arith.index_cast %add3A_650 : i32 to index
        %get3A_652 = arith.constant 16 : index
        %get3A_653 = tpu.vector_load %arg6[%get3A_651, %get3A_652] {strides = array<i32>} : memref<800x64xf32, #tpu.memory_space<vmem>>, vector<1x16xf32>,
        %get3A_654 = vector.shape_cast %get3A_653 : vector<1x16xf32> to vector<16xf32>
        %add3A_655 = arith.addf %add3A_627, %get3A_654 : vector<16xf32>
        %add3A_656 = arith.constant 21 : i32
        %add3A_657 = arith.addi %mul3A_66, %add3A_656 : i32
        %get3A_658 = arith.index_cast %add3A_657 : i32 to index
        %get3A_659 = arith.constant 32 : index
        %get3A_660 = tpu.vector_load %arg6[%get3A_658, %get3A_659] {strides = array<i32>} : memref<800x64xf32, #tpu.memory_space<vmem>>, vector<1x16xf32>,
        %get3A_661 = vector.shape_cast %get3A_660 : vector<1x16xf32> to vector<16xf32>
        %add3A_662 = arith.addf %add3A_634, %get3A_661 : vector<16xf32>
        %add3A_663 = arith.constant 21 : i32
        %add3A_664 = arith.addi %mul3A_66, %add3A_663 : i32
        %get3A_665 = arith.index_cast %add3A_664 : i32 to index
        %get3A_666 = arith.constant 48 : index
        %get3A_667 = tpu.vector_load %arg6[%get3A_665, %get3A_666] {strides = array<i32>} : memref<800x64xf32, #tpu.memory_space<vmem>>, vector<1x16xf32>,
        %get3A_668 = vector.shape_cast %get3A_667 : vector<1x16xf32> to vector<16xf32>
        %add3A_669 = arith.addf %add3A_641, %get3A_668 : vector<16xf32>
        %add3A_670 = arith.constant 22 : i32
        %add3A_671 = arith.addi %mul3A_66, %add3A_670 : i32
        %get3A_672 = arith.index_cast %add3A_671 : i32 to index
        %get3A_673 = arith.constant 0 : index
        %get3A_674 = tpu.vector_load %arg6[%get3A_672, %get3A_673] {strides = array<i32>} : memref<800x64xf32, #tpu.memory_space<vmem>>, vector<1x16xf32>,
        %get3A_675 = vector.shape_cast %get3A_674 : vector<1x16xf32> to vector<16xf32>
        %add3A_676 = arith.addf %add3A_648, %get3A_675 : vector<16xf32>
        %add3A_677 = arith.constant 22 : i32
        %add3A_678 = arith.addi %mul3A_66, %add3A_677 : i32
        %get3A_679 = arith.index_cast %add3A_678 : i32 to index
        %get3A_680 = arith.constant 16 : index
        %get3A_681 = tpu.vector_load %arg6[%get3A_679, %get3A_680] {strides = array<i32>} : memref<800x64xf32, #tpu.memory_space<vmem>>, vector<1x16xf32>,
        %get3A_682 = vector.shape_cast %get3A_681 : vector<1x16xf32> to vector<16xf32>
        %add3A_683 = arith.addf %add3A_655, %get3A_682 : vector<16xf32>
        %add3A_684 = arith.constant 22 : i32
        %add3A_685 = arith.addi %mul3A_66, %add3A_684 : i32
        %get3A_686 = arith.index_cast %add3A_685 : i32 to index
        %get3A_687 = arith.constant 32 : index
        %get3A_688 = tpu.vector_load %arg6[%get3A_686, %get3A_687] {strides = array<i32>} : memref<800x64xf32, #tpu.memory_space<vmem>>, vector<1x16xf32>,
        %get3A_689 = vector.shape_cast %get3A_688 : vector<1x16xf32> to vector<16xf32>
        %add3A_690 = arith.addf %add3A_662, %get3A_689 : vector<16xf32>
        %add3A_691 = arith.constant 22 : i32
        %add3A_692 = arith.addi %mul3A_66, %add3A_691 : i32
        %get3A_693 = arith.index_cast %add3A_692 : i32 to index
        %get3A_694 = arith.constant 48 : index
        %get3A_695 = tpu.vector_load %arg6[%get3A_693, %get3A_694] {strides = array<i32>} : memref<800x64xf32, #tpu.memory_space<vmem>>, vector<1x16xf32>,
        %get3A_696 = vector.shape_cast %get3A_695 : vector<1x16xf32> to vector<16xf32>
        %add3A_697 = arith.addf %add3A_669, %get3A_696 : vector<16xf32>
        %add3A_698 = arith.constant 23 : i32
        %add3A_699 = arith.addi %mul3A_66, %add3A_698 : i32
        %get3A_700 = arith.index_cast %add3A_699 : i32 to index
        %get3A_701 = arith.constant 0 : index
        %get3A_702 = tpu.vector_load %arg6[%get3A_700, %get3A_701] {strides = array<i32>} : memref<800x64xf32, #tpu.memory_space<vmem>>, vector<1x16xf32>,
        %get3A_703 = vector.shape_cast %get3A_702 : vector<1x16xf32> to vector<16xf32>
        %add3A_704 = arith.addf %add3A_676, %get3A_703 : vector<16xf32>
        %add3A_705 = arith.constant 23 : i32
        %add3A_706 = arith.addi %mul3A_66, %add3A_705 : i32
        %get3A_707 = arith.index_cast %add3A_706 : i32 to index
        %get3A_708 = arith.constant 16 : index
        %get3A_709 = tpu.vector_load %arg6[%get3A_707, %get3A_708] {strides = array<i32>} : memref<800x64xf32, #tpu.memory_space<vmem>>, vector<1x16xf32>,
        %get3A_710 = vector.shape_cast %get3A_709 : vector<1x16xf32> to vector<16xf32>
        %add3A_711 = arith.addf %add3A_683, %get3A_710 : vector<16xf32>
        %add3A_712 = arith.constant 23 : i32
        %add3A_713 = arith.addi %mul3A_66, %add3A_712 : i32
        %get3A_714 = arith.index_cast %add3A_713 : i32 to index
        %get3A_715 = arith.constant 32 : index
        %get3A_716 = tpu.vector_load %arg6[%get3A_714, %get3A_715] {strides = array<i32>} : memref<800x64xf32, #tpu.memory_space<vmem>>, vector<1x16xf32>,
        %get3A_717 = vector.shape_cast %get3A_716 : vector<1x16xf32> to vector<16xf32>
        %add3A_718 = arith.addf %add3A_690, %get3A_717 : vector<16xf32>
        %add3A_719 = arith.constant 23 : i32
        %add3A_720 = arith.addi %mul3A_66, %add3A_719 : i32
        %get3A_721 = arith.index_cast %add3A_720 : i32 to index
        %get3A_722 = arith.constant 48 : index
        %get3A_723 = tpu.vector_load %arg6[%get3A_721, %get3A_722] {strides = array<i32>} : memref<800x64xf32, #tpu.memory_space<vmem>>, vector<1x16xf32>,
        %get3A_724 = vector.shape_cast %get3A_723 : vector<1x16xf32> to vector<16xf32>
        %add3A_725 = arith.addf %add3A_697, %get3A_724 : vector<16xf32>
        %add3A_726 = arith.constant 24 : i32
        %add3A_727 = arith.addi %mul3A_66, %add3A_726 : i32
        %get3A_728 = arith.index_cast %add3A_727 : i32 to index
        %get3A_729 = arith.constant 0 : index
        %get3A_730 = tpu.vector_load %arg6[%get3A_728, %get3A_729] {strides = array<i32>} : memref<800x64xf32, #tpu.memory_space<vmem>>, vector<1x16xf32>,
        %get3A_731 = vector.shape_cast %get3A_730 : vector<1x16xf32> to vector<16xf32>
        %add3A_732 = arith.addf %add3A_704, %get3A_731 : vector<16xf32>
        %add3A_733 = arith.constant 24 : i32
        %add3A_734 = arith.addi %mul3A_66, %add3A_733 : i32
        %get3A_735 = arith.index_cast %add3A_734 : i32 to index
        %get3A_736 = arith.constant 16 : index
        %get3A_737 = tpu.vector_load %arg6[%get3A_735, %get3A_736] {strides = array<i32>} : memref<800x64xf32, #tpu.memory_space<vmem>>, vector<1x16xf32>,
        %get3A_738 = vector.shape_cast %get3A_737 : vector<1x16xf32> to vector<16xf32>
        %add3A_739 = arith.addf %add3A_711, %get3A_738 : vector<16xf32>
        %add3A_740 = arith.constant 24 : i32
        %add3A_741 = arith.addi %mul3A_66, %add3A_740 : i32
        %get3A_742 = arith.index_cast %add3A_741 : i32 to index
        %get3A_743 = arith.constant 32 : index
        %get3A_744 = tpu.vector_load %arg6[%get3A_742, %get3A_743] {strides = array<i32>} : memref<800x64xf32, #tpu.memory_space<vmem>>, vector<1x16xf32>,
        %get3A_745 = vector.shape_cast %get3A_744 : vector<1x16xf32> to vector<16xf32>
        %add3A_746 = arith.addf %add3A_718, %get3A_745 : vector<16xf32>
        %add3A_747 = arith.constant 24 : i32
        %add3A_748 = arith.addi %mul3A_66, %add3A_747 : i32
        %get3A_749 = arith.index_cast %add3A_748 : i32 to index
        %get3A_750 = arith.constant 48 : index
        %get3A_751 = tpu.vector_load %arg6[%get3A_749, %get3A_750] {strides = array<i32>} : memref<800x64xf32, #tpu.memory_space<vmem>>, vector<1x16xf32>,
        %get3A_752 = vector.shape_cast %get3A_751 : vector<1x16xf32> to vector<16xf32>
        %add3A_753 = arith.addf %add3A_725, %get3A_752 : vector<16xf32>
        %add3A_754 = arith.constant 25 : i32
        %add3A_755 = arith.addi %mul3A_66, %add3A_754 : i32
        %get3A_756 = arith.index_cast %add3A_755 : i32 to index
        %get3A_757 = arith.constant 0 : index
        %get3A_758 = tpu.vector_load %arg6[%get3A_756, %get3A_757] {strides = array<i32>} : memref<800x64xf32, #tpu.memory_space<vmem>>, vector<1x16xf32>,
        %get3A_759 = vector.shape_cast %get3A_758 : vector<1x16xf32> to vector<16xf32>
        %add3A_760 = arith.addf %add3A_732, %get3A_759 : vector<16xf32>
        %add3A_761 = arith.constant 25 : i32
        %add3A_762 = arith.addi %mul3A_66, %add3A_761 : i32
        %get3A_763 = arith.index_cast %add3A_762 : i32 to index
        %get3A_764 = arith.constant 16 : index
        %get3A_765 = tpu.vector_load %arg6[%get3A_763, %get3A_764] {strides = array<i32>} : memref<800x64xf32, #tpu.memory_space<vmem>>, vector<1x16xf32>,
        %get3A_766 = vector.shape_cast %get3A_765 : vector<1x16xf32> to vector<16xf32>
        %add3A_767 = arith.addf %add3A_739, %get3A_766 : vector<16xf32>
        %add3A_768 = arith.constant 25 : i32
        %add3A_769 = arith.addi %mul3A_66, %add3A_768 : i32
        %get3A_770 = arith.index_cast %add3A_769 : i32 to index
        %get3A_771 = arith.constant 32 : index
        %get3A_772 = tpu.vector_load %arg6[%get3A_770, %get3A_771] {strides = array<i32>} : memref<800x64xf32, #tpu.memory_space<vmem>>, vector<1x16xf32>,
        %get3A_773 = vector.shape_cast %get3A_772 : vector<1x16xf32> to vector<16xf32>
        %add3A_774 = arith.addf %add3A_746, %get3A_773 : vector<16xf32>
        %add3A_775 = arith.constant 25 : i32
        %add3A_776 = arith.addi %mul3A_66, %add3A_775 : i32
        %get3A_777 = arith.index_cast %add3A_776 : i32 to index
        %get3A_778 = arith.constant 48 : index
        %get3A_779 = tpu.vector_load %arg6[%get3A_777, %get3A_778] {strides = array<i32>} : memref<800x64xf32, #tpu.memory_space<vmem>>, vector<1x16xf32>,
        %get3A_780 = vector.shape_cast %get3A_779 : vector<1x16xf32> to vector<16xf32>
        %add3A_781 = arith.addf %add3A_753, %get3A_780 : vector<16xf32>
        %add3A_782 = arith.constant 26 : i32
        %add3A_783 = arith.addi %mul3A_66, %add3A_782 : i32
        %get3A_784 = arith.index_cast %add3A_783 : i32 to index
        %get3A_785 = arith.constant 0 : index
        %get3A_786 = tpu.vector_load %arg6[%get3A_784, %get3A_785] {strides = array<i32>} : memref<800x64xf32, #tpu.memory_space<vmem>>, vector<1x16xf32>,
        %get3A_787 = vector.shape_cast %get3A_786 : vector<1x16xf32> to vector<16xf32>
        %add3A_788 = arith.addf %add3A_760, %get3A_787 : vector<16xf32>
        %add3A_789 = arith.constant 26 : i32
        %add3A_790 = arith.addi %mul3A_66, %add3A_789 : i32
        %get3A_791 = arith.index_cast %add3A_790 : i32 to index
        %get3A_792 = arith.constant 16 : index
        %get3A_793 = tpu.vector_load %arg6[%get3A_791, %get3A_792] {strides = array<i32>} : memref<800x64xf32, #tpu.memory_space<vmem>>, vector<1x16xf32>,
        %get3A_794 = vector.shape_cast %get3A_793 : vector<1x16xf32> to vector<16xf32>
        %add3A_795 = arith.addf %add3A_767, %get3A_794 : vector<16xf32>
        %add3A_796 = arith.constant 26 : i32
        %add3A_797 = arith.addi %mul3A_66, %add3A_796 : i32
        %get3A_798 = arith.index_cast %add3A_797 : i32 to index
        %get3A_799 = arith.constant 32 : index
        %get3A_800 = tpu.vector_load %arg6[%get3A_798, %get3A_799] {strides = array<i32>} : memref<800x64xf32, #tpu.memory_space<vmem>>, vector<1x16xf32>,
        %get3A_801 = vector.shape_cast %get3A_800 : vector<1x16xf32> to vector<16xf32>
        %add3A_802 = arith.addf %add3A_774, %get3A_801 : vector<16xf32>
        %add3A_803 = arith.constant 26 : i32
        %add3A_804 = arith.addi %mul3A_66, %add3A_803 : i32
        %get3A_805 = arith.index_cast %add3A_804 : i32 to index
        %get3A_806 = arith.constant 48 : index
        %get3A_807 = tpu.vector_load %arg6[%get3A_805, %get3A_806] {strides = array<i32>} : memref<800x64xf32, #tpu.memory_space<vmem>>, vector<1x16xf32>,
        %get3A_808 = vector.shape_cast %get3A_807 : vector<1x16xf32> to vector<16xf32>
        %add3A_809 = arith.addf %add3A_781, %get3A_808 : vector<16xf32>
        %add3A_810 = arith.constant 27 : i32
        %add3A_811 = arith.addi %mul3A_66, %add3A_810 : i32
        %get3A_812 = arith.index_cast %add3A_811 : i32 to index
        %get3A_813 = arith.constant 0 : index
        %get3A_814 = tpu.vector_load %arg6[%get3A_812, %get3A_813] {strides = array<i32>} : memref<800x64xf32, #tpu.memory_space<vmem>>, vector<1x16xf32>,
        %get3A_815 = vector.shape_cast %get3A_814 : vector<1x16xf32> to vector<16xf32>
        %add3A_816 = arith.addf %add3A_788, %get3A_815 : vector<16xf32>
        %add3A_817 = arith.constant 27 : i32
        %add3A_818 = arith.addi %mul3A_66, %add3A_817 : i32
        %get3A_819 = arith.index_cast %add3A_818 : i32 to index
        %get3A_820 = arith.constant 16 : index
        %get3A_821 = tpu.vector_load %arg6[%get3A_819, %get3A_820] {strides = array<i32>} : memref<800x64xf32, #tpu.memory_space<vmem>>, vector<1x16xf32>,
        %get3A_822 = vector.shape_cast %get3A_821 : vector<1x16xf32> to vector<16xf32>
        %add3A_823 = arith.addf %add3A_795, %get3A_822 : vector<16xf32>
        %add3A_824 = arith.constant 27 : i32
        %add3A_825 = arith.addi %mul3A_66, %add3A_824 : i32
        %get3A_826 = arith.index_cast %add3A_825 : i32 to index
        %get3A_827 = arith.constant 32 : index
        %get3A_828 = tpu.vector_load %arg6[%get3A_826, %get3A_827] {strides = array<i32>} : memref<800x64xf32, #tpu.memory_space<vmem>>, vector<1x16xf32>,
        %get3A_829 = vector.shape_cast %get3A_828 : vector<1x16xf32> to vector<16xf32>
        %add3A_830 = arith.addf %add3A_802, %get3A_829 : vector<16xf32>
        %add3A_831 = arith.constant 27 : i32
        %add3A_832 = arith.addi %mul3A_66, %add3A_831 : i32
        %get3A_833 = arith.index_cast %add3A_832 : i32 to index
        %get3A_834 = arith.constant 48 : index
        %get3A_835 = tpu.vector_load %arg6[%get3A_833, %get3A_834] {strides = array<i32>} : memref<800x64xf32, #tpu.memory_space<vmem>>, vector<1x16xf32>,
        %get3A_836 = vector.shape_cast %get3A_835 : vector<1x16xf32> to vector<16xf32>
        %add3A_837 = arith.addf %add3A_809, %get3A_836 : vector<16xf32>
        %add3A_838 = arith.constant 28 : i32
        %add3A_839 = arith.addi %mul3A_66, %add3A_838 : i32
        %get3A_840 = arith.index_cast %add3A_839 : i32 to index
        %get3A_841 = arith.constant 0 : index
        %get3A_842 = tpu.vector_load %arg6[%get3A_840, %get3A_841] {strides = array<i32>} : memref<800x64xf32, #tpu.memory_space<vmem>>, vector<1x16xf32>,
        %get3A_843 = vector.shape_cast %get3A_842 : vector<1x16xf32> to vector<16xf32>
        %add3A_844 = arith.addf %add3A_816, %get3A_843 : vector<16xf32>
        %add3A_845 = arith.constant 28 : i32
        %add3A_846 = arith.addi %mul3A_66, %add3A_845 : i32
        %get3A_847 = arith.index_cast %add3A_846 : i32 to index
        %get3A_848 = arith.constant 16 : index
        %get3A_849 = tpu.vector_load %arg6[%get3A_847, %get3A_848] {strides = array<i32>} : memref<800x64xf32, #tpu.memory_space<vmem>>, vector<1x16xf32>,
        %get3A_850 = vector.shape_cast %get3A_849 : vector<1x16xf32> to vector<16xf32>
        %add3A_851 = arith.addf %add3A_823, %get3A_850 : vector<16xf32>
        %add3A_852 = arith.constant 28 : i32
        %add3A_853 = arith.addi %mul3A_66, %add3A_852 : i32
        %get3A_854 = arith.index_cast %add3A_853 : i32 to index
        %get3A_855 = arith.constant 32 : index
        %get3A_856 = tpu.vector_load %arg6[%get3A_854, %get3A_855] {strides = array<i32>} : memref<800x64xf32, #tpu.memory_space<vmem>>, vector<1x16xf32>,
        %get3A_857 = vector.shape_cast %get3A_856 : vector<1x16xf32> to vector<16xf32>
        %add3A_858 = arith.addf %add3A_830, %get3A_857 : vector<16xf32>
        %add3A_859 = arith.constant 28 : i32
        %add3A_860 = arith.addi %mul3A_66, %add3A_859 : i32
        %get3A_861 = arith.index_cast %add3A_860 : i32 to index
        %get3A_862 = arith.constant 48 : index
        %get3A_863 = tpu.vector_load %arg6[%get3A_861, %get3A_862] {strides = array<i32>} : memref<800x64xf32, #tpu.memory_space<vmem>>, vector<1x16xf32>,
        %get3A_864 = vector.shape_cast %get3A_863 : vector<1x16xf32> to vector<16xf32>
        %add3A_865 = arith.addf %add3A_837, %get3A_864 : vector<16xf32>
        %add3A_866 = arith.constant 29 : i32
        %add3A_867 = arith.addi %mul3A_66, %add3A_866 : i32
        %get3A_868 = arith.index_cast %add3A_867 : i32 to index
        %get3A_869 = arith.constant 0 : index
        %get3A_870 = tpu.vector_load %arg6[%get3A_868, %get3A_869] {strides = array<i32>} : memref<800x64xf32, #tpu.memory_space<vmem>>, vector<1x16xf32>,
        %get3A_871 = vector.shape_cast %get3A_870 : vector<1x16xf32> to vector<16xf32>
        %add3A_872 = arith.addf %add3A_844, %get3A_871 : vector<16xf32>
        %add3A_873 = arith.constant 29 : i32
        %add3A_874 = arith.addi %mul3A_66, %add3A_873 : i32
        %get3A_875 = arith.index_cast %add3A_874 : i32 to index
        %get3A_876 = arith.constant 16 : index
        %get3A_877 = tpu.vector_load %arg6[%get3A_875, %get3A_876] {strides = array<i32>} : memref<800x64xf32, #tpu.memory_space<vmem>>, vector<1x16xf32>,
        %get3A_878 = vector.shape_cast %get3A_877 : vector<1x16xf32> to vector<16xf32>
        %add3A_879 = arith.addf %add3A_851, %get3A_878 : vector<16xf32>
        %add3A_880 = arith.constant 29 : i32
        %add3A_881 = arith.addi %mul3A_66, %add3A_880 : i32
        %get3A_882 = arith.index_cast %add3A_881 : i32 to index
        %get3A_883 = arith.constant 32 : index
        %get3A_884 = tpu.vector_load %arg6[%get3A_882, %get3A_883] {strides = array<i32>} : memref<800x64xf32, #tpu.memory_space<vmem>>, vector<1x16xf32>,
        %get3A_885 = vector.shape_cast %get3A_884 : vector<1x16xf32> to vector<16xf32>
        %add3A_886 = arith.addf %add3A_858, %get3A_885 : vector<16xf32>
        %add3A_887 = arith.constant 29 : i32
        %add3A_888 = arith.addi %mul3A_66, %add3A_887 : i32
        %get3A_889 = arith.index_cast %add3A_888 : i32 to index
        %get3A_890 = arith.constant 48 : index
        %get3A_891 = tpu.vector_load %arg6[%get3A_889, %get3A_890] {strides = array<i32>} : memref<800x64xf32, #tpu.memory_space<vmem>>, vector<1x16xf32>,
        %get3A_892 = vector.shape_cast %get3A_891 : vector<1x16xf32> to vector<16xf32>
        %add3A_893 = arith.addf %add3A_865, %get3A_892 : vector<16xf32>
        %add3A_894 = arith.constant 30 : i32
        %add3A_895 = arith.addi %mul3A_66, %add3A_894 : i32
        %get3A_896 = arith.index_cast %add3A_895 : i32 to index
        %get3A_897 = arith.constant 0 : index
        %get3A_898 = tpu.vector_load %arg6[%get3A_896, %get3A_897] {strides = array<i32>} : memref<800x64xf32, #tpu.memory_space<vmem>>, vector<1x16xf32>,
        %get3A_899 = vector.shape_cast %get3A_898 : vector<1x16xf32> to vector<16xf32>
        %add3A_900 = arith.addf %add3A_872, %get3A_899 : vector<16xf32>
        %add3A_901 = arith.constant 30 : i32
        %add3A_902 = arith.addi %mul3A_66, %add3A_901 : i32
        %get3A_903 = arith.index_cast %add3A_902 : i32 to index
        %get3A_904 = arith.constant 16 : index
        %get3A_905 = tpu.vector_load %arg6[%get3A_903, %get3A_904] {strides = array<i32>} : memref<800x64xf32, #tpu.memory_space<vmem>>, vector<1x16xf32>,
        %get3A_906 = vector.shape_cast %get3A_905 : vector<1x16xf32> to vector<16xf32>
        %add3A_907 = arith.addf %add3A_879, %get3A_906 : vector<16xf32>
        %add3A_908 = arith.constant 30 : i32
        %add3A_909 = arith.addi %mul3A_66, %add3A_908 : i32
        %get3A_910 = arith.index_cast %add3A_909 : i32 to index
        %get3A_911 = arith.constant 32 : index
        %get3A_912 = tpu.vector_load %arg6[%get3A_910, %get3A_911] {strides = array<i32>} : memref<800x64xf32, #tpu.memory_space<vmem>>, vector<1x16xf32>,
        %get3A_913 = vector.shape_cast %get3A_912 : vector<1x16xf32> to vector<16xf32>
        %add3A_914 = arith.addf %add3A_886, %get3A_913 : vector<16xf32>
        %add3A_915 = arith.constant 30 : i32
        %add3A_916 = arith.addi %mul3A_66, %add3A_915 : i32
        %get3A_917 = arith.index_cast %add3A_916 : i32 to index
        %get3A_918 = arith.constant 48 : index
        %get3A_919 = tpu.vector_load %arg6[%get3A_917, %get3A_918] {strides = array<i32>} : memref<800x64xf32, #tpu.memory_space<vmem>>, vector<1x16xf32>,
        %get3A_920 = vector.shape_cast %get3A_919 : vector<1x16xf32> to vector<16xf32>
        %add3A_921 = arith.addf %add3A_893, %get3A_920 : vector<16xf32>
        %add3A_922 = arith.constant 31 : i32
        %add3A_923 = arith.addi %mul3A_66, %add3A_922 : i32
        %get3A_924 = arith.index_cast %add3A_923 : i32 to index
        %get3A_925 = arith.constant 0 : index
        %get3A_926 = tpu.vector_load %arg6[%get3A_924, %get3A_925] {strides = array<i32>} : memref<800x64xf32, #tpu.memory_space<vmem>>, vector<1x16xf32>,
        %get3A_927 = vector.shape_cast %get3A_926 : vector<1x16xf32> to vector<16xf32>
        %add3A_928 = arith.addf %add3A_900, %get3A_927 : vector<16xf32>
        %add3A_929 = arith.constant 31 : i32
        %add3A_930 = arith.addi %mul3A_66, %add3A_929 : i32
        %get3A_931 = arith.index_cast %add3A_930 : i32 to index
        %get3A_932 = arith.constant 16 : index
        %get3A_933 = tpu.vector_load %arg6[%get3A_931, %get3A_932] {strides = array<i32>} : memref<800x64xf32, #tpu.memory_space<vmem>>, vector<1x16xf32>,
        %get3A_934 = vector.shape_cast %get3A_933 : vector<1x16xf32> to vector<16xf32>
        %add3A_935 = arith.addf %add3A_907, %get3A_934 : vector<16xf32>
        %add3A_936 = arith.constant 31 : i32
        %add3A_937 = arith.addi %mul3A_66, %add3A_936 : i32
        %get3A_938 = arith.index_cast %add3A_937 : i32 to index
        %get3A_939 = arith.constant 32 : index
        %get3A_940 = tpu.vector_load %arg6[%get3A_938, %get3A_939] {strides = array<i32>} : memref<800x64xf32, #tpu.memory_space<vmem>>, vector<1x16xf32>,
        %get3A_941 = vector.shape_cast %get3A_940 : vector<1x16xf32> to vector<16xf32>
        %add3A_942 = arith.addf %add3A_914, %get3A_941 : vector<16xf32>
        %add3A_943 = arith.constant 31 : i32
        %add3A_944 = arith.addi %mul3A_66, %add3A_943 : i32
        %get3A_945 = arith.index_cast %add3A_944 : i32 to index
        %get3A_946 = arith.constant 48 : index
        %get3A_947 = tpu.vector_load %arg6[%get3A_945, %get3A_946] {strides = array<i32>} : memref<800x64xf32, #tpu.memory_space<vmem>>, vector<1x16xf32>,
        %get3A_948 = vector.shape_cast %get3A_947 : vector<1x16xf32> to vector<16xf32>
        %add3A_949 = arith.addf %add3A_921, %get3A_948 : vector<16xf32>
        %add3A_950 = arith.constant 32 : i32
        %add3A_951 = arith.addi %mul3A_66, %add3A_950 : i32
        %get3A_952 = arith.index_cast %add3A_951 : i32 to index
        %get3A_953 = arith.constant 0 : index
        %get3A_954 = tpu.vector_load %arg6[%get3A_952, %get3A_953] {strides = array<i32>} : memref<800x64xf32, #tpu.memory_space<vmem>>, vector<1x16xf32>,
        %get3A_955 = vector.shape_cast %get3A_954 : vector<1x16xf32> to vector<16xf32>
        %add3A_956 = arith.addf %add3A_928, %get3A_955 : vector<16xf32>
        %add3A_957 = arith.constant 32 : i32
        %add3A_958 = arith.addi %mul3A_66, %add3A_957 : i32
        %get3A_959 = arith.index_cast %add3A_958 : i32 to index
        %get3A_960 = arith.constant 16 : index
        %get3A_961 = tpu.vector_load %arg6[%get3A_959, %get3A_960] {strides = array<i32>} : memref<800x64xf32, #tpu.memory_space<vmem>>, vector<1x16xf32>,
        %get3A_962 = vector.shape_cast %get3A_961 : vector<1x16xf32> to vector<16xf32>
        %add3A_963 = arith.addf %add3A_935, %get3A_962 : vector<16xf32>
        %add3A_964 = arith.constant 32 : i32
        %add3A_965 = arith.addi %mul3A_66, %add3A_964 : i32
        %get3A_966 = arith.index_cast %add3A_965 : i32 to index
        %get3A_967 = arith.constant 32 : index
        %get3A_968 = tpu.vector_load %arg6[%get3A_966, %get3A_967] {strides = array<i32>} : memref<800x64xf32, #tpu.memory_space<vmem>>, vector<1x16xf32>,
        %get3A_969 = vector.shape_cast %get3A_968 : vector<1x16xf32> to vector<16xf32>
        %add3A_970 = arith.addf %add3A_942, %get3A_969 : vector<16xf32>
        %add3A_971 = arith.constant 32 : i32
        %add3A_972 = arith.addi %mul3A_66, %add3A_971 : i32
        %get3A_973 = arith.index_cast %add3A_972 : i32 to index
        %get3A_974 = arith.constant 48 : index
        %get3A_975 = tpu.vector_load %arg6[%get3A_973, %get3A_974] {strides = array<i32>} : memref<800x64xf32, #tpu.memory_space<vmem>>, vector<1x16xf32>,
        %get3A_976 = vector.shape_cast %get3A_975 : vector<1x16xf32> to vector<16xf32>
        %add3A_977 = arith.addf %add3A_949, %get3A_976 : vector<16xf32>
        %add3A_978 = arith.constant 33 : i32
        %add3A_979 = arith.addi %mul3A_66, %add3A_978 : i32
        %get3A_980 = arith.index_cast %add3A_979 : i32 to index
        %get3A_981 = arith.constant 0 : index
        %get3A_982 = tpu.vector_load %arg6[%get3A_980, %get3A_981] {strides = array<i32>} : memref<800x64xf32, #tpu.memory_space<vmem>>, vector<1x16xf32>,
        %get3A_983 = vector.shape_cast %get3A_982 : vector<1x16xf32> to vector<16xf32>
        %add3A_984 = arith.addf %add3A_956, %get3A_983 : vector<16xf32>
        %add3A_985 = arith.constant 33 : i32
        %add3A_986 = arith.addi %mul3A_66, %add3A_985 : i32
        %get3A_987 = arith.index_cast %add3A_986 : i32 to index
        %get3A_988 = arith.constant 16 : index
        %get3A_989 = tpu.vector_load %arg6[%get3A_987, %get3A_988] {strides = array<i32>} : memref<800x64xf32, #tpu.memory_space<vmem>>, vector<1x16xf32>,
        %get3A_990 = vector.shape_cast %get3A_989 : vector<1x16xf32> to vector<16xf32>
        %add3A_991 = arith.addf %add3A_963, %get3A_990 : vector<16xf32>
        %add3A_992 = arith.constant 33 : i32
        %add3A_993 = arith.addi %mul3A_66, %add3A_992 : i32
        %get3A_994 = arith.index_cast %add3A_993 : i32 to index
        %get3A_995 = arith.constant 32 : index
        %get3A_996 = tpu.vector_load %arg6[%get3A_994, %get3A_995] {strides = array<i32>} : memref<800x64xf32, #tpu.memory_space<vmem>>, vector<1x16xf32>,
        %get3A_997 = vector.shape_cast %get3A_996 : vector<1x16xf32> to vector<16xf32>
        %add3A_998 = arith.addf %add3A_970, %get3A_997 : vector<16xf32>
        %add3A_999 = arith.constant 33 : i32
        %add3A_1000 = arith.addi %mul3A_66, %add3A_999 : i32
        %get3A_1001 = arith.index_cast %add3A_1000 : i32 to index
        %get3A_1002 = arith.constant 48 : index
        %get3A_1003 = tpu.vector_load %arg6[%get3A_1001, %get3A_1002] {strides = array<i32>} : memref<800x64xf32, #tpu.memory_space<vmem>>, vector<1x16xf32>,
        %get3A_1004 = vector.shape_cast %get3A_1003 : vector<1x16xf32> to vector<16xf32>
        %add3A_1005 = arith.addf %add3A_977, %get3A_1004 : vector<16xf32>
        %add3A_1006 = arith.constant 34 : i32
        %add3A_1007 = arith.addi %mul3A_66, %add3A_1006 : i32
        %get3A_1008 = arith.index_cast %add3A_1007 : i32 to index
        %get3A_1009 = arith.constant 0 : index
        %get3A_1010 = tpu.vector_load %arg6[%get3A_1008, %get3A_1009] {strides = array<i32>} : memref<800x64xf32, #tpu.memory_space<vmem>>, vector<1x16xf32>,
        %get3A_1011 = vector.shape_cast %get3A_1010 : vector<1x16xf32> to vector<16xf32>
        %add3A_1012 = arith.addf %add3A_984, %get3A_1011 : vector<16xf32>
        %add3A_1013 = arith.constant 34 : i32
        %add3A_1014 = arith.addi %mul3A_66, %add3A_1013 : i32
        %get3A_1015 = arith.index_cast %add3A_1014 : i32 to index
        %get3A_1016 = arith.constant 16 : index
        %get3A_1017 = tpu.vector_load %arg6[%get3A_1015, %get3A_1016] {strides = array<i32>} : memref<800x64xf32, #tpu.memory_space<vmem>>, vector<1x16xf32>,
        %get3A_1018 = vector.shape_cast %get3A_1017 : vector<1x16xf32> to vector<16xf32>
        %add3A_1019 = arith.addf %add3A_991, %get3A_1018 : vector<16xf32>
        %add3A_1020 = arith.constant 34 : i32
        %add3A_1021 = arith.addi %mul3A_66, %add3A_1020 : i32
        %get3A_1022 = arith.index_cast %add3A_1021 : i32 to index
        %get3A_1023 = arith.constant 32 : index
        %get3A_1024 = tpu.vector_load %arg6[%get3A_1022, %get3A_1023] {strides = array<i32>} : memref<800x64xf32, #tpu.memory_space<vmem>>, vector<1x16xf32>,
        %get3A_1025 = vector.shape_cast %get3A_1024 : vector<1x16xf32> to vector<16xf32>
        %add3A_1026 = arith.addf %add3A_998, %get3A_1025 : vector<16xf32>
        %add3A_1027 = arith.constant 34 : i32
        %add3A_1028 = arith.addi %mul3A_66, %add3A_1027 : i32
        %get3A_1029 = arith.index_cast %add3A_1028 : i32 to index
        %get3A_1030 = arith.constant 48 : index
        %get3A_1031 = tpu.vector_load %arg6[%get3A_1029, %get3A_1030] {strides = array<i32>} : memref<800x64xf32, #tpu.memory_space<vmem>>, vector<1x16xf32>,
        %get3A_1032 = vector.shape_cast %get3A_1031 : vector<1x16xf32> to vector<16xf32>
        %add3A_1033 = arith.addf %add3A_1005, %get3A_1032 : vector<16xf32>
        %add3A_1034 = arith.constant 35 : i32
        %add3A_1035 = arith.addi %mul3A_66, %add3A_1034 : i32
        %get3A_1036 = arith.index_cast %add3A_1035 : i32 to index
        %get3A_1037 = arith.constant 0 : index
        %get3A_1038 = tpu.vector_load %arg6[%get3A_1036, %get3A_1037] {strides = array<i32>} : memref<800x64xf32, #tpu.memory_space<vmem>>, vector<1x16xf32>,
        %get3A_1039 = vector.shape_cast %get3A_1038 : vector<1x16xf32> to vector<16xf32>
        %add3A_1040 = arith.addf %add3A_1012, %get3A_1039 : vector<16xf32>
        %add3A_1041 = arith.constant 35 : i32
        %add3A_1042 = arith.addi %mul3A_66, %add3A_1041 : i32
        %get3A_1043 = arith.index_cast %add3A_1042 : i32 to index
        %get3A_1044 = arith.constant 16 : index
        %get3A_1045 = tpu.vector_load %arg6[%get3A_1043, %get3A_1044] {strides = array<i32>} : memref<800x64xf32, #tpu.memory_space<vmem>>, vector<1x16xf32>,
        %get3A_1046 = vector.shape_cast %get3A_1045 : vector<1x16xf32> to vector<16xf32>
        %add3A_1047 = arith.addf %add3A_1019, %get3A_1046 : vector<16xf32>
        %add3A_1048 = arith.constant 35 : i32
        %add3A_1049 = arith.addi %mul3A_66, %add3A_1048 : i32
        %get3A_1050 = arith.index_cast %add3A_1049 : i32 to index
        %get3A_1051 = arith.constant 32 : index
        %get3A_1052 = tpu.vector_load %arg6[%get3A_1050, %get3A_1051] {strides = array<i32>} : memref<800x64xf32, #tpu.memory_space<vmem>>, vector<1x16xf32>,
        %get3A_1053 = vector.shape_cast %get3A_1052 : vector<1x16xf32> to vector<16xf32>
        %add3A_1054 = arith.addf %add3A_1026, %get3A_1053 : vector<16xf32>
        %add3A_1055 = arith.constant 35 : i32
        %add3A_1056 = arith.addi %mul3A_66, %add3A_1055 : i32
        %get3A_1057 = arith.index_cast %add3A_1056 : i32 to index
        %get3A_1058 = arith.constant 48 : index
        %get3A_1059 = tpu.vector_load %arg6[%get3A_1057, %get3A_1058] {strides = array<i32>} : memref<800x64xf32, #tpu.memory_space<vmem>>, vector<1x16xf32>,
        %get3A_1060 = vector.shape_cast %get3A_1059 : vector<1x16xf32> to vector<16xf32>
        %add3A_1061 = arith.addf %add3A_1033, %get3A_1060 : vector<16xf32>
        %add3A_1062 = arith.constant 36 : i32
        %add3A_1063 = arith.addi %mul3A_66, %add3A_1062 : i32
        %get3A_1064 = arith.index_cast %add3A_1063 : i32 to index
        %get3A_1065 = arith.constant 0 : index
        %get3A_1066 = tpu.vector_load %arg6[%get3A_1064, %get3A_1065] {strides = array<i32>} : memref<800x64xf32, #tpu.memory_space<vmem>>, vector<1x16xf32>,
        %get3A_1067 = vector.shape_cast %get3A_1066 : vector<1x16xf32> to vector<16xf32>
        %add3A_1068 = arith.addf %add3A_1040, %get3A_1067 : vector<16xf32>
        %add3A_1069 = arith.constant 36 : i32
        %add3A_1070 = arith.addi %mul3A_66, %add3A_1069 : i32
        %get3A_1071 = arith.index_cast %add3A_1070 : i32 to index
        %get3A_1072 = arith.constant 16 : index
        %get3A_1073 = tpu.vector_load %arg6[%get3A_1071, %get3A_1072] {strides = array<i32>} : memref<800x64xf32, #tpu.memory_space<vmem>>, vector<1x16xf32>,
        %get3A_1074 = vector.shape_cast %get3A_1073 : vector<1x16xf32> to vector<16xf32>
        %add3A_1075 = arith.addf %add3A_1047, %get3A_1074 : vector<16xf32>
        %add3A_1076 = arith.constant 36 : i32
        %add3A_1077 = arith.addi %mul3A_66, %add3A_1076 : i32
        %get3A_1078 = arith.index_cast %add3A_1077 : i32 to index
        %get3A_1079 = arith.constant 32 : index
        %get3A_1080 = tpu.vector_load %arg6[%get3A_1078, %get3A_1079] {strides = array<i32>} : memref<800x64xf32, #tpu.memory_space<vmem>>, vector<1x16xf32>,
        %get3A_1081 = vector.shape_cast %get3A_1080 : vector<1x16xf32> to vector<16xf32>
        %add3A_1082 = arith.addf %add3A_1054, %get3A_1081 : vector<16xf32>
        %add3A_1083 = arith.constant 36 : i32
        %add3A_1084 = arith.addi %mul3A_66, %add3A_1083 : i32
        %get3A_1085 = arith.index_cast %add3A_1084 : i32 to index
        %get3A_1086 = arith.constant 48 : index
        %get3A_1087 = tpu.vector_load %arg6[%get3A_1085, %get3A_1086] {strides = array<i32>} : memref<800x64xf32, #tpu.memory_space<vmem>>, vector<1x16xf32>,
        %get3A_1088 = vector.shape_cast %get3A_1087 : vector<1x16xf32> to vector<16xf32>
        %add3A_1089 = arith.addf %add3A_1061, %get3A_1088 : vector<16xf32>
        %add3A_1090 = arith.constant 37 : i32
        %add3A_1091 = arith.addi %mul3A_66, %add3A_1090 : i32
        %get3A_1092 = arith.index_cast %add3A_1091 : i32 to index
        %get3A_1093 = arith.constant 0 : index
        %get3A_1094 = tpu.vector_load %arg6[%get3A_1092, %get3A_1093] {strides = array<i32>} : memref<800x64xf32, #tpu.memory_space<vmem>>, vector<1x16xf32>,
        %get3A_1095 = vector.shape_cast %get3A_1094 : vector<1x16xf32> to vector<16xf32>
        %add3A_1096 = arith.addf %add3A_1068, %get3A_1095 : vector<16xf32>
        %add3A_1097 = arith.constant 37 : i32
        %add3A_1098 = arith.addi %mul3A_66, %add3A_1097 : i32
        %get3A_1099 = arith.index_cast %add3A_1098 : i32 to index
        %get3A_1100 = arith.constant 16 : index
        %get3A_1101 = tpu.vector_load %arg6[%get3A_1099, %get3A_1100] {strides = array<i32>} : memref<800x64xf32, #tpu.memory_space<vmem>>, vector<1x16xf32>,
        %get3A_1102 = vector.shape_cast %get3A_1101 : vector<1x16xf32> to vector<16xf32>
        %add3A_1103 = arith.addf %add3A_1075, %get3A_1102 : vector<16xf32>
        %add3A_1104 = arith.constant 37 : i32
        %add3A_1105 = arith.addi %mul3A_66, %add3A_1104 : i32
        %get3A_1106 = arith.index_cast %add3A_1105 : i32 to index
        %get3A_1107 = arith.constant 32 : index
        %get3A_1108 = tpu.vector_load %arg6[%get3A_1106, %get3A_1107] {strides = array<i32>} : memref<800x64xf32, #tpu.memory_space<vmem>>, vector<1x16xf32>,
        %get3A_1109 = vector.shape_cast %get3A_1108 : vector<1x16xf32> to vector<16xf32>
        %add3A_1110 = arith.addf %add3A_1082, %get3A_1109 : vector<16xf32>
        %add3A_1111 = arith.constant 37 : i32
        %add3A_1112 = arith.addi %mul3A_66, %add3A_1111 : i32
        %get3A_1113 = arith.index_cast %add3A_1112 : i32 to index
        %get3A_1114 = arith.constant 48 : index
        %get3A_1115 = tpu.vector_load %arg6[%get3A_1113, %get3A_1114] {strides = array<i32>} : memref<800x64xf32, #tpu.memory_space<vmem>>, vector<1x16xf32>,
        %get3A_1116 = vector.shape_cast %get3A_1115 : vector<1x16xf32> to vector<16xf32>
        %add3A_1117 = arith.addf %add3A_1089, %get3A_1116 : vector<16xf32>
        %add3A_1118 = arith.constant 38 : i32
        %add3A_1119 = arith.addi %mul3A_66, %add3A_1118 : i32
        %get3A_1120 = arith.index_cast %add3A_1119 : i32 to index
        %get3A_1121 = arith.constant 0 : index
        %get3A_1122 = tpu.vector_load %arg6[%get3A_1120, %get3A_1121] {strides = array<i32>} : memref<800x64xf32, #tpu.memory_space<vmem>>, vector<1x16xf32>,
        %get3A_1123 = vector.shape_cast %get3A_1122 : vector<1x16xf32> to vector<16xf32>
        %add3A_1124 = arith.addf %add3A_1096, %get3A_1123 : vector<16xf32>
        %add3A_1125 = arith.constant 38 : i32
        %add3A_1126 = arith.addi %mul3A_66, %add3A_1125 : i32
        %get3A_1127 = arith.index_cast %add3A_1126 : i32 to index
        %get3A_1128 = arith.constant 16 : index
        %get3A_1129 = tpu.vector_load %arg6[%get3A_1127, %get3A_1128] {strides = array<i32>} : memref<800x64xf32, #tpu.memory_space<vmem>>, vector<1x16xf32>,
        %get3A_1130 = vector.shape_cast %get3A_1129 : vector<1x16xf32> to vector<16xf32>
        %add3A_1131 = arith.addf %add3A_1103, %get3A_1130 : vector<16xf32>
        %add3A_1132 = arith.constant 38 : i32
        %add3A_1133 = arith.addi %mul3A_66, %add3A_1132 : i32
        %get3A_1134 = arith.index_cast %add3A_1133 : i32 to index
        %get3A_1135 = arith.constant 32 : index
        %get3A_1136 = tpu.vector_load %arg6[%get3A_1134, %get3A_1135] {strides = array<i32>} : memref<800x64xf32, #tpu.memory_space<vmem>>, vector<1x16xf32>,
        %get3A_1137 = vector.shape_cast %get3A_1136 : vector<1x16xf32> to vector<16xf32>
        %add3A_1138 = arith.addf %add3A_1110, %get3A_1137 : vector<16xf32>
        %add3A_1139 = arith.constant 38 : i32
        %add3A_1140 = arith.addi %mul3A_66, %add3A_1139 : i32
        %get3A_1141 = arith.index_cast %add3A_1140 : i32 to index
        %get3A_1142 = arith.constant 48 : index
        %get3A_1143 = tpu.vector_load %arg6[%get3A_1141, %get3A_1142] {strides = array<i32>} : memref<800x64xf32, #tpu.memory_space<vmem>>, vector<1x16xf32>,
        %get3A_1144 = vector.shape_cast %get3A_1143 : vector<1x16xf32> to vector<16xf32>
        %add3A_1145 = arith.addf %add3A_1117, %get3A_1144 : vector<16xf32>
        %add3A_1146 = arith.constant 39 : i32
        %add3A_1147 = arith.addi %mul3A_66, %add3A_1146 : i32
        %get3A_1148 = arith.index_cast %add3A_1147 : i32 to index
        %get3A_1149 = arith.constant 0 : index
        %get3A_1150 = tpu.vector_load %arg6[%get3A_1148, %get3A_1149] {strides = array<i32>} : memref<800x64xf32, #tpu.memory_space<vmem>>, vector<1x16xf32>,
        %get3A_1151 = vector.shape_cast %get3A_1150 : vector<1x16xf32> to vector<16xf32>
        %add3A_1152 = arith.addf %add3A_1124, %get3A_1151 : vector<16xf32>
        %add3A_1153 = arith.constant 39 : i32
        %add3A_1154 = arith.addi %mul3A_66, %add3A_1153 : i32
        %get3A_1155 = arith.index_cast %add3A_1154 : i32 to index
        %get3A_1156 = arith.constant 16 : index
        %get3A_1157 = tpu.vector_load %arg6[%get3A_1155, %get3A_1156] {strides = array<i32>} : memref<800x64xf32, #tpu.memory_space<vmem>>, vector<1x16xf32>,
        %get3A_1158 = vector.shape_cast %get3A_1157 : vector<1x16xf32> to vector<16xf32>
        %add3A_1159 = arith.addf %add3A_1131, %get3A_1158 : vector<16xf32>
        %add3A_1160 = arith.constant 39 : i32
        %add3A_1161 = arith.addi %mul3A_66, %add3A_1160 : i32
        %get3A_1162 = arith.index_cast %add3A_1161 : i32 to index
        %get3A_1163 = arith.constant 32 : index
        %get3A_1164 = tpu.vector_load %arg6[%get3A_1162, %get3A_1163] {strides = array<i32>} : memref<800x64xf32, #tpu.memory_space<vmem>>, vector<1x16xf32>,
        %get3A_1165 = vector.shape_cast %get3A_1164 : vector<1x16xf32> to vector<16xf32>
        %add3A_1166 = arith.addf %add3A_1138, %get3A_1165 : vector<16xf32>
        %add3A_1167 = arith.constant 39 : i32
        %add3A_1168 = arith.addi %mul3A_66, %add3A_1167 : i32
        %get3A_1169 = arith.index_cast %add3A_1168 : i32 to index
        %get3A_1170 = arith.constant 48 : index
        %get3A_1171 = tpu.vector_load %arg6[%get3A_1169, %get3A_1170] {strides = array<i32>} : memref<800x64xf32, #tpu.memory_space<vmem>>, vector<1x16xf32>,
        %get3A_1172 = vector.shape_cast %get3A_1171 : vector<1x16xf32> to vector<16xf32>
        %add3A_1173 = arith.addf %add3A_1145, %get3A_1172 : vector<16xf32>
        %add3A_1174 = arith.constant 40 : i32
        %add3A_1175 = arith.addi %mul3A_66, %add3A_1174 : i32
        %get3A_1176 = arith.index_cast %add3A_1175 : i32 to index
        %get3A_1177 = arith.constant 0 : index
        %get3A_1178 = tpu.vector_load %arg6[%get3A_1176, %get3A_1177] {strides = array<i32>} : memref<800x64xf32, #tpu.memory_space<vmem>>, vector<1x16xf32>,
        %get3A_1179 = vector.shape_cast %get3A_1178 : vector<1x16xf32> to vector<16xf32>
        %add3A_1180 = arith.addf %add3A_1152, %get3A_1179 : vector<16xf32>
        %add3A_1181 = arith.constant 40 : i32
        %add3A_1182 = arith.addi %mul3A_66, %add3A_1181 : i32
        %get3A_1183 = arith.index_cast %add3A_1182 : i32 to index
        %get3A_1184 = arith.constant 16 : index
        %get3A_1185 = tpu.vector_load %arg6[%get3A_1183, %get3A_1184] {strides = array<i32>} : memref<800x64xf32, #tpu.memory_space<vmem>>, vector<1x16xf32>,
        %get3A_1186 = vector.shape_cast %get3A_1185 : vector<1x16xf32> to vector<16xf32>
        %add3A_1187 = arith.addf %add3A_1159, %get3A_1186 : vector<16xf32>
        %add3A_1188 = arith.constant 40 : i32
        %add3A_1189 = arith.addi %mul3A_66, %add3A_1188 : i32
        %get3A_1190 = arith.index_cast %add3A_1189 : i32 to index
        %get3A_1191 = arith.constant 32 : index
        %get3A_1192 = tpu.vector_load %arg6[%get3A_1190, %get3A_1191] {strides = array<i32>} : memref<800x64xf32, #tpu.memory_space<vmem>>, vector<1x16xf32>,
        %get3A_1193 = vector.shape_cast %get3A_1192 : vector<1x16xf32> to vector<16xf32>
        %add3A_1194 = arith.addf %add3A_1166, %get3A_1193 : vector<16xf32>
        %add3A_1195 = arith.constant 40 : i32
        %add3A_1196 = arith.addi %mul3A_66, %add3A_1195 : i32
        %get3A_1197 = arith.index_cast %add3A_1196 : i32 to index
        %get3A_1198 = arith.constant 48 : index
        %get3A_1199 = tpu.vector_load %arg6[%get3A_1197, %get3A_1198] {strides = array<i32>} : memref<800x64xf32, #tpu.memory_space<vmem>>, vector<1x16xf32>,
        %get3A_1200 = vector.shape_cast %get3A_1199 : vector<1x16xf32> to vector<16xf32>
        %add3A_1201 = arith.addf %add3A_1173, %get3A_1200 : vector<16xf32>
        %add3A_1202 = arith.constant 41 : i32
        %add3A_1203 = arith.addi %mul3A_66, %add3A_1202 : i32
        %get3A_1204 = arith.index_cast %add3A_1203 : i32 to index
        %get3A_1205 = arith.constant 0 : index
        %get3A_1206 = tpu.vector_load %arg6[%get3A_1204, %get3A_1205] {strides = array<i32>} : memref<800x64xf32, #tpu.memory_space<vmem>>, vector<1x16xf32>,
        %get3A_1207 = vector.shape_cast %get3A_1206 : vector<1x16xf32> to vector<16xf32>
        %add3A_1208 = arith.addf %add3A_1180, %get3A_1207 : vector<16xf32>
        %add3A_1209 = arith.constant 41 : i32
        %add3A_1210 = arith.addi %mul3A_66, %add3A_1209 : i32
        %get3A_1211 = arith.index_cast %add3A_1210 : i32 to index
        %get3A_1212 = arith.constant 16 : index
        %get3A_1213 = tpu.vector_load %arg6[%get3A_1211, %get3A_1212] {strides = array<i32>} : memref<800x64xf32, #tpu.memory_space<vmem>>, vector<1x16xf32>,
        %get3A_1214 = vector.shape_cast %get3A_1213 : vector<1x16xf32> to vector<16xf32>
        %add3A_1215 = arith.addf %add3A_1187, %get3A_1214 : vector<16xf32>
        %add3A_1216 = arith.constant 41 : i32
        %add3A_1217 = arith.addi %mul3A_66, %add3A_1216 : i32
        %get3A_1218 = arith.index_cast %add3A_1217 : i32 to index
        %get3A_1219 = arith.constant 32 : index
        %get3A_1220 = tpu.vector_load %arg6[%get3A_1218, %get3A_1219] {strides = array<i32>} : memref<800x64xf32, #tpu.memory_space<vmem>>, vector<1x16xf32>,
        %get3A_1221 = vector.shape_cast %get3A_1220 : vector<1x16xf32> to vector<16xf32>
        %add3A_1222 = arith.addf %add3A_1194, %get3A_1221 : vector<16xf32>
        %add3A_1223 = arith.constant 41 : i32
        %add3A_1224 = arith.addi %mul3A_66, %add3A_1223 : i32
        %get3A_1225 = arith.index_cast %add3A_1224 : i32 to index
        %get3A_1226 = arith.constant 48 : index
        %get3A_1227 = tpu.vector_load %arg6[%get3A_1225, %get3A_1226] {strides = array<i32>} : memref<800x64xf32, #tpu.memory_space<vmem>>, vector<1x16xf32>,
        %get3A_1228 = vector.shape_cast %get3A_1227 : vector<1x16xf32> to vector<16xf32>
        %add3A_1229 = arith.addf %add3A_1201, %get3A_1228 : vector<16xf32>
        %add3A_1230 = arith.constant 42 : i32
        %add3A_1231 = arith.addi %mul3A_66, %add3A_1230 : i32
        %get3A_1232 = arith.index_cast %add3A_1231 : i32 to index
        %get3A_1233 = arith.constant 0 : index
        %get3A_1234 = tpu.vector_load %arg6[%get3A_1232, %get3A_1233] {strides = array<i32>} : memref<800x64xf32, #tpu.memory_space<vmem>>, vector<1x16xf32>,
        %get3A_1235 = vector.shape_cast %get3A_1234 : vector<1x16xf32> to vector<16xf32>
        %add3A_1236 = arith.addf %add3A_1208, %get3A_1235 : vector<16xf32>
        %add3A_1237 = arith.constant 42 : i32
        %add3A_1238 = arith.addi %mul3A_66, %add3A_1237 : i32
        %get3A_1239 = arith.index_cast %add3A_1238 : i32 to index
        %get3A_1240 = arith.constant 16 : index
        %get3A_1241 = tpu.vector_load %arg6[%get3A_1239, %get3A_1240] {strides = array<i32>} : memref<800x64xf32, #tpu.memory_space<vmem>>, vector<1x16xf32>,
        %get3A_1242 = vector.shape_cast %get3A_1241 : vector<1x16xf32> to vector<16xf32>
        %add3A_1243 = arith.addf %add3A_1215, %get3A_1242 : vector<16xf32>
        %add3A_1244 = arith.constant 42 : i32
        %add3A_1245 = arith.addi %mul3A_66, %add3A_1244 : i32
        %get3A_1246 = arith.index_cast %add3A_1245 : i32 to index
        %get3A_1247 = arith.constant 32 : index
        %get3A_1248 = tpu.vector_load %arg6[%get3A_1246, %get3A_1247] {strides = array<i32>} : memref<800x64xf32, #tpu.memory_space<vmem>>, vector<1x16xf32>,
        %get3A_1249 = vector.shape_cast %get3A_1248 : vector<1x16xf32> to vector<16xf32>
        %add3A_1250 = arith.addf %add3A_1222, %get3A_1249 : vector<16xf32>
        %add3A_1251 = arith.constant 42 : i32
        %add3A_1252 = arith.addi %mul3A_66, %add3A_1251 : i32
        %get3A_1253 = arith.index_cast %add3A_1252 : i32 to index
        %get3A_1254 = arith.constant 48 : index
        %get3A_1255 = tpu.vector_load %arg6[%get3A_1253, %get3A_1254] {strides = array<i32>} : memref<800x64xf32, #tpu.memory_space<vmem>>, vector<1x16xf32>,
        %get3A_1256 = vector.shape_cast %get3A_1255 : vector<1x16xf32> to vector<16xf32>
        %add3A_1257 = arith.addf %add3A_1229, %get3A_1256 : vector<16xf32>
        %add3A_1258 = arith.constant 43 : i32
        %add3A_1259 = arith.addi %mul3A_66, %add3A_1258 : i32
        %get3A_1260 = arith.index_cast %add3A_1259 : i32 to index
        %get3A_1261 = arith.constant 0 : index
        %get3A_1262 = tpu.vector_load %arg6[%get3A_1260, %get3A_1261] {strides = array<i32>} : memref<800x64xf32, #tpu.memory_space<vmem>>, vector<1x16xf32>,
        %get3A_1263 = vector.shape_cast %get3A_1262 : vector<1x16xf32> to vector<16xf32>
        %add3A_1264 = arith.addf %add3A_1236, %get3A_1263 : vector<16xf32>
        %add3A_1265 = arith.constant 43 : i32
        %add3A_1266 = arith.addi %mul3A_66, %add3A_1265 : i32
        %get3A_1267 = arith.index_cast %add3A_1266 : i32 to index
        %get3A_1268 = arith.constant 16 : index
        %get3A_1269 = tpu.vector_load %arg6[%get3A_1267, %get3A_1268] {strides = array<i32>} : memref<800x64xf32, #tpu.memory_space<vmem>>, vector<1x16xf32>,
        %get3A_1270 = vector.shape_cast %get3A_1269 : vector<1x16xf32> to vector<16xf32>
        %add3A_1271 = arith.addf %add3A_1243, %get3A_1270 : vector<16xf32>
        %add3A_1272 = arith.constant 43 : i32
        %add3A_1273 = arith.addi %mul3A_66, %add3A_1272 : i32
        %get3A_1274 = arith.index_cast %add3A_1273 : i32 to index
        %get3A_1275 = arith.constant 32 : index
        %get3A_1276 = tpu.vector_load %arg6[%get3A_1274, %get3A_1275] {strides = array<i32>} : memref<800x64xf32, #tpu.memory_space<vmem>>, vector<1x16xf32>,
        %get3A_1277 = vector.shape_cast %get3A_1276 : vector<1x16xf32> to vector<16xf32>
        %add3A_1278 = arith.addf %add3A_1250, %get3A_1277 : vector<16xf32>
        %add3A_1279 = arith.constant 43 : i32
        %add3A_1280 = arith.addi %mul3A_66, %add3A_1279 : i32
        %get3A_1281 = arith.index_cast %add3A_1280 : i32 to index
        %get3A_1282 = arith.constant 48 : index
        %get3A_1283 = tpu.vector_load %arg6[%get3A_1281, %get3A_1282] {strides = array<i32>} : memref<800x64xf32, #tpu.memory_space<vmem>>, vector<1x16xf32>,
        %get3A_1284 = vector.shape_cast %get3A_1283 : vector<1x16xf32> to vector<16xf32>
        %add3A_1285 = arith.addf %add3A_1257, %get3A_1284 : vector<16xf32>
        %add3A_1286 = arith.constant 44 : i32
        %add3A_1287 = arith.addi %mul3A_66, %add3A_1286 : i32
        %get3A_1288 = arith.index_cast %add3A_1287 : i32 to index
        %get3A_1289 = arith.constant 0 : index
        %get3A_1290 = tpu.vector_load %arg6[%get3A_1288, %get3A_1289] {strides = array<i32>} : memref<800x64xf32, #tpu.memory_space<vmem>>, vector<1x16xf32>,
        %get3A_1291 = vector.shape_cast %get3A_1290 : vector<1x16xf32> to vector<16xf32>
        %add3A_1292 = arith.addf %add3A_1264, %get3A_1291 : vector<16xf32>
        %add3A_1293 = arith.constant 44 : i32
        %add3A_1294 = arith.addi %mul3A_66, %add3A_1293 : i32
        %get3A_1295 = arith.index_cast %add3A_1294 : i32 to index
        %get3A_1296 = arith.constant 16 : index
        %get3A_1297 = tpu.vector_load %arg6[%get3A_1295, %get3A_1296] {strides = array<i32>} : memref<800x64xf32, #tpu.memory_space<vmem>>, vector<1x16xf32>,
        %get3A_1298 = vector.shape_cast %get3A_1297 : vector<1x16xf32> to vector<16xf32>
        %add3A_1299 = arith.addf %add3A_1271, %get3A_1298 : vector<16xf32>
        %add3A_1300 = arith.constant 44 : i32
        %add3A_1301 = arith.addi %mul3A_66, %add3A_1300 : i32
        %get3A_1302 = arith.index_cast %add3A_1301 : i32 to index
        %get3A_1303 = arith.constant 32 : index
        %get3A_1304 = tpu.vector_load %arg6[%get3A_1302, %get3A_1303] {strides = array<i32>} : memref<800x64xf32, #tpu.memory_space<vmem>>, vector<1x16xf32>,
        %get3A_1305 = vector.shape_cast %get3A_1304 : vector<1x16xf32> to vector<16xf32>
        %add3A_1306 = arith.addf %add3A_1278, %get3A_1305 : vector<16xf32>
        %add3A_1307 = arith.constant 44 : i32
        %add3A_1308 = arith.addi %mul3A_66, %add3A_1307 : i32
        %get3A_1309 = arith.index_cast %add3A_1308 : i32 to index
        %get3A_1310 = arith.constant 48 : index
        %get3A_1311 = tpu.vector_load %arg6[%get3A_1309, %get3A_1310] {strides = array<i32>} : memref<800x64xf32, #tpu.memory_space<vmem>>, vector<1x16xf32>,
        %get3A_1312 = vector.shape_cast %get3A_1311 : vector<1x16xf32> to vector<16xf32>
        %add3A_1313 = arith.addf %add3A_1285, %get3A_1312 : vector<16xf32>
        %add3A_1314 = arith.constant 45 : i32
        %add3A_1315 = arith.addi %mul3A_66, %add3A_1314 : i32
        %get3A_1316 = arith.index_cast %add3A_1315 : i32 to index
        %get3A_1317 = arith.constant 0 : index
        %get3A_1318 = tpu.vector_load %arg6[%get3A_1316, %get3A_1317] {strides = array<i32>} : memref<800x64xf32, #tpu.memory_space<vmem>>, vector<1x16xf32>,
        %get3A_1319 = vector.shape_cast %get3A_1318 : vector<1x16xf32> to vector<16xf32>
        %add3A_1320 = arith.addf %add3A_1292, %get3A_1319 : vector<16xf32>
        %add3A_1321 = arith.constant 45 : i32
        %add3A_1322 = arith.addi %mul3A_66, %add3A_1321 : i32
        %get3A_1323 = arith.index_cast %add3A_1322 : i32 to index
        %get3A_1324 = arith.constant 16 : index
        %get3A_1325 = tpu.vector_load %arg6[%get3A_1323, %get3A_1324] {strides = array<i32>} : memref<800x64xf32, #tpu.memory_space<vmem>>, vector<1x16xf32>,
        %get3A_1326 = vector.shape_cast %get3A_1325 : vector<1x16xf32> to vector<16xf32>
        %add3A_1327 = arith.addf %add3A_1299, %get3A_1326 : vector<16xf32>
        %add3A_1328 = arith.constant 45 : i32
        %add3A_1329 = arith.addi %mul3A_66, %add3A_1328 : i32
        %get3A_1330 = arith.index_cast %add3A_1329 : i32 to index
        %get3A_1331 = arith.constant 32 : index
        %get3A_1332 = tpu.vector_load %arg6[%get3A_1330, %get3A_1331] {strides = array<i32>} : memref<800x64xf32, #tpu.memory_space<vmem>>, vector<1x16xf32>,
        %get3A_1333 = vector.shape_cast %get3A_1332 : vector<1x16xf32> to vector<16xf32>
        %add3A_1334 = arith.addf %add3A_1306, %get3A_1333 : vector<16xf32>
        %add3A_1335 = arith.constant 45 : i32
        %add3A_1336 = arith.addi %mul3A_66, %add3A_1335 : i32
        %get3A_1337 = arith.index_cast %add3A_1336 : i32 to index
        %get3A_1338 = arith.constant 48 : index
        %get3A_1339 = tpu.vector_load %arg6[%get3A_1337, %get3A_1338] {strides = array<i32>} : memref<800x64xf32, #tpu.memory_space<vmem>>, vector<1x16xf32>,
        %get3A_1340 = vector.shape_cast %get3A_1339 : vector<1x16xf32> to vector<16xf32>
        %add3A_1341 = arith.addf %add3A_1313, %get3A_1340 : vector<16xf32>
        %add3A_1342 = arith.constant 46 : i32
        %add3A_1343 = arith.addi %mul3A_66, %add3A_1342 : i32
        %get3A_1344 = arith.index_cast %add3A_1343 : i32 to index
        %get3A_1345 = arith.constant 0 : index
        %get3A_1346 = tpu.vector_load %arg6[%get3A_1344, %get3A_1345] {strides = array<i32>} : memref<800x64xf32, #tpu.memory_space<vmem>>, vector<1x16xf32>,
        %get3A_1347 = vector.shape_cast %get3A_1346 : vector<1x16xf32> to vector<16xf32>
        %add3A_1348 = arith.addf %add3A_1320, %get3A_1347 : vector<16xf32>
        %add3A_1349 = arith.constant 46 : i32
        %add3A_1350 = arith.addi %mul3A_66, %add3A_1349 : i32
        %get3A_1351 = arith.index_cast %add3A_1350 : i32 to index
        %get3A_1352 = arith.constant 16 : index
        %get3A_1353 = tpu.vector_load %arg6[%get3A_1351, %get3A_1352] {strides = array<i32>} : memref<800x64xf32, #tpu.memory_space<vmem>>, vector<1x16xf32>,
        %get3A_1354 = vector.shape_cast %get3A_1353 : vector<1x16xf32> to vector<16xf32>
        %add3A_1355 = arith.addf %add3A_1327, %get3A_1354 : vector<16xf32>
        %add3A_1356 = arith.constant 46 : i32
        %add3A_1357 = arith.addi %mul3A_66, %add3A_1356 : i32
        %get3A_1358 = arith.index_cast %add3A_1357 : i32 to index
        %get3A_1359 = arith.constant 32 : index
        %get3A_1360 = tpu.vector_load %arg6[%get3A_1358, %get3A_1359] {strides = array<i32>} : memref<800x64xf32, #tpu.memory_space<vmem>>, vector<1x16xf32>,
        %get3A_1361 = vector.shape_cast %get3A_1360 : vector<1x16xf32> to vector<16xf32>
        %add3A_1362 = arith.addf %add3A_1334, %get3A_1361 : vector<16xf32>
        %add3A_1363 = arith.constant 46 : i32
        %add3A_1364 = arith.addi %mul3A_66, %add3A_1363 : i32
        %get3A_1365 = arith.index_cast %add3A_1364 : i32 to index
        %get3A_1366 = arith.constant 48 : index
        %get3A_1367 = tpu.vector_load %arg6[%get3A_1365, %get3A_1366] {strides = array<i32>} : memref<800x64xf32, #tpu.memory_space<vmem>>, vector<1x16xf32>,
        %get3A_1368 = vector.shape_cast %get3A_1367 : vector<1x16xf32> to vector<16xf32>
        %add3A_1369 = arith.addf %add3A_1341, %get3A_1368 : vector<16xf32>
        %add3A_1370 = arith.constant 47 : i32
        %add3A_1371 = arith.addi %mul3A_66, %add3A_1370 : i32
        %get3A_1372 = arith.index_cast %add3A_1371 : i32 to index
        %get3A_1373 = arith.constant 0 : index
        %get3A_1374 = tpu.vector_load %arg6[%get3A_1372, %get3A_1373] {strides = array<i32>} : memref<800x64xf32, #tpu.memory_space<vmem>>, vector<1x16xf32>,
        %get3A_1375 = vector.shape_cast %get3A_1374 : vector<1x16xf32> to vector<16xf32>
        %add3A_1376 = arith.addf %add3A_1348, %get3A_1375 : vector<16xf32>
        %add3A_1377 = arith.constant 47 : i32
        %add3A_1378 = arith.addi %mul3A_66, %add3A_1377 : i32
        %get3A_1379 = arith.index_cast %add3A_1378 : i32 to index
        %get3A_1380 = arith.constant 16 : index
        %get3A_1381 = tpu.vector_load %arg6[%get3A_1379, %get3A_1380] {strides = array<i32>} : memref<800x64xf32, #tpu.memory_space<vmem>>, vector<1x16xf32>,
        %get3A_1382 = vector.shape_cast %get3A_1381 : vector<1x16xf32> to vector<16xf32>
        %add3A_1383 = arith.addf %add3A_1355, %get3A_1382 : vector<16xf32>
        %add3A_1384 = arith.constant 47 : i32
        %add3A_1385 = arith.addi %mul3A_66, %add3A_1384 : i32
        %get3A_1386 = arith.index_cast %add3A_1385 : i32 to index
        %get3A_1387 = arith.constant 32 : index
        %get3A_1388 = tpu.vector_load %arg6[%get3A_1386, %get3A_1387] {strides = array<i32>} : memref<800x64xf32, #tpu.memory_space<vmem>>, vector<1x16xf32>,
        %get3A_1389 = vector.shape_cast %get3A_1388 : vector<1x16xf32> to vector<16xf32>
        %add3A_1390 = arith.addf %add3A_1362, %get3A_1389 : vector<16xf32>
        %add3A_1391 = arith.constant 47 : i32
        %add3A_1392 = arith.addi %mul3A_66, %add3A_1391 : i32
        %get3A_1393 = arith.index_cast %add3A_1392 : i32 to index
        %get3A_1394 = arith.constant 48 : index
        %get3A_1395 = tpu.vector_load %arg6[%get3A_1393, %get3A_1394] {strides = array<i32>} : memref<800x64xf32, #tpu.memory_space<vmem>>, vector<1x16xf32>,
        %get3A_1396 = vector.shape_cast %get3A_1395 : vector<1x16xf32> to vector<16xf32>
        %add3A_1397 = arith.addf %add3A_1369, %get3A_1396 : vector<16xf32>
        %add3A_1398 = arith.constant 48 : i32
        %add3A_1399 = arith.addi %mul3A_66, %add3A_1398 : i32
        %get3A_1400 = arith.index_cast %add3A_1399 : i32 to index
        %get3A_1401 = arith.constant 0 : index
        %get3A_1402 = tpu.vector_load %arg6[%get3A_1400, %get3A_1401] {strides = array<i32>} : memref<800x64xf32, #tpu.memory_space<vmem>>, vector<1x16xf32>,
        %get3A_1403 = vector.shape_cast %get3A_1402 : vector<1x16xf32> to vector<16xf32>
        %add3A_1404 = arith.addf %add3A_1376, %get3A_1403 : vector<16xf32>
        %add3A_1405 = arith.constant 48 : i32
        %add3A_1406 = arith.addi %mul3A_66, %add3A_1405 : i32
        %get3A_1407 = arith.index_cast %add3A_1406 : i32 to index
        %get3A_1408 = arith.constant 16 : index
        %get3A_1409 = tpu.vector_load %arg6[%get3A_1407, %get3A_1408] {strides = array<i32>} : memref<800x64xf32, #tpu.memory_space<vmem>>, vector<1x16xf32>,
        %get3A_1410 = vector.shape_cast %get3A_1409 : vector<1x16xf32> to vector<16xf32>
        %add3A_1411 = arith.addf %add3A_1383, %get3A_1410 : vector<16xf32>
        %add3A_1412 = arith.constant 48 : i32
        %add3A_1413 = arith.addi %mul3A_66, %add3A_1412 : i32
        %get3A_1414 = arith.index_cast %add3A_1413 : i32 to index
        %get3A_1415 = arith.constant 32 : index
        %get3A_1416 = tpu.vector_load %arg6[%get3A_1414, %get3A_1415] {strides = array<i32>} : memref<800x64xf32, #tpu.memory_space<vmem>>, vector<1x16xf32>,
        %get3A_1417 = vector.shape_cast %get3A_1416 : vector<1x16xf32> to vector<16xf32>
        %add3A_1418 = arith.addf %add3A_1390, %get3A_1417 : vector<16xf32>
        %add3A_1419 = arith.constant 48 : i32
        %add3A_1420 = arith.addi %mul3A_66, %add3A_1419 : i32
        %get3A_1421 = arith.index_cast %add3A_1420 : i32 to index
        %get3A_1422 = arith.constant 48 : index
        %get3A_1423 = tpu.vector_load %arg6[%get3A_1421, %get3A_1422] {strides = array<i32>} : memref<800x64xf32, #tpu.memory_space<vmem>>, vector<1x16xf32>,
        %get3A_1424 = vector.shape_cast %get3A_1423 : vector<1x16xf32> to vector<16xf32>
        %add3A_1425 = arith.addf %add3A_1397, %get3A_1424 : vector<16xf32>
        %add3A_1426 = arith.constant 49 : i32
        %add3A_1427 = arith.addi %mul3A_66, %add3A_1426 : i32
        %get3A_1428 = arith.index_cast %add3A_1427 : i32 to index
        %get3A_1429 = arith.constant 0 : index
        %get3A_1430 = tpu.vector_load %arg6[%get3A_1428, %get3A_1429] {strides = array<i32>} : memref<800x64xf32, #tpu.memory_space<vmem>>, vector<1x16xf32>,
        %get3A_1431 = vector.shape_cast %get3A_1430 : vector<1x16xf32> to vector<16xf32>
        %add3A_1432 = arith.addf %add3A_1404, %get3A_1431 : vector<16xf32>
        %add3A_1433 = arith.constant 49 : i32
        %add3A_1434 = arith.addi %mul3A_66, %add3A_1433 : i32
        %get3A_1435 = arith.index_cast %add3A_1434 : i32 to index
        %get3A_1436 = arith.constant 16 : index
        %get3A_1437 = tpu.vector_load %arg6[%get3A_1435, %get3A_1436] {strides = array<i32>} : memref<800x64xf32, #tpu.memory_space<vmem>>, vector<1x16xf32>,
        %get3A_1438 = vector.shape_cast %get3A_1437 : vector<1x16xf32> to vector<16xf32>
        %add3A_1439 = arith.addf %add3A_1411, %get3A_1438 : vector<16xf32>
        %add3A_1440 = arith.constant 49 : i32
        %add3A_1441 = arith.addi %mul3A_66, %add3A_1440 : i32
        %get3A_1442 = arith.index_cast %add3A_1441 : i32 to index
        %get3A_1443 = arith.constant 32 : index
        %get3A_1444 = tpu.vector_load %arg6[%get3A_1442, %get3A_1443] {strides = array<i32>} : memref<800x64xf32, #tpu.memory_space<vmem>>, vector<1x16xf32>,
        %get3A_1445 = vector.shape_cast %get3A_1444 : vector<1x16xf32> to vector<16xf32>
        %add3A_1446 = arith.addf %add3A_1418, %get3A_1445 : vector<16xf32>
        %add3A_1447 = arith.constant 49 : i32
        %add3A_1448 = arith.addi %mul3A_66, %add3A_1447 : i32
        %get3A_1449 = arith.index_cast %add3A_1448 : i32 to index
        %get3A_1450 = arith.constant 48 : index
        %get3A_1451 = tpu.vector_load %arg6[%get3A_1449, %get3A_1450] {strides = array<i32>} : memref<800x64xf32, #tpu.memory_space<vmem>>, vector<1x16xf32>,
        %get3A_1452 = vector.shape_cast %get3A_1451 : vector<1x16xf32> to vector<16xf32>
        %add3A_1453 = arith.addf %add3A_1425, %get3A_1452 : vector<16xf32>
        %mul3A_1454 = arith.constant 2.000000e-02 : f32
        %mul3A_1455 = vector.broadcast %mul3A_1454 : f32 to vector<16xf32>
        %mul3A_1456 = arith.mulf %add3A_1432, %mul3A_1455 : vector<16xf32>
        %swap3A = arith.index_cast %scan3A_64 : i32 to index
        %swap3A_1457 = arith.constant 0 : index
        %swap3A_1458 = tpu.vector_load %arg8[%swap3A, %swap3A_1457] {strides = array<i32>} : memref<16x64xf32, #tpu.memory_space<vmem>>, vector<1x16xf32>,
        %swap3A_1459 = vector.shape_cast %swap3A_1458 : vector<1x16xf32> to vector<16xf32>
        %swap3A_1460 = vector.shape_cast %mul3A_1456 : vector<16xf32> to vector<1x16xf32>
        tpu.vector_store %arg8[%swap3A, %swap3A_1457], %swap3A_1460 {strides = array<i32>} : memref<16x64xf32, #tpu.memory_space<vmem>>, vector<1x16xf32>,
        %mul3A_1461 = arith.constant 2.000000e-02 : f32
        %mul3A_1462 = vector.broadcast %mul3A_1461 : f32 to vector<16xf32>
        %mul3A_1463 = arith.mulf %add3A_1439, %mul3A_1462 : vector<16xf32>
        %swap3A_1464 = arith.index_cast %scan3A_64 : i32 to index
        %swap3A_1465 = arith.constant 16 : index
        %swap3A_1466 = tpu.vector_load %arg8[%swap3A_1464, %swap3A_1465] {strides = array<i32>} : memref<16x64xf32, #tpu.memory_space<vmem>>, vector<1x16xf32>,
        %swap3A_1467 = vector.shape_cast %swap3A_1466 : vector<1x16xf32> to vector<16xf32>
        %swap3A_1468 = vector.shape_cast %mul3A_1463 : vector<16xf32> to vector<1x16xf32>
        tpu.vector_store %arg8[%swap3A_1464, %swap3A_1465], %swap3A_1468 {strides = array<i32>} : memref<16x64xf32, #tpu.memory_space<vmem>>, vector<1x16xf32>,
        %mul3A_1469 = arith.constant 2.000000e-02 : f32
        %mul3A_1470 = vector.broadcast %mul3A_1469 : f32 to vector<16xf32>
        %mul3A_1471 = arith.mulf %add3A_1446, %mul3A_1470 : vector<16xf32>
        %swap3A_1472 = arith.index_cast %scan3A_64 : i32 to index
        %swap3A_1473 = arith.constant 32 : index
        %swap3A_1474 = tpu.vector_load %arg8[%swap3A_1472, %swap3A_1473] {strides = array<i32>} : memref<16x64xf32, #tpu.memory_space<vmem>>, vector<1x16xf32>,
        %swap3A_1475 = vector.shape_cast %swap3A_1474 : vector<1x16xf32> to vector<16xf32>
        %swap3A_1476 = vector.shape_cast %mul3A_1471 : vector<16xf32> to vector<1x16xf32>
        tpu.vector_store %arg8[%swap3A_1472, %swap3A_1473], %swap3A_1476 {strides = array<i32>} : memref<16x64xf32, #tpu.memory_space<vmem>>, vector<1x16xf32>,
        %mul3A_1477 = arith.constant 2.000000e-02 : f32
        %mul3A_1478 = vector.broadcast %mul3A_1477 : f32 to vector<16xf32>
        %mul3A_1479 = arith.mulf %add3A_1453, %mul3A_1478 : vector<16xf32>
        %swap3A_1480 = arith.index_cast %scan3A_64 : i32 to index
        %swap3A_1481 = arith.constant 48 : index
        %swap3A_1482 = tpu.vector_load %arg8[%swap3A_1480, %swap3A_1481] {strides = array<i32>} : memref<16x64xf32, #tpu.memory_space<vmem>>, vector<1x16xf32>,
        %swap3A_1483 = vector.shape_cast %swap3A_1482 : vector<1x16xf32> to vector<16xf32>
        %swap3A_1484 = vector.shape_cast %mul3A_1479 : vector<16xf32> to vector<1x16xf32>
        tpu.vector_store %arg8[%swap3A_1480, %swap3A_1481], %swap3A_1484 {strides = array<i32>} : memref<16x64xf32, #tpu.memory_space<vmem>>, vector<1x16xf32>,
      }
      %scan3A_40 = arith.constant 16 : i32
      "tpu.region"() ({
        %run_scoped3A = tpu.sem_alloc : memref<!tpu.dma_semaphore, #tpu.memory_space<semaphore_mem>>
        %dma_start3A_64 = arith.constant 0 : i32
        %dma_start3A_65 = tpu.memref_slice %arg4[%add3A_34, %dma_start3A_64] : memref<16384x64xf32, #tpu.memory_space<hbm>> -> memref<16x64xf32, #tpu.memory_space<hbm>>
        %dma_start3A_66 = arith.constant 0 : i32
        %dma_start3A_67 = tpu.memref_slice %arg4[%add3A_34, %dma_start3A_66] : memref<16384x64xf32, #tpu.memory_space<hbm>> -> memref<16x64xf32, #tpu.memory_space<hbm>>
        tpu.enqueue_dma source(%arg8 : memref<16x64xf32, #tpu.memory_space<vmem>>) target(%dma_start3A_67 : memref<16x64xf32, #tpu.memory_space<hbm>>) target_semaphore(%run_scoped3A : memref<!tpu.dma_semaphore, #tpu.memory_space<semaphore_mem>>)
        %dma_wait3A_68 = arith.constant 0 : i32
        %dma_wait3A_69 = tpu.memref_slice %arg4[%add3A_34, %dma_wait3A_68] : memref<16384x64xf32, #tpu.memory_space<hbm>> -> memref<16x64xf32, #tpu.memory_space<hbm>>
        %dma_wait3A_70 = arith.constant 0 : i32
        %dma_wait3A_71 = tpu.memref_slice %arg4[%add3A_34, %dma_wait3A_70] : memref<16384x64xf32, #tpu.memory_space<hbm>> -> memref<16x64xf32, #tpu.memory_space<hbm>>
        tpu.wait_dma2 semaphore(%run_scoped3A : memref<!tpu.dma_semaphore, #tpu.memory_space<semaphore_mem>>) src(%arg8 : memref<16x64xf32, #tpu.memory_space<vmem>>) dst(%dma_wait3A_71 : memref<16x64xf32, #tpu.memory_space<hbm>>)
        tpu.yield
      }) : () -> ()
      %add3A_41 = arith.constant 2 : i32
      %add3A_42 = arith.addi %mul3A_18, %add3A_41 : i32
      %lt3A = arith.constant 32 : i32
      %lt3A_43 = arith.cmpi slt, %add3A_42, %lt3A : i32
      %convert_element_type3A = arith.extui %lt3A_43 : i1 to i32
      %cond3A = arith.constant 0 : i32
      %cond3A_44 = arith.cmpi ne, %convert_element_type3A, %cond3A : i32
      scf.if %cond3A_44 {
        %add3A_64 = arith.constant 2 : i32
        %add3A_65 = arith.addi %mul3A_18, %add3A_64 : i32
        %dma_start3A_66 = arith.constant 0 : i32
        %dma_start3A_67 = tpu.memref_slice %arg5[%add3A_65, %dma_start3A_66] : memref<32x800xi32, #tpu.memory_space<vmem>> -> memref<1x800xi32, #tpu.memory_space<vmem>>
        %dma_start3A_68 = tpu.memref_squeeze %dma_start3A_67 : memref<1x800xi32, #tpu.memory_space<vmem>> -> memref<800xi32, #tpu.memory_space<vmem>>
        %dma_start3A_69 = arith.constant 0 : i32
        %dma_start3A_70 = arith.constant 0 : i32
        %dma_start3A_71 = tpu.memref_slice %arg3[%dma_start3A_69, %dma_start3A_70] : memref<1000000x64xf32, #tpu.memory_space<hbm>> -> memref<1000000x64xf32, #tpu.memory_space<hbm>>
        tpu.enqueue_indirect_dma source(%dma_start3A_71 : memref<1000000x64xf32, #tpu.memory_space<hbm>>) target(%arg6 : memref<800x64xf32, #tpu.memory_space<vmem>>) offsets(%dma_start3A_68 : memref<800xi32, #tpu.memory_space<vmem>>) semaphore(%arg9 : memref<!tpu.dma_semaphore, #tpu.memory_space<semaphore_mem>>)
      } else {
      }
      %add3A_45 = arith.constant 1 : i32
      %add3A_46 = arith.addi %mul3A_18, %add3A_45 : i32
      %dma_wait3A_47 = arith.constant 0 : i32
      %dma_wait3A_48 = tpu.memref_slice %arg5[%add3A_46, %dma_wait3A_47] : memref<32x800xi32, #tpu.memory_space<vmem>> -> memref<1x800xi32, #tpu.memory_space<vmem>>
      %dma_wait3A_49 = tpu.memref_squeeze %dma_wait3A_48 : memref<1x800xi32, #tpu.memory_space<vmem>> -> memref<800xi32, #tpu.memory_space<vmem>>
      %dma_wait3A_50 = arith.constant 0 : i32
      %dma_wait3A_51 = arith.constant 0 : i32
      %dma_wait3A_52 = tpu.memref_slice %arg3[%dma_wait3A_50, %dma_wait3A_51] : memref<1000000x64xf32, #tpu.memory_space<hbm>> -> memref<1000000x64xf32, #tpu.memory_space<hbm>>
      tpu.wait_indirect_dma semaphore(%arg10 : memref<!tpu.dma_semaphore, #tpu.memory_space<semaphore_mem>>) src(%dma_wait3A_52 : memref<1000000x64xf32, #tpu.memory_space<hbm>>) dst(%arg7 : memref<800x64xf32, #tpu.memory_space<vmem>>)
      %add3A_53 = arith.constant 1 : i32
      %add3A_54 = arith.addi %mul3A_18, %add3A_53 : i32
      %mul3A_55 = arith.constant 16 : i32
      %mul3A_56 = arith.muli %add3A_54, %mul3A_55 : i32
      %add3A_57 = arith.addi %mul3A_2, %mul3A_56 : i32
      %scan3A_58 = arith.constant 0 : i32
      %scan3A_59 = arith.constant 0 : i32
      %scan3A_60 = arith.constant 16 : i32
      %scan3A_61 = arith.addi %scan3A_59, %scan3A_60 : i32
      %scan3A_62 = arith.constant 1 : i32
      scf.for %scan3A_64 = %scan3A_59 to %scan3A_61 step %scan3A_62  : i32 {
        %mul3A_65 = arith.constant 50 : i32
        %mul3A_66 = arith.muli %scan3A_64, %mul3A_65 : i32
        %get3A = arith.index_cast %mul3A_66 : i32 to index
        %get3A_67 = arith.constant 0 : index
        %get3A_68 = tpu.vector_load %arg7[%get3A, %get3A_67] {strides = array<i32>} : memref<800x64xf32, #tpu.memory_space<vmem>>, vector<1x16xf32>,
        %get3A_69 = vector.shape_cast %get3A_68 : vector<1x16xf32> to vector<16xf32>
        %get3A_70 = arith.index_cast %mul3A_66 : i32 to index
        %get3A_71 = arith.constant 16 : index
        %get3A_72 = tpu.vector_load %arg7[%get3A_70, %get3A_71] {strides = array<i32>} : memref<800x64xf32, #tpu.memory_space<vmem>>, vector<1x16xf32>,
        %get3A_73 = vector.shape_cast %get3A_72 : vector<1x16xf32> to vector<16xf32>
        %get3A_74 = arith.index_cast %mul3A_66 : i32 to index
        %get3A_75 = arith.constant 32 : index
        %get3A_76 = tpu.vector_load %arg7[%get3A_74, %get3A_75] {strides = array<i32>} : memref<800x64xf32, #tpu.memory_space<vmem>>, vector<1x16xf32>,
        %get3A_77 = vector.shape_cast %get3A_76 : vector<1x16xf32> to vector<16xf32>
        %get3A_78 = arith.index_cast %mul3A_66 : i32 to index
        %get3A_79 = arith.constant 48 : index
        %get3A_80 = tpu.vector_load %arg7[%get3A_78, %get3A_79] {strides = array<i32>} : memref<800x64xf32, #tpu.memory_space<vmem>>, vector<1x16xf32>,
        %get3A_81 = vector.shape_cast %get3A_80 : vector<1x16xf32> to vector<16xf32>
        %add3A_82 = arith.constant 1 : i32
        %add3A_83 = arith.addi %mul3A_66, %add3A_82 : i32
        %get3A_84 = arith.index_cast %add3A_83 : i32 to index
        %get3A_85 = arith.constant 0 : index
        %get3A_86 = tpu.vector_load %arg7[%get3A_84, %get3A_85] {strides = array<i32>} : memref<800x64xf32, #tpu.memory_space<vmem>>, vector<1x16xf32>,
        %get3A_87 = vector.shape_cast %get3A_86 : vector<1x16xf32> to vector<16xf32>
        %add3A_88 = arith.addf %get3A_69, %get3A_87 : vector<16xf32>
        %add3A_89 = arith.constant 1 : i32
        %add3A_90 = arith.addi %mul3A_66, %add3A_89 : i32
        %get3A_91 = arith.index_cast %add3A_90 : i32 to index
        %get3A_92 = arith.constant 16 : index
        %get3A_93 = tpu.vector_load %arg7[%get3A_91, %get3A_92] {strides = array<i32>} : memref<800x64xf32, #tpu.memory_space<vmem>>, vector<1x16xf32>,
        %get3A_94 = vector.shape_cast %get3A_93 : vector<1x16xf32> to vector<16xf32>
        %add3A_95 = arith.addf %get3A_73, %get3A_94 : vector<16xf32>
        %add3A_96 = arith.constant 1 : i32
        %add3A_97 = arith.addi %mul3A_66, %add3A_96 : i32
        %get3A_98 = arith.index_cast %add3A_97 : i32 to index
        %get3A_99 = arith.constant 32 : index
        %get3A_100 = tpu.vector_load %arg7[%get3A_98, %get3A_99] {strides = array<i32>} : memref<800x64xf32, #tpu.memory_space<vmem>>, vector<1x16xf32>,
        %get3A_101 = vector.shape_cast %get3A_100 : vector<1x16xf32> to vector<16xf32>
        %add3A_102 = arith.addf %get3A_77, %get3A_101 : vector<16xf32>
        %add3A_103 = arith.constant 1 : i32
        %add3A_104 = arith.addi %mul3A_66, %add3A_103 : i32
        %get3A_105 = arith.index_cast %add3A_104 : i32 to index
        %get3A_106 = arith.constant 48 : index
        %get3A_107 = tpu.vector_load %arg7[%get3A_105, %get3A_106] {strides = array<i32>} : memref<800x64xf32, #tpu.memory_space<vmem>>, vector<1x16xf32>,
        %get3A_108 = vector.shape_cast %get3A_107 : vector<1x16xf32> to vector<16xf32>
        %add3A_109 = arith.addf %get3A_81, %get3A_108 : vector<16xf32>
        %add3A_110 = arith.constant 2 : i32
        %add3A_111 = arith.addi %mul3A_66, %add3A_110 : i32
        %get3A_112 = arith.index_cast %add3A_111 : i32 to index
        %get3A_113 = arith.constant 0 : index
        %get3A_114 = tpu.vector_load %arg7[%get3A_112, %get3A_113] {strides = array<i32>} : memref<800x64xf32, #tpu.memory_space<vmem>>, vector<1x16xf32>,
        %get3A_115 = vector.shape_cast %get3A_114 : vector<1x16xf32> to vector<16xf32>
        %add3A_116 = arith.addf %add3A_88, %get3A_115 : vector<16xf32>
        %add3A_117 = arith.constant 2 : i32
        %add3A_118 = arith.addi %mul3A_66, %add3A_117 : i32
        %get3A_119 = arith.index_cast %add3A_118 : i32 to index
        %get3A_120 = arith.constant 16 : index
        %get3A_121 = tpu.vector_load %arg7[%get3A_119, %get3A_120] {strides = array<i32>} : memref<800x64xf32, #tpu.memory_space<vmem>>, vector<1x16xf32>,
        %get3A_122 = vector.shape_cast %get3A_121 : vector<1x16xf32> to vector<16xf32>
        %add3A_123 = arith.addf %add3A_95, %get3A_122 : vector<16xf32>
        %add3A_124 = arith.constant 2 : i32
        %add3A_125 = arith.addi %mul3A_66, %add3A_124 : i32
        %get3A_126 = arith.index_cast %add3A_125 : i32 to index
        %get3A_127 = arith.constant 32 : index
        %get3A_128 = tpu.vector_load %arg7[%get3A_126, %get3A_127] {strides = array<i32>} : memref<800x64xf32, #tpu.memory_space<vmem>>, vector<1x16xf32>,
        %get3A_129 = vector.shape_cast %get3A_128 : vector<1x16xf32> to vector<16xf32>
        %add3A_130 = arith.addf %add3A_102, %get3A_129 : vector<16xf32>
        %add3A_131 = arith.constant 2 : i32
        %add3A_132 = arith.addi %mul3A_66, %add3A_131 : i32
        %get3A_133 = arith.index_cast %add3A_132 : i32 to index
        %get3A_134 = arith.constant 48 : index
        %get3A_135 = tpu.vector_load %arg7[%get3A_133, %get3A_134] {strides = array<i32>} : memref<800x64xf32, #tpu.memory_space<vmem>>, vector<1x16xf32>,
        %get3A_136 = vector.shape_cast %get3A_135 : vector<1x16xf32> to vector<16xf32>
        %add3A_137 = arith.addf %add3A_109, %get3A_136 : vector<16xf32>
        %add3A_138 = arith.constant 3 : i32
        %add3A_139 = arith.addi %mul3A_66, %add3A_138 : i32
        %get3A_140 = arith.index_cast %add3A_139 : i32 to index
        %get3A_141 = arith.constant 0 : index
        %get3A_142 = tpu.vector_load %arg7[%get3A_140, %get3A_141] {strides = array<i32>} : memref<800x64xf32, #tpu.memory_space<vmem>>, vector<1x16xf32>,
        %get3A_143 = vector.shape_cast %get3A_142 : vector<1x16xf32> to vector<16xf32>
        %add3A_144 = arith.addf %add3A_116, %get3A_143 : vector<16xf32>
        %add3A_145 = arith.constant 3 : i32
        %add3A_146 = arith.addi %mul3A_66, %add3A_145 : i32
        %get3A_147 = arith.index_cast %add3A_146 : i32 to index
        %get3A_148 = arith.constant 16 : index
        %get3A_149 = tpu.vector_load %arg7[%get3A_147, %get3A_148] {strides = array<i32>} : memref<800x64xf32, #tpu.memory_space<vmem>>, vector<1x16xf32>,
        %get3A_150 = vector.shape_cast %get3A_149 : vector<1x16xf32> to vector<16xf32>
        %add3A_151 = arith.addf %add3A_123, %get3A_150 : vector<16xf32>
        %add3A_152 = arith.constant 3 : i32
        %add3A_153 = arith.addi %mul3A_66, %add3A_152 : i32
        %get3A_154 = arith.index_cast %add3A_153 : i32 to index
        %get3A_155 = arith.constant 32 : index
        %get3A_156 = tpu.vector_load %arg7[%get3A_154, %get3A_155] {strides = array<i32>} : memref<800x64xf32, #tpu.memory_space<vmem>>, vector<1x16xf32>,
        %get3A_157 = vector.shape_cast %get3A_156 : vector<1x16xf32> to vector<16xf32>
        %add3A_158 = arith.addf %add3A_130, %get3A_157 : vector<16xf32>
        %add3A_159 = arith.constant 3 : i32
        %add3A_160 = arith.addi %mul3A_66, %add3A_159 : i32
        %get3A_161 = arith.index_cast %add3A_160 : i32 to index
        %get3A_162 = arith.constant 48 : index
        %get3A_163 = tpu.vector_load %arg7[%get3A_161, %get3A_162] {strides = array<i32>} : memref<800x64xf32, #tpu.memory_space<vmem>>, vector<1x16xf32>,
        %get3A_164 = vector.shape_cast %get3A_163 : vector<1x16xf32> to vector<16xf32>
        %add3A_165 = arith.addf %add3A_137, %get3A_164 : vector<16xf32>
        %add3A_166 = arith.constant 4 : i32
        %add3A_167 = arith.addi %mul3A_66, %add3A_166 : i32
        %get3A_168 = arith.index_cast %add3A_167 : i32 to index
        %get3A_169 = arith.constant 0 : index
        %get3A_170 = tpu.vector_load %arg7[%get3A_168, %get3A_169] {strides = array<i32>} : memref<800x64xf32, #tpu.memory_space<vmem>>, vector<1x16xf32>,
        %get3A_171 = vector.shape_cast %get3A_170 : vector<1x16xf32> to vector<16xf32>
        %add3A_172 = arith.addf %add3A_144, %get3A_171 : vector<16xf32>
        %add3A_173 = arith.constant 4 : i32
        %add3A_174 = arith.addi %mul3A_66, %add3A_173 : i32
        %get3A_175 = arith.index_cast %add3A_174 : i32 to index
        %get3A_176 = arith.constant 16 : index
        %get3A_177 = tpu.vector_load %arg7[%get3A_175, %get3A_176] {strides = array<i32>} : memref<800x64xf32, #tpu.memory_space<vmem>>, vector<1x16xf32>,
        %get3A_178 = vector.shape_cast %get3A_177 : vector<1x16xf32> to vector<16xf32>
        %add3A_179 = arith.addf %add3A_151, %get3A_178 : vector<16xf32>
        %add3A_180 = arith.constant 4 : i32
        %add3A_181 = arith.addi %mul3A_66, %add3A_180 : i32
        %get3A_182 = arith.index_cast %add3A_181 : i32 to index
        %get3A_183 = arith.constant 32 : index
        %get3A_184 = tpu.vector_load %arg7[%get3A_182, %get3A_183] {strides = array<i32>} : memref<800x64xf32, #tpu.memory_space<vmem>>, vector<1x16xf32>,
        %get3A_185 = vector.shape_cast %get3A_184 : vector<1x16xf32> to vector<16xf32>
        %add3A_186 = arith.addf %add3A_158, %get3A_185 : vector<16xf32>
        %add3A_187 = arith.constant 4 : i32
        %add3A_188 = arith.addi %mul3A_66, %add3A_187 : i32
        %get3A_189 = arith.index_cast %add3A_188 : i32 to index
        %get3A_190 = arith.constant 48 : index
        %get3A_191 = tpu.vector_load %arg7[%get3A_189, %get3A_190] {strides = array<i32>} : memref<800x64xf32, #tpu.memory_space<vmem>>, vector<1x16xf32>,
        %get3A_192 = vector.shape_cast %get3A_191 : vector<1x16xf32> to vector<16xf32>
        %add3A_193 = arith.addf %add3A_165, %get3A_192 : vector<16xf32>
        %add3A_194 = arith.constant 5 : i32
        %add3A_195 = arith.addi %mul3A_66, %add3A_194 : i32
        %get3A_196 = arith.index_cast %add3A_195 : i32 to index
        %get3A_197 = arith.constant 0 : index
        %get3A_198 = tpu.vector_load %arg7[%get3A_196, %get3A_197] {strides = array<i32>} : memref<800x64xf32, #tpu.memory_space<vmem>>, vector<1x16xf32>,
        %get3A_199 = vector.shape_cast %get3A_198 : vector<1x16xf32> to vector<16xf32>
        %add3A_200 = arith.addf %add3A_172, %get3A_199 : vector<16xf32>
        %add3A_201 = arith.constant 5 : i32
        %add3A_202 = arith.addi %mul3A_66, %add3A_201 : i32
        %get3A_203 = arith.index_cast %add3A_202 : i32 to index
        %get3A_204 = arith.constant 16 : index
        %get3A_205 = tpu.vector_load %arg7[%get3A_203, %get3A_204] {strides = array<i32>} : memref<800x64xf32, #tpu.memory_space<vmem>>, vector<1x16xf32>,
        %get3A_206 = vector.shape_cast %get3A_205 : vector<1x16xf32> to vector<16xf32>
        %add3A_207 = arith.addf %add3A_179, %get3A_206 : vector<16xf32>
        %add3A_208 = arith.constant 5 : i32
        %add3A_209 = arith.addi %mul3A_66, %add3A_208 : i32
        %get3A_210 = arith.index_cast %add3A_209 : i32 to index
        %get3A_211 = arith.constant 32 : index
        %get3A_212 = tpu.vector_load %arg7[%get3A_210, %get3A_211] {strides = array<i32>} : memref<800x64xf32, #tpu.memory_space<vmem>>, vector<1x16xf32>,
        %get3A_213 = vector.shape_cast %get3A_212 : vector<1x16xf32> to vector<16xf32>
        %add3A_214 = arith.addf %add3A_186, %get3A_213 : vector<16xf32>
        %add3A_215 = arith.constant 5 : i32
        %add3A_216 = arith.addi %mul3A_66, %add3A_215 : i32
        %get3A_217 = arith.index_cast %add3A_216 : i32 to index
        %get3A_218 = arith.constant 48 : index
        %get3A_219 = tpu.vector_load %arg7[%get3A_217, %get3A_218] {strides = array<i32>} : memref<800x64xf32, #tpu.memory_space<vmem>>, vector<1x16xf32>,
        %get3A_220 = vector.shape_cast %get3A_219 : vector<1x16xf32> to vector<16xf32>
        %add3A_221 = arith.addf %add3A_193, %get3A_220 : vector<16xf32>
        %add3A_222 = arith.constant 6 : i32
        %add3A_223 = arith.addi %mul3A_66, %add3A_222 : i32
        %get3A_224 = arith.index_cast %add3A_223 : i32 to index
        %get3A_225 = arith.constant 0 : index
        %get3A_226 = tpu.vector_load %arg7[%get3A_224, %get3A_225] {strides = array<i32>} : memref<800x64xf32, #tpu.memory_space<vmem>>, vector<1x16xf32>,
        %get3A_227 = vector.shape_cast %get3A_226 : vector<1x16xf32> to vector<16xf32>
        %add3A_228 = arith.addf %add3A_200, %get3A_227 : vector<16xf32>
        %add3A_229 = arith.constant 6 : i32
        %add3A_230 = arith.addi %mul3A_66, %add3A_229 : i32
        %get3A_231 = arith.index_cast %add3A_230 : i32 to index
        %get3A_232 = arith.constant 16 : index
        %get3A_233 = tpu.vector_load %arg7[%get3A_231, %get3A_232] {strides = array<i32>} : memref<800x64xf32, #tpu.memory_space<vmem>>, vector<1x16xf32>,
        %get3A_234 = vector.shape_cast %get3A_233 : vector<1x16xf32> to vector<16xf32>
        %add3A_235 = arith.addf %add3A_207, %get3A_234 : vector<16xf32>
        %add3A_236 = arith.constant 6 : i32
        %add3A_237 = arith.addi %mul3A_66, %add3A_236 : i32
        %get3A_238 = arith.index_cast %add3A_237 : i32 to index
        %get3A_239 = arith.constant 32 : index
        %get3A_240 = tpu.vector_load %arg7[%get3A_238, %get3A_239] {strides = array<i32>} : memref<800x64xf32, #tpu.memory_space<vmem>>, vector<1x16xf32>,
        %get3A_241 = vector.shape_cast %get3A_240 : vector<1x16xf32> to vector<16xf32>
        %add3A_242 = arith.addf %add3A_214, %get3A_241 : vector<16xf32>
        %add3A_243 = arith.constant 6 : i32
        %add3A_244 = arith.addi %mul3A_66, %add3A_243 : i32
        %get3A_245 = arith.index_cast %add3A_244 : i32 to index
        %get3A_246 = arith.constant 48 : index
        %get3A_247 = tpu.vector_load %arg7[%get3A_245, %get3A_246] {strides = array<i32>} : memref<800x64xf32, #tpu.memory_space<vmem>>, vector<1x16xf32>,
        %get3A_248 = vector.shape_cast %get3A_247 : vector<1x16xf32> to vector<16xf32>
        %add3A_249 = arith.addf %add3A_221, %get3A_248 : vector<16xf32>
        %add3A_250 = arith.constant 7 : i32
        %add3A_251 = arith.addi %mul3A_66, %add3A_250 : i32
        %get3A_252 = arith.index_cast %add3A_251 : i32 to index
        %get3A_253 = arith.constant 0 : index
        %get3A_254 = tpu.vector_load %arg7[%get3A_252, %get3A_253] {strides = array<i32>} : memref<800x64xf32, #tpu.memory_space<vmem>>, vector<1x16xf32>,
        %get3A_255 = vector.shape_cast %get3A_254 : vector<1x16xf32> to vector<16xf32>
        %add3A_256 = arith.addf %add3A_228, %get3A_255 : vector<16xf32>
        %add3A_257 = arith.constant 7 : i32
        %add3A_258 = arith.addi %mul3A_66, %add3A_257 : i32
        %get3A_259 = arith.index_cast %add3A_258 : i32 to index
        %get3A_260 = arith.constant 16 : index
        %get3A_261 = tpu.vector_load %arg7[%get3A_259, %get3A_260] {strides = array<i32>} : memref<800x64xf32, #tpu.memory_space<vmem>>, vector<1x16xf32>,
        %get3A_262 = vector.shape_cast %get3A_261 : vector<1x16xf32> to vector<16xf32>
        %add3A_263 = arith.addf %add3A_235, %get3A_262 : vector<16xf32>
        %add3A_264 = arith.constant 7 : i32
        %add3A_265 = arith.addi %mul3A_66, %add3A_264 : i32
        %get3A_266 = arith.index_cast %add3A_265 : i32 to index
        %get3A_267 = arith.constant 32 : index
        %get3A_268 = tpu.vector_load %arg7[%get3A_266, %get3A_267] {strides = array<i32>} : memref<800x64xf32, #tpu.memory_space<vmem>>, vector<1x16xf32>,
        %get3A_269 = vector.shape_cast %get3A_268 : vector<1x16xf32> to vector<16xf32>
        %add3A_270 = arith.addf %add3A_242, %get3A_269 : vector<16xf32>
        %add3A_271 = arith.constant 7 : i32
        %add3A_272 = arith.addi %mul3A_66, %add3A_271 : i32
        %get3A_273 = arith.index_cast %add3A_272 : i32 to index
        %get3A_274 = arith.constant 48 : index
        %get3A_275 = tpu.vector_load %arg7[%get3A_273, %get3A_274] {strides = array<i32>} : memref<800x64xf32, #tpu.memory_space<vmem>>, vector<1x16xf32>,
        %get3A_276 = vector.shape_cast %get3A_275 : vector<1x16xf32> to vector<16xf32>
        %add3A_277 = arith.addf %add3A_249, %get3A_276 : vector<16xf32>
        %add3A_278 = arith.constant 8 : i32
        %add3A_279 = arith.addi %mul3A_66, %add3A_278 : i32
        %get3A_280 = arith.index_cast %add3A_279 : i32 to index
        %get3A_281 = arith.constant 0 : index
        %get3A_282 = tpu.vector_load %arg7[%get3A_280, %get3A_281] {strides = array<i32>} : memref<800x64xf32, #tpu.memory_space<vmem>>, vector<1x16xf32>,
        %get3A_283 = vector.shape_cast %get3A_282 : vector<1x16xf32> to vector<16xf32>
        %add3A_284 = arith.addf %add3A_256, %get3A_283 : vector<16xf32>
        %add3A_285 = arith.constant 8 : i32
        %add3A_286 = arith.addi %mul3A_66, %add3A_285 : i32
        %get3A_287 = arith.index_cast %add3A_286 : i32 to index
        %get3A_288 = arith.constant 16 : index
        %get3A_289 = tpu.vector_load %arg7[%get3A_287, %get3A_288] {strides = array<i32>} : memref<800x64xf32, #tpu.memory_space<vmem>>, vector<1x16xf32>,
        %get3A_290 = vector.shape_cast %get3A_289 : vector<1x16xf32> to vector<16xf32>
        %add3A_291 = arith.addf %add3A_263, %get3A_290 : vector<16xf32>
        %add3A_292 = arith.constant 8 : i32
        %add3A_293 = arith.addi %mul3A_66, %add3A_292 : i32
        %get3A_294 = arith.index_cast %add3A_293 : i32 to index
        %get3A_295 = arith.constant 32 : index
        %get3A_296 = tpu.vector_load %arg7[%get3A_294, %get3A_295] {strides = array<i32>} : memref<800x64xf32, #tpu.memory_space<vmem>>, vector<1x16xf32>,
        %get3A_297 = vector.shape_cast %get3A_296 : vector<1x16xf32> to vector<16xf32>
        %add3A_298 = arith.addf %add3A_270, %get3A_297 : vector<16xf32>
        %add3A_299 = arith.constant 8 : i32
        %add3A_300 = arith.addi %mul3A_66, %add3A_299 : i32
        %get3A_301 = arith.index_cast %add3A_300 : i32 to index
        %get3A_302 = arith.constant 48 : index
        %get3A_303 = tpu.vector_load %arg7[%get3A_301, %get3A_302] {strides = array<i32>} : memref<800x64xf32, #tpu.memory_space<vmem>>, vector<1x16xf32>,
        %get3A_304 = vector.shape_cast %get3A_303 : vector<1x16xf32> to vector<16xf32>
        %add3A_305 = arith.addf %add3A_277, %get3A_304 : vector<16xf32>
        %add3A_306 = arith.constant 9 : i32
        %add3A_307 = arith.addi %mul3A_66, %add3A_306 : i32
        %get3A_308 = arith.index_cast %add3A_307 : i32 to index
        %get3A_309 = arith.constant 0 : index
        %get3A_310 = tpu.vector_load %arg7[%get3A_308, %get3A_309] {strides = array<i32>} : memref<800x64xf32, #tpu.memory_space<vmem>>, vector<1x16xf32>,
        %get3A_311 = vector.shape_cast %get3A_310 : vector<1x16xf32> to vector<16xf32>
        %add3A_312 = arith.addf %add3A_284, %get3A_311 : vector<16xf32>
        %add3A_313 = arith.constant 9 : i32
        %add3A_314 = arith.addi %mul3A_66, %add3A_313 : i32
        %get3A_315 = arith.index_cast %add3A_314 : i32 to index
        %get3A_316 = arith.constant 16 : index
        %get3A_317 = tpu.vector_load %arg7[%get3A_315, %get3A_316] {strides = array<i32>} : memref<800x64xf32, #tpu.memory_space<vmem>>, vector<1x16xf32>,
        %get3A_318 = vector.shape_cast %get3A_317 : vector<1x16xf32> to vector<16xf32>
        %add3A_319 = arith.addf %add3A_291, %get3A_318 : vector<16xf32>
        %add3A_320 = arith.constant 9 : i32
        %add3A_321 = arith.addi %mul3A_66, %add3A_320 : i32
        %get3A_322 = arith.index_cast %add3A_321 : i32 to index
        %get3A_323 = arith.constant 32 : index
        %get3A_324 = tpu.vector_load %arg7[%get3A_322, %get3A_323] {strides = array<i32>} : memref<800x64xf32, #tpu.memory_space<vmem>>, vector<1x16xf32>,
        %get3A_325 = vector.shape_cast %get3A_324 : vector<1x16xf32> to vector<16xf32>
        %add3A_326 = arith.addf %add3A_298, %get3A_325 : vector<16xf32>
        %add3A_327 = arith.constant 9 : i32
        %add3A_328 = arith.addi %mul3A_66, %add3A_327 : i32
        %get3A_329 = arith.index_cast %add3A_328 : i32 to index
        %get3A_330 = arith.constant 48 : index
        %get3A_331 = tpu.vector_load %arg7[%get3A_329, %get3A_330] {strides = array<i32>} : memref<800x64xf32, #tpu.memory_space<vmem>>, vector<1x16xf32>,
        %get3A_332 = vector.shape_cast %get3A_331 : vector<1x16xf32> to vector<16xf32>
        %add3A_333 = arith.addf %add3A_305, %get3A_332 : vector<16xf32>
        %add3A_334 = arith.constant 10 : i32
        %add3A_335 = arith.addi %mul3A_66, %add3A_334 : i32
        %get3A_336 = arith.index_cast %add3A_335 : i32 to index
        %get3A_337 = arith.constant 0 : index
        %get3A_338 = tpu.vector_load %arg7[%get3A_336, %get3A_337] {strides = array<i32>} : memref<800x64xf32, #tpu.memory_space<vmem>>, vector<1x16xf32>,
        %get3A_339 = vector.shape_cast %get3A_338 : vector<1x16xf32> to vector<16xf32>
        %add3A_340 = arith.addf %add3A_312, %get3A_339 : vector<16xf32>
        %add3A_341 = arith.constant 10 : i32
        %add3A_342 = arith.addi %mul3A_66, %add3A_341 : i32
        %get3A_343 = arith.index_cast %add3A_342 : i32 to index
        %get3A_344 = arith.constant 16 : index
        %get3A_345 = tpu.vector_load %arg7[%get3A_343, %get3A_344] {strides = array<i32>} : memref<800x64xf32, #tpu.memory_space<vmem>>, vector<1x16xf32>,
        %get3A_346 = vector.shape_cast %get3A_345 : vector<1x16xf32> to vector<16xf32>
        %add3A_347 = arith.addf %add3A_319, %get3A_346 : vector<16xf32>
        %add3A_348 = arith.constant 10 : i32
        %add3A_349 = arith.addi %mul3A_66, %add3A_348 : i32
        %get3A_350 = arith.index_cast %add3A_349 : i32 to index
        %get3A_351 = arith.constant 32 : index
        %get3A_352 = tpu.vector_load %arg7[%get3A_350, %get3A_351] {strides = array<i32>} : memref<800x64xf32, #tpu.memory_space<vmem>>, vector<1x16xf32>,
        %get3A_353 = vector.shape_cast %get3A_352 : vector<1x16xf32> to vector<16xf32>
        %add3A_354 = arith.addf %add3A_326, %get3A_353 : vector<16xf32>
        %add3A_355 = arith.constant 10 : i32
        %add3A_356 = arith.addi %mul3A_66, %add3A_355 : i32
        %get3A_357 = arith.index_cast %add3A_356 : i32 to index
        %get3A_358 = arith.constant 48 : index
        %get3A_359 = tpu.vector_load %arg7[%get3A_357, %get3A_358] {strides = array<i32>} : memref<800x64xf32, #tpu.memory_space<vmem>>, vector<1x16xf32>,
        %get3A_360 = vector.shape_cast %get3A_359 : vector<1x16xf32> to vector<16xf32>
        %add3A_361 = arith.addf %add3A_333, %get3A_360 : vector<16xf32>
        %add3A_362 = arith.constant 11 : i32
        %add3A_363 = arith.addi %mul3A_66, %add3A_362 : i32
        %get3A_364 = arith.index_cast %add3A_363 : i32 to index
        %get3A_365 = arith.constant 0 : index
        %get3A_366 = tpu.vector_load %arg7[%get3A_364, %get3A_365] {strides = array<i32>} : memref<800x64xf32, #tpu.memory_space<vmem>>, vector<1x16xf32>,
        %get3A_367 = vector.shape_cast %get3A_366 : vector<1x16xf32> to vector<16xf32>
        %add3A_368 = arith.addf %add3A_340, %get3A_367 : vector<16xf32>
        %add3A_369 = arith.constant 11 : i32
        %add3A_370 = arith.addi %mul3A_66, %add3A_369 : i32
        %get3A_371 = arith.index_cast %add3A_370 : i32 to index
        %get3A_372 = arith.constant 16 : index
        %get3A_373 = tpu.vector_load %arg7[%get3A_371, %get3A_372] {strides = array<i32>} : memref<800x64xf32, #tpu.memory_space<vmem>>, vector<1x16xf32>,
        %get3A_374 = vector.shape_cast %get3A_373 : vector<1x16xf32> to vector<16xf32>
        %add3A_375 = arith.addf %add3A_347, %get3A_374 : vector<16xf32>
        %add3A_376 = arith.constant 11 : i32
        %add3A_377 = arith.addi %mul3A_66, %add3A_376 : i32
        %get3A_378 = arith.index_cast %add3A_377 : i32 to index
        %get3A_379 = arith.constant 32 : index
        %get3A_380 = tpu.vector_load %arg7[%get3A_378, %get3A_379] {strides = array<i32>} : memref<800x64xf32, #tpu.memory_space<vmem>>, vector<1x16xf32>,
        %get3A_381 = vector.shape_cast %get3A_380 : vector<1x16xf32> to vector<16xf32>
        %add3A_382 = arith.addf %add3A_354, %get3A_381 : vector<16xf32>
        %add3A_383 = arith.constant 11 : i32
        %add3A_384 = arith.addi %mul3A_66, %add3A_383 : i32
        %get3A_385 = arith.index_cast %add3A_384 : i32 to index
        %get3A_386 = arith.constant 48 : index
        %get3A_387 = tpu.vector_load %arg7[%get3A_385, %get3A_386] {strides = array<i32>} : memref<800x64xf32, #tpu.memory_space<vmem>>, vector<1x16xf32>,
        %get3A_388 = vector.shape_cast %get3A_387 : vector<1x16xf32> to vector<16xf32>
        %add3A_389 = arith.addf %add3A_361, %get3A_388 : vector<16xf32>
        %add3A_390 = arith.constant 12 : i32
        %add3A_391 = arith.addi %mul3A_66, %add3A_390 : i32
        %get3A_392 = arith.index_cast %add3A_391 : i32 to index
        %get3A_393 = arith.constant 0 : index
        %get3A_394 = tpu.vector_load %arg7[%get3A_392, %get3A_393] {strides = array<i32>} : memref<800x64xf32, #tpu.memory_space<vmem>>, vector<1x16xf32>,
        %get3A_395 = vector.shape_cast %get3A_394 : vector<1x16xf32> to vector<16xf32>
        %add3A_396 = arith.addf %add3A_368, %get3A_395 : vector<16xf32>
        %add3A_397 = arith.constant 12 : i32
        %add3A_398 = arith.addi %mul3A_66, %add3A_397 : i32
        %get3A_399 = arith.index_cast %add3A_398 : i32 to index
        %get3A_400 = arith.constant 16 : index
        %get3A_401 = tpu.vector_load %arg7[%get3A_399, %get3A_400] {strides = array<i32>} : memref<800x64xf32, #tpu.memory_space<vmem>>, vector<1x16xf32>,
        %get3A_402 = vector.shape_cast %get3A_401 : vector<1x16xf32> to vector<16xf32>
        %add3A_403 = arith.addf %add3A_375, %get3A_402 : vector<16xf32>
        %add3A_404 = arith.constant 12 : i32
        %add3A_405 = arith.addi %mul3A_66, %add3A_404 : i32
        %get3A_406 = arith.index_cast %add3A_405 : i32 to index
        %get3A_407 = arith.constant 32 : index
        %get3A_408 = tpu.vector_load %arg7[%get3A_406, %get3A_407] {strides = array<i32>} : memref<800x64xf32, #tpu.memory_space<vmem>>, vector<1x16xf32>,
        %get3A_409 = vector.shape_cast %get3A_408 : vector<1x16xf32> to vector<16xf32>
        %add3A_410 = arith.addf %add3A_382, %get3A_409 : vector<16xf32>
        %add3A_411 = arith.constant 12 : i32
        %add3A_412 = arith.addi %mul3A_66, %add3A_411 : i32
        %get3A_413 = arith.index_cast %add3A_412 : i32 to index
        %get3A_414 = arith.constant 48 : index
        %get3A_415 = tpu.vector_load %arg7[%get3A_413, %get3A_414] {strides = array<i32>} : memref<800x64xf32, #tpu.memory_space<vmem>>, vector<1x16xf32>,
        %get3A_416 = vector.shape_cast %get3A_415 : vector<1x16xf32> to vector<16xf32>
        %add3A_417 = arith.addf %add3A_389, %get3A_416 : vector<16xf32>
        %add3A_418 = arith.constant 13 : i32
        %add3A_419 = arith.addi %mul3A_66, %add3A_418 : i32
        %get3A_420 = arith.index_cast %add3A_419 : i32 to index
        %get3A_421 = arith.constant 0 : index
        %get3A_422 = tpu.vector_load %arg7[%get3A_420, %get3A_421] {strides = array<i32>} : memref<800x64xf32, #tpu.memory_space<vmem>>, vector<1x16xf32>,
        %get3A_423 = vector.shape_cast %get3A_422 : vector<1x16xf32> to vector<16xf32>
        %add3A_424 = arith.addf %add3A_396, %get3A_423 : vector<16xf32>
        %add3A_425 = arith.constant 13 : i32
        %add3A_426 = arith.addi %mul3A_66, %add3A_425 : i32
        %get3A_427 = arith.index_cast %add3A_426 : i32 to index
        %get3A_428 = arith.constant 16 : index
        %get3A_429 = tpu.vector_load %arg7[%get3A_427, %get3A_428] {strides = array<i32>} : memref<800x64xf32, #tpu.memory_space<vmem>>, vector<1x16xf32>,
        %get3A_430 = vector.shape_cast %get3A_429 : vector<1x16xf32> to vector<16xf32>
        %add3A_431 = arith.addf %add3A_403, %get3A_430 : vector<16xf32>
        %add3A_432 = arith.constant 13 : i32
        %add3A_433 = arith.addi %mul3A_66, %add3A_432 : i32
        %get3A_434 = arith.index_cast %add3A_433 : i32 to index
        %get3A_435 = arith.constant 32 : index
        %get3A_436 = tpu.vector_load %arg7[%get3A_434, %get3A_435] {strides = array<i32>} : memref<800x64xf32, #tpu.memory_space<vmem>>, vector<1x16xf32>,
        %get3A_437 = vector.shape_cast %get3A_436 : vector<1x16xf32> to vector<16xf32>
        %add3A_438 = arith.addf %add3A_410, %get3A_437 : vector<16xf32>
        %add3A_439 = arith.constant 13 : i32
        %add3A_440 = arith.addi %mul3A_66, %add3A_439 : i32
        %get3A_441 = arith.index_cast %add3A_440 : i32 to index
        %get3A_442 = arith.constant 48 : index
        %get3A_443 = tpu.vector_load %arg7[%get3A_441, %get3A_442] {strides = array<i32>} : memref<800x64xf32, #tpu.memory_space<vmem>>, vector<1x16xf32>,
        %get3A_444 = vector.shape_cast %get3A_443 : vector<1x16xf32> to vector<16xf32>
        %add3A_445 = arith.addf %add3A_417, %get3A_444 : vector<16xf32>
        %add3A_446 = arith.constant 14 : i32
        %add3A_447 = arith.addi %mul3A_66, %add3A_446 : i32
        %get3A_448 = arith.index_cast %add3A_447 : i32 to index
        %get3A_449 = arith.constant 0 : index
        %get3A_450 = tpu.vector_load %arg7[%get3A_448, %get3A_449] {strides = array<i32>} : memref<800x64xf32, #tpu.memory_space<vmem>>, vector<1x16xf32>,
        %get3A_451 = vector.shape_cast %get3A_450 : vector<1x16xf32> to vector<16xf32>
        %add3A_452 = arith.addf %add3A_424, %get3A_451 : vector<16xf32>
        %add3A_453 = arith.constant 14 : i32
        %add3A_454 = arith.addi %mul3A_66, %add3A_453 : i32
        %get3A_455 = arith.index_cast %add3A_454 : i32 to index
        %get3A_456 = arith.constant 16 : index
        %get3A_457 = tpu.vector_load %arg7[%get3A_455, %get3A_456] {strides = array<i32>} : memref<800x64xf32, #tpu.memory_space<vmem>>, vector<1x16xf32>,
        %get3A_458 = vector.shape_cast %get3A_457 : vector<1x16xf32> to vector<16xf32>
        %add3A_459 = arith.addf %add3A_431, %get3A_458 : vector<16xf32>
        %add3A_460 = arith.constant 14 : i32
        %add3A_461 = arith.addi %mul3A_66, %add3A_460 : i32
        %get3A_462 = arith.index_cast %add3A_461 : i32 to index
        %get3A_463 = arith.constant 32 : index
        %get3A_464 = tpu.vector_load %arg7[%get3A_462, %get3A_463] {strides = array<i32>} : memref<800x64xf32, #tpu.memory_space<vmem>>, vector<1x16xf32>,
        %get3A_465 = vector.shape_cast %get3A_464 : vector<1x16xf32> to vector<16xf32>
        %add3A_466 = arith.addf %add3A_438, %get3A_465 : vector<16xf32>
        %add3A_467 = arith.constant 14 : i32
        %add3A_468 = arith.addi %mul3A_66, %add3A_467 : i32
        %get3A_469 = arith.index_cast %add3A_468 : i32 to index
        %get3A_470 = arith.constant 48 : index
        %get3A_471 = tpu.vector_load %arg7[%get3A_469, %get3A_470] {strides = array<i32>} : memref<800x64xf32, #tpu.memory_space<vmem>>, vector<1x16xf32>,
        %get3A_472 = vector.shape_cast %get3A_471 : vector<1x16xf32> to vector<16xf32>
        %add3A_473 = arith.addf %add3A_445, %get3A_472 : vector<16xf32>
        %add3A_474 = arith.constant 15 : i32
        %add3A_475 = arith.addi %mul3A_66, %add3A_474 : i32
        %get3A_476 = arith.index_cast %add3A_475 : i32 to index
        %get3A_477 = arith.constant 0 : index
        %get3A_478 = tpu.vector_load %arg7[%get3A_476, %get3A_477] {strides = array<i32>} : memref<800x64xf32, #tpu.memory_space<vmem>>, vector<1x16xf32>,
        %get3A_479 = vector.shape_cast %get3A_478 : vector<1x16xf32> to vector<16xf32>
        %add3A_480 = arith.addf %add3A_452, %get3A_479 : vector<16xf32>
        %add3A_481 = arith.constant 15 : i32
        %add3A_482 = arith.addi %mul3A_66, %add3A_481 : i32
        %get3A_483 = arith.index_cast %add3A_482 : i32 to index
        %get3A_484 = arith.constant 16 : index
        %get3A_485 = tpu.vector_load %arg7[%get3A_483, %get3A_484] {strides = array<i32>} : memref<800x64xf32, #tpu.memory_space<vmem>>, vector<1x16xf32>,
        %get3A_486 = vector.shape_cast %get3A_485 : vector<1x16xf32> to vector<16xf32>
        %add3A_487 = arith.addf %add3A_459, %get3A_486 : vector<16xf32>
        %add3A_488 = arith.constant 15 : i32
        %add3A_489 = arith.addi %mul3A_66, %add3A_488 : i32
        %get3A_490 = arith.index_cast %add3A_489 : i32 to index
        %get3A_491 = arith.constant 32 : index
        %get3A_492 = tpu.vector_load %arg7[%get3A_490, %get3A_491] {strides = array<i32>} : memref<800x64xf32, #tpu.memory_space<vmem>>, vector<1x16xf32>,
        %get3A_493 = vector.shape_cast %get3A_492 : vector<1x16xf32> to vector<16xf32>
        %add3A_494 = arith.addf %add3A_466, %get3A_493 : vector<16xf32>
        %add3A_495 = arith.constant 15 : i32
        %add3A_496 = arith.addi %mul3A_66, %add3A_495 : i32
        %get3A_497 = arith.index_cast %add3A_496 : i32 to index
        %get3A_498 = arith.constant 48 : index
        %get3A_499 = tpu.vector_load %arg7[%get3A_497, %get3A_498] {strides = array<i32>} : memref<800x64xf32, #tpu.memory_space<vmem>>, vector<1x16xf32>,
        %get3A_500 = vector.shape_cast %get3A_499 : vector<1x16xf32> to vector<16xf32>
        %add3A_501 = arith.addf %add3A_473, %get3A_500 : vector<16xf32>
        %add3A_502 = arith.constant 16 : i32
        %add3A_503 = arith.addi %mul3A_66, %add3A_502 : i32
        %get3A_504 = arith.index_cast %add3A_503 : i32 to index
        %get3A_505 = arith.constant 0 : index
        %get3A_506 = tpu.vector_load %arg7[%get3A_504, %get3A_505] {strides = array<i32>} : memref<800x64xf32, #tpu.memory_space<vmem>>, vector<1x16xf32>,
        %get3A_507 = vector.shape_cast %get3A_506 : vector<1x16xf32> to vector<16xf32>
        %add3A_508 = arith.addf %add3A_480, %get3A_507 : vector<16xf32>
        %add3A_509 = arith.constant 16 : i32
        %add3A_510 = arith.addi %mul3A_66, %add3A_509 : i32
        %get3A_511 = arith.index_cast %add3A_510 : i32 to index
        %get3A_512 = arith.constant 16 : index
        %get3A_513 = tpu.vector_load %arg7[%get3A_511, %get3A_512] {strides = array<i32>} : memref<800x64xf32, #tpu.memory_space<vmem>>, vector<1x16xf32>,
        %get3A_514 = vector.shape_cast %get3A_513 : vector<1x16xf32> to vector<16xf32>
        %add3A_515 = arith.addf %add3A_487, %get3A_514 : vector<16xf32>
        %add3A_516 = arith.constant 16 : i32
        %add3A_517 = arith.addi %mul3A_66, %add3A_516 : i32
        %get3A_518 = arith.index_cast %add3A_517 : i32 to index
        %get3A_519 = arith.constant 32 : index
        %get3A_520 = tpu.vector_load %arg7[%get3A_518, %get3A_519] {strides = array<i32>} : memref<800x64xf32, #tpu.memory_space<vmem>>, vector<1x16xf32>,
        %get3A_521 = vector.shape_cast %get3A_520 : vector<1x16xf32> to vector<16xf32>
        %add3A_522 = arith.addf %add3A_494, %get3A_521 : vector<16xf32>
        %add3A_523 = arith.constant 16 : i32
        %add3A_524 = arith.addi %mul3A_66, %add3A_523 : i32
        %get3A_525 = arith.index_cast %add3A_524 : i32 to index
        %get3A_526 = arith.constant 48 : index
        %get3A_527 = tpu.vector_load %arg7[%get3A_525, %get3A_526] {strides = array<i32>} : memref<800x64xf32, #tpu.memory_space<vmem>>, vector<1x16xf32>,
        %get3A_528 = vector.shape_cast %get3A_527 : vector<1x16xf32> to vector<16xf32>
        %add3A_529 = arith.addf %add3A_501, %get3A_528 : vector<16xf32>
        %add3A_530 = arith.constant 17 : i32
        %add3A_531 = arith.addi %mul3A_66, %add3A_530 : i32
        %get3A_532 = arith.index_cast %add3A_531 : i32 to index
        %get3A_533 = arith.constant 0 : index
        %get3A_534 = tpu.vector_load %arg7[%get3A_532, %get3A_533] {strides = array<i32>} : memref<800x64xf32, #tpu.memory_space<vmem>>, vector<1x16xf32>,
        %get3A_535 = vector.shape_cast %get3A_534 : vector<1x16xf32> to vector<16xf32>
        %add3A_536 = arith.addf %add3A_508, %get3A_535 : vector<16xf32>
        %add3A_537 = arith.constant 17 : i32
        %add3A_538 = arith.addi %mul3A_66, %add3A_537 : i32
        %get3A_539 = arith.index_cast %add3A_538 : i32 to index
        %get3A_540 = arith.constant 16 : index
        %get3A_541 = tpu.vector_load %arg7[%get3A_539, %get3A_540] {strides = array<i32>} : memref<800x64xf32, #tpu.memory_space<vmem>>, vector<1x16xf32>,
        %get3A_542 = vector.shape_cast %get3A_541 : vector<1x16xf32> to vector<16xf32>
        %add3A_543 = arith.addf %add3A_515, %get3A_542 : vector<16xf32>
        %add3A_544 = arith.constant 17 : i32
        %add3A_545 = arith.addi %mul3A_66, %add3A_544 : i32
        %get3A_546 = arith.index_cast %add3A_545 : i32 to index
        %get3A_547 = arith.constant 32 : index
        %get3A_548 = tpu.vector_load %arg7[%get3A_546, %get3A_547] {strides = array<i32>} : memref<800x64xf32, #tpu.memory_space<vmem>>, vector<1x16xf32>,
        %get3A_549 = vector.shape_cast %get3A_548 : vector<1x16xf32> to vector<16xf32>
        %add3A_550 = arith.addf %add3A_522, %get3A_549 : vector<16xf32>
        %add3A_551 = arith.constant 17 : i32
        %add3A_552 = arith.addi %mul3A_66, %add3A_551 : i32
        %get3A_553 = arith.index_cast %add3A_552 : i32 to index
        %get3A_554 = arith.constant 48 : index
        %get3A_555 = tpu.vector_load %arg7[%get3A_553, %get3A_554] {strides = array<i32>} : memref<800x64xf32, #tpu.memory_space<vmem>>, vector<1x16xf32>,
        %get3A_556 = vector.shape_cast %get3A_555 : vector<1x16xf32> to vector<16xf32>
        %add3A_557 = arith.addf %add3A_529, %get3A_556 : vector<16xf32>
        %add3A_558 = arith.constant 18 : i32
        %add3A_559 = arith.addi %mul3A_66, %add3A_558 : i32
        %get3A_560 = arith.index_cast %add3A_559 : i32 to index
        %get3A_561 = arith.constant 0 : index
        %get3A_562 = tpu.vector_load %arg7[%get3A_560, %get3A_561] {strides = array<i32>} : memref<800x64xf32, #tpu.memory_space<vmem>>, vector<1x16xf32>,
        %get3A_563 = vector.shape_cast %get3A_562 : vector<1x16xf32> to vector<16xf32>
        %add3A_564 = arith.addf %add3A_536, %get3A_563 : vector<16xf32>
        %add3A_565 = arith.constant 18 : i32
        %add3A_566 = arith.addi %mul3A_66, %add3A_565 : i32
        %get3A_567 = arith.index_cast %add3A_566 : i32 to index
        %get3A_568 = arith.constant 16 : index
        %get3A_569 = tpu.vector_load %arg7[%get3A_567, %get3A_568] {strides = array<i32>} : memref<800x64xf32, #tpu.memory_space<vmem>>, vector<1x16xf32>,
        %get3A_570 = vector.shape_cast %get3A_569 : vector<1x16xf32> to vector<16xf32>
        %add3A_571 = arith.addf %add3A_543, %get3A_570 : vector<16xf32>
        %add3A_572 = arith.constant 18 : i32
        %add3A_573 = arith.addi %mul3A_66, %add3A_572 : i32
        %get3A_574 = arith.index_cast %add3A_573 : i32 to index
        %get3A_575 = arith.constant 32 : index
        %get3A_576 = tpu.vector_load %arg7[%get3A_574, %get3A_575] {strides = array<i32>} : memref<800x64xf32, #tpu.memory_space<vmem>>, vector<1x16xf32>,
        %get3A_577 = vector.shape_cast %get3A_576 : vector<1x16xf32> to vector<16xf32>
        %add3A_578 = arith.addf %add3A_550, %get3A_577 : vector<16xf32>
        %add3A_579 = arith.constant 18 : i32
        %add3A_580 = arith.addi %mul3A_66, %add3A_579 : i32
        %get3A_581 = arith.index_cast %add3A_580 : i32 to index
        %get3A_582 = arith.constant 48 : index
        %get3A_583 = tpu.vector_load %arg7[%get3A_581, %get3A_582] {strides = array<i32>} : memref<800x64xf32, #tpu.memory_space<vmem>>, vector<1x16xf32>,
        %get3A_584 = vector.shape_cast %get3A_583 : vector<1x16xf32> to vector<16xf32>
        %add3A_585 = arith.addf %add3A_557, %get3A_584 : vector<16xf32>
        %add3A_586 = arith.constant 19 : i32
        %add3A_587 = arith.addi %mul3A_66, %add3A_586 : i32
        %get3A_588 = arith.index_cast %add3A_587 : i32 to index
        %get3A_589 = arith.constant 0 : index
        %get3A_590 = tpu.vector_load %arg7[%get3A_588, %get3A_589] {strides = array<i32>} : memref<800x64xf32, #tpu.memory_space<vmem>>, vector<1x16xf32>,
        %get3A_591 = vector.shape_cast %get3A_590 : vector<1x16xf32> to vector<16xf32>
        %add3A_592 = arith.addf %add3A_564, %get3A_591 : vector<16xf32>
        %add3A_593 = arith.constant 19 : i32
        %add3A_594 = arith.addi %mul3A_66, %add3A_593 : i32
        %get3A_595 = arith.index_cast %add3A_594 : i32 to index
        %get3A_596 = arith.constant 16 : index
        %get3A_597 = tpu.vector_load %arg7[%get3A_595, %get3A_596] {strides = array<i32>} : memref<800x64xf32, #tpu.memory_space<vmem>>, vector<1x16xf32>,
        %get3A_598 = vector.shape_cast %get3A_597 : vector<1x16xf32> to vector<16xf32>
        %add3A_599 = arith.addf %add3A_571, %get3A_598 : vector<16xf32>
        %add3A_600 = arith.constant 19 : i32
        %add3A_601 = arith.addi %mul3A_66, %add3A_600 : i32
        %get3A_602 = arith.index_cast %add3A_601 : i32 to index
        %get3A_603 = arith.constant 32 : index
        %get3A_604 = tpu.vector_load %arg7[%get3A_602, %get3A_603] {strides = array<i32>} : memref<800x64xf32, #tpu.memory_space<vmem>>, vector<1x16xf32>,
        %get3A_605 = vector.shape_cast %get3A_604 : vector<1x16xf32> to vector<16xf32>
        %add3A_606 = arith.addf %add3A_578, %get3A_605 : vector<16xf32>
        %add3A_607 = arith.constant 19 : i32
        %add3A_608 = arith.addi %mul3A_66, %add3A_607 : i32
        %get3A_609 = arith.index_cast %add3A_608 : i32 to index
        %get3A_610 = arith.constant 48 : index
        %get3A_611 = tpu.vector_load %arg7[%get3A_609, %get3A_610] {strides = array<i32>} : memref<800x64xf32, #tpu.memory_space<vmem>>, vector<1x16xf32>,
        %get3A_612 = vector.shape_cast %get3A_611 : vector<1x16xf32> to vector<16xf32>
        %add3A_613 = arith.addf %add3A_585, %get3A_612 : vector<16xf32>
        %add3A_614 = arith.constant 20 : i32
        %add3A_615 = arith.addi %mul3A_66, %add3A_614 : i32
        %get3A_616 = arith.index_cast %add3A_615 : i32 to index
        %get3A_617 = arith.constant 0 : index
        %get3A_618 = tpu.vector_load %arg7[%get3A_616, %get3A_617] {strides = array<i32>} : memref<800x64xf32, #tpu.memory_space<vmem>>, vector<1x16xf32>,
        %get3A_619 = vector.shape_cast %get3A_618 : vector<1x16xf32> to vector<16xf32>
        %add3A_620 = arith.addf %add3A_592, %get3A_619 : vector<16xf32>
        %add3A_621 = arith.constant 20 : i32
        %add3A_622 = arith.addi %mul3A_66, %add3A_621 : i32
        %get3A_623 = arith.index_cast %add3A_622 : i32 to index
        %get3A_624 = arith.constant 16 : index
        %get3A_625 = tpu.vector_load %arg7[%get3A_623, %get3A_624] {strides = array<i32>} : memref<800x64xf32, #tpu.memory_space<vmem>>, vector<1x16xf32>,
        %get3A_626 = vector.shape_cast %get3A_625 : vector<1x16xf32> to vector<16xf32>
        %add3A_627 = arith.addf %add3A_599, %get3A_626 : vector<16xf32>
        %add3A_628 = arith.constant 20 : i32
        %add3A_629 = arith.addi %mul3A_66, %add3A_628 : i32
        %get3A_630 = arith.index_cast %add3A_629 : i32 to index
        %get3A_631 = arith.constant 32 : index
        %get3A_632 = tpu.vector_load %arg7[%get3A_630, %get3A_631] {strides = array<i32>} : memref<800x64xf32, #tpu.memory_space<vmem>>, vector<1x16xf32>,
        %get3A_633 = vector.shape_cast %get3A_632 : vector<1x16xf32> to vector<16xf32>
        %add3A_634 = arith.addf %add3A_606, %get3A_633 : vector<16xf32>
        %add3A_635 = arith.constant 20 : i32
        %add3A_636 = arith.addi %mul3A_66, %add3A_635 : i32
        %get3A_637 = arith.index_cast %add3A_636 : i32 to index
        %get3A_638 = arith.constant 48 : index
        %get3A_639 = tpu.vector_load %arg7[%get3A_637, %get3A_638] {strides = array<i32>} : memref<800x64xf32, #tpu.memory_space<vmem>>, vector<1x16xf32>,
        %get3A_640 = vector.shape_cast %get3A_639 : vector<1x16xf32> to vector<16xf32>
        %add3A_641 = arith.addf %add3A_613, %get3A_640 : vector<16xf32>
        %add3A_642 = arith.constant 21 : i32
        %add3A_643 = arith.addi %mul3A_66, %add3A_642 : i32
        %get3A_644 = arith.index_cast %add3A_643 : i32 to index
        %get3A_645 = arith.constant 0 : index
        %get3A_646 = tpu.vector_load %arg7[%get3A_644, %get3A_645] {strides = array<i32>} : memref<800x64xf32, #tpu.memory_space<vmem>>, vector<1x16xf32>,
        %get3A_647 = vector.shape_cast %get3A_646 : vector<1x16xf32> to vector<16xf32>
        %add3A_648 = arith.addf %add3A_620, %get3A_647 : vector<16xf32>
        %add3A_649 = arith.constant 21 : i32
        %add3A_650 = arith.addi %mul3A_66, %add3A_649 : i32
        %get3A_651 = arith.index_cast %add3A_650 : i32 to index
        %get3A_652 = arith.constant 16 : index
        %get3A_653 = tpu.vector_load %arg7[%get3A_651, %get3A_652] {strides = array<i32>} : memref<800x64xf32, #tpu.memory_space<vmem>>, vector<1x16xf32>,
        %get3A_654 = vector.shape_cast %get3A_653 : vector<1x16xf32> to vector<16xf32>
        %add3A_655 = arith.addf %add3A_627, %get3A_654 : vector<16xf32>
        %add3A_656 = arith.constant 21 : i32
        %add3A_657 = arith.addi %mul3A_66, %add3A_656 : i32
        %get3A_658 = arith.index_cast %add3A_657 : i32 to index
        %get3A_659 = arith.constant 32 : index
        %get3A_660 = tpu.vector_load %arg7[%get3A_658, %get3A_659] {strides = array<i32>} : memref<800x64xf32, #tpu.memory_space<vmem>>, vector<1x16xf32>,
        %get3A_661 = vector.shape_cast %get3A_660 : vector<1x16xf32> to vector<16xf32>
        %add3A_662 = arith.addf %add3A_634, %get3A_661 : vector<16xf32>
        %add3A_663 = arith.constant 21 : i32
        %add3A_664 = arith.addi %mul3A_66, %add3A_663 : i32
        %get3A_665 = arith.index_cast %add3A_664 : i32 to index
        %get3A_666 = arith.constant 48 : index
        %get3A_667 = tpu.vector_load %arg7[%get3A_665, %get3A_666] {strides = array<i32>} : memref<800x64xf32, #tpu.memory_space<vmem>>, vector<1x16xf32>,
        %get3A_668 = vector.shape_cast %get3A_667 : vector<1x16xf32> to vector<16xf32>
        %add3A_669 = arith.addf %add3A_641, %get3A_668 : vector<16xf32>
        %add3A_670 = arith.constant 22 : i32
        %add3A_671 = arith.addi %mul3A_66, %add3A_670 : i32
        %get3A_672 = arith.index_cast %add3A_671 : i32 to index
        %get3A_673 = arith.constant 0 : index
        %get3A_674 = tpu.vector_load %arg7[%get3A_672, %get3A_673] {strides = array<i32>} : memref<800x64xf32, #tpu.memory_space<vmem>>, vector<1x16xf32>,
        %get3A_675 = vector.shape_cast %get3A_674 : vector<1x16xf32> to vector<16xf32>
        %add3A_676 = arith.addf %add3A_648, %get3A_675 : vector<16xf32>
        %add3A_677 = arith.constant 22 : i32
        %add3A_678 = arith.addi %mul3A_66, %add3A_677 : i32
        %get3A_679 = arith.index_cast %add3A_678 : i32 to index
        %get3A_680 = arith.constant 16 : index
        %get3A_681 = tpu.vector_load %arg7[%get3A_679, %get3A_680] {strides = array<i32>} : memref<800x64xf32, #tpu.memory_space<vmem>>, vector<1x16xf32>,
        %get3A_682 = vector.shape_cast %get3A_681 : vector<1x16xf32> to vector<16xf32>
        %add3A_683 = arith.addf %add3A_655, %get3A_682 : vector<16xf32>
        %add3A_684 = arith.constant 22 : i32
        %add3A_685 = arith.addi %mul3A_66, %add3A_684 : i32
        %get3A_686 = arith.index_cast %add3A_685 : i32 to index
        %get3A_687 = arith.constant 32 : index
        %get3A_688 = tpu.vector_load %arg7[%get3A_686, %get3A_687] {strides = array<i32>} : memref<800x64xf32, #tpu.memory_space<vmem>>, vector<1x16xf32>,
        %get3A_689 = vector.shape_cast %get3A_688 : vector<1x16xf32> to vector<16xf32>
        %add3A_690 = arith.addf %add3A_662, %get3A_689 : vector<16xf32>
        %add3A_691 = arith.constant 22 : i32
        %add3A_692 = arith.addi %mul3A_66, %add3A_691 : i32
        %get3A_693 = arith.index_cast %add3A_692 : i32 to index
        %get3A_694 = arith.constant 48 : index
        %get3A_695 = tpu.vector_load %arg7[%get3A_693, %get3A_694] {strides = array<i32>} : memref<800x64xf32, #tpu.memory_space<vmem>>, vector<1x16xf32>,
        %get3A_696 = vector.shape_cast %get3A_695 : vector<1x16xf32> to vector<16xf32>
        %add3A_697 = arith.addf %add3A_669, %get3A_696 : vector<16xf32>
        %add3A_698 = arith.constant 23 : i32
        %add3A_699 = arith.addi %mul3A_66, %add3A_698 : i32
        %get3A_700 = arith.index_cast %add3A_699 : i32 to index
        %get3A_701 = arith.constant 0 : index
        %get3A_702 = tpu.vector_load %arg7[%get3A_700, %get3A_701] {strides = array<i32>} : memref<800x64xf32, #tpu.memory_space<vmem>>, vector<1x16xf32>,
        %get3A_703 = vector.shape_cast %get3A_702 : vector<1x16xf32> to vector<16xf32>
        %add3A_704 = arith.addf %add3A_676, %get3A_703 : vector<16xf32>
        %add3A_705 = arith.constant 23 : i32
        %add3A_706 = arith.addi %mul3A_66, %add3A_705 : i32
        %get3A_707 = arith.index_cast %add3A_706 : i32 to index
        %get3A_708 = arith.constant 16 : index
        %get3A_709 = tpu.vector_load %arg7[%get3A_707, %get3A_708] {strides = array<i32>} : memref<800x64xf32, #tpu.memory_space<vmem>>, vector<1x16xf32>,
        %get3A_710 = vector.shape_cast %get3A_709 : vector<1x16xf32> to vector<16xf32>
        %add3A_711 = arith.addf %add3A_683, %get3A_710 : vector<16xf32>
        %add3A_712 = arith.constant 23 : i32
        %add3A_713 = arith.addi %mul3A_66, %add3A_712 : i32
        %get3A_714 = arith.index_cast %add3A_713 : i32 to index
        %get3A_715 = arith.constant 32 : index
        %get3A_716 = tpu.vector_load %arg7[%get3A_714, %get3A_715] {strides = array<i32>} : memref<800x64xf32, #tpu.memory_space<vmem>>, vector<1x16xf32>,
        %get3A_717 = vector.shape_cast %get3A_716 : vector<1x16xf32> to vector<16xf32>
        %add3A_718 = arith.addf %add3A_690, %get3A_717 : vector<16xf32>
        %add3A_719 = arith.constant 23 : i32
        %add3A_720 = arith.addi %mul3A_66, %add3A_719 : i32
        %get3A_721 = arith.index_cast %add3A_720 : i32 to index
        %get3A_722 = arith.constant 48 : index
        %get3A_723 = tpu.vector_load %arg7[%get3A_721, %get3A_722] {strides = array<i32>} : memref<800x64xf32, #tpu.memory_space<vmem>>, vector<1x16xf32>,
        %get3A_724 = vector.shape_cast %get3A_723 : vector<1x16xf32> to vector<16xf32>
        %add3A_725 = arith.addf %add3A_697, %get3A_724 : vector<16xf32>
        %add3A_726 = arith.constant 24 : i32
        %add3A_727 = arith.addi %mul3A_66, %add3A_726 : i32
        %get3A_728 = arith.index_cast %add3A_727 : i32 to index
        %get3A_729 = arith.constant 0 : index
        %get3A_730 = tpu.vector_load %arg7[%get3A_728, %get3A_729] {strides = array<i32>} : memref<800x64xf32, #tpu.memory_space<vmem>>, vector<1x16xf32>,
        %get3A_731 = vector.shape_cast %get3A_730 : vector<1x16xf32> to vector<16xf32>
        %add3A_732 = arith.addf %add3A_704, %get3A_731 : vector<16xf32>
        %add3A_733 = arith.constant 24 : i32
        %add3A_734 = arith.addi %mul3A_66, %add3A_733 : i32
        %get3A_735 = arith.index_cast %add3A_734 : i32 to index
        %get3A_736 = arith.constant 16 : index
        %get3A_737 = tpu.vector_load %arg7[%get3A_735, %get3A_736] {strides = array<i32>} : memref<800x64xf32, #tpu.memory_space<vmem>>, vector<1x16xf32>,
        %get3A_738 = vector.shape_cast %get3A_737 : vector<1x16xf32> to vector<16xf32>
        %add3A_739 = arith.addf %add3A_711, %get3A_738 : vector<16xf32>
        %add3A_740 = arith.constant 24 : i32
        %add3A_741 = arith.addi %mul3A_66, %add3A_740 : i32
        %get3A_742 = arith.index_cast %add3A_741 : i32 to index
        %get3A_743 = arith.constant 32 : index
        %get3A_744 = tpu.vector_load %arg7[%get3A_742, %get3A_743] {strides = array<i32>} : memref<800x64xf32, #tpu.memory_space<vmem>>, vector<1x16xf32>,
        %get3A_745 = vector.shape_cast %get3A_744 : vector<1x16xf32> to vector<16xf32>
        %add3A_746 = arith.addf %add3A_718, %get3A_745 : vector<16xf32>
        %add3A_747 = arith.constant 24 : i32
        %add3A_748 = arith.addi %mul3A_66, %add3A_747 : i32
        %get3A_749 = arith.index_cast %add3A_748 : i32 to index
        %get3A_750 = arith.constant 48 : index
        %get3A_751 = tpu.vector_load %arg7[%get3A_749, %get3A_750] {strides = array<i32>} : memref<800x64xf32, #tpu.memory_space<vmem>>, vector<1x16xf32>,
        %get3A_752 = vector.shape_cast %get3A_751 : vector<1x16xf32> to vector<16xf32>
        %add3A_753 = arith.addf %add3A_725, %get3A_752 : vector<16xf32>
        %add3A_754 = arith.constant 25 : i32
        %add3A_755 = arith.addi %mul3A_66, %add3A_754 : i32
        %get3A_756 = arith.index_cast %add3A_755 : i32 to index
        %get3A_757 = arith.constant 0 : index
        %get3A_758 = tpu.vector_load %arg7[%get3A_756, %get3A_757] {strides = array<i32>} : memref<800x64xf32, #tpu.memory_space<vmem>>, vector<1x16xf32>,
        %get3A_759 = vector.shape_cast %get3A_758 : vector<1x16xf32> to vector<16xf32>
        %add3A_760 = arith.addf %add3A_732, %get3A_759 : vector<16xf32>
        %add3A_761 = arith.constant 25 : i32
        %add3A_762 = arith.addi %mul3A_66, %add3A_761 : i32
        %get3A_763 = arith.index_cast %add3A_762 : i32 to index
        %get3A_764 = arith.constant 16 : index
        %get3A_765 = tpu.vector_load %arg7[%get3A_763, %get3A_764] {strides = array<i32>} : memref<800x64xf32, #tpu.memory_space<vmem>>, vector<1x16xf32>,
        %get3A_766 = vector.shape_cast %get3A_765 : vector<1x16xf32> to vector<16xf32>
        %add3A_767 = arith.addf %add3A_739, %get3A_766 : vector<16xf32>
        %add3A_768 = arith.constant 25 : i32
        %add3A_769 = arith.addi %mul3A_66, %add3A_768 : i32
        %get3A_770 = arith.index_cast %add3A_769 : i32 to index
        %get3A_771 = arith.constant 32 : index
        %get3A_772 = tpu.vector_load %arg7[%get3A_770, %get3A_771] {strides = array<i32>} : memref<800x64xf32, #tpu.memory_space<vmem>>, vector<1x16xf32>,
        %get3A_773 = vector.shape_cast %get3A_772 : vector<1x16xf32> to vector<16xf32>
        %add3A_774 = arith.addf %add3A_746, %get3A_773 : vector<16xf32>
        %add3A_775 = arith.constant 25 : i32
        %add3A_776 = arith.addi %mul3A_66, %add3A_775 : i32
        %get3A_777 = arith.index_cast %add3A_776 : i32 to index
        %get3A_778 = arith.constant 48 : index
        %get3A_779 = tpu.vector_load %arg7[%get3A_777, %get3A_778] {strides = array<i32>} : memref<800x64xf32, #tpu.memory_space<vmem>>, vector<1x16xf32>,
        %get3A_780 = vector.shape_cast %get3A_779 : vector<1x16xf32> to vector<16xf32>
        %add3A_781 = arith.addf %add3A_753, %get3A_780 : vector<16xf32>
        %add3A_782 = arith.constant 26 : i32
        %add3A_783 = arith.addi %mul3A_66, %add3A_782 : i32
        %get3A_784 = arith.index_cast %add3A_783 : i32 to index
        %get3A_785 = arith.constant 0 : index
        %get3A_786 = tpu.vector_load %arg7[%get3A_784, %get3A_785] {strides = array<i32>} : memref<800x64xf32, #tpu.memory_space<vmem>>, vector<1x16xf32>,
        %get3A_787 = vector.shape_cast %get3A_786 : vector<1x16xf32> to vector<16xf32>
        %add3A_788 = arith.addf %add3A_760, %get3A_787 : vector<16xf32>
        %add3A_789 = arith.constant 26 : i32
        %add3A_790 = arith.addi %mul3A_66, %add3A_789 : i32
        %get3A_791 = arith.index_cast %add3A_790 : i32 to index
        %get3A_792 = arith.constant 16 : index
        %get3A_793 = tpu.vector_load %arg7[%get3A_791, %get3A_792] {strides = array<i32>} : memref<800x64xf32, #tpu.memory_space<vmem>>, vector<1x16xf32>,
        %get3A_794 = vector.shape_cast %get3A_793 : vector<1x16xf32> to vector<16xf32>
        %add3A_795 = arith.addf %add3A_767, %get3A_794 : vector<16xf32>
        %add3A_796 = arith.constant 26 : i32
        %add3A_797 = arith.addi %mul3A_66, %add3A_796 : i32
        %get3A_798 = arith.index_cast %add3A_797 : i32 to index
        %get3A_799 = arith.constant 32 : index
        %get3A_800 = tpu.vector_load %arg7[%get3A_798, %get3A_799] {strides = array<i32>} : memref<800x64xf32, #tpu.memory_space<vmem>>, vector<1x16xf32>,
        %get3A_801 = vector.shape_cast %get3A_800 : vector<1x16xf32> to vector<16xf32>
        %add3A_802 = arith.addf %add3A_774, %get3A_801 : vector<16xf32>
        %add3A_803 = arith.constant 26 : i32
        %add3A_804 = arith.addi %mul3A_66, %add3A_803 : i32
        %get3A_805 = arith.index_cast %add3A_804 : i32 to index
        %get3A_806 = arith.constant 48 : index
        %get3A_807 = tpu.vector_load %arg7[%get3A_805, %get3A_806] {strides = array<i32>} : memref<800x64xf32, #tpu.memory_space<vmem>>, vector<1x16xf32>,
        %get3A_808 = vector.shape_cast %get3A_807 : vector<1x16xf32> to vector<16xf32>
        %add3A_809 = arith.addf %add3A_781, %get3A_808 : vector<16xf32>
        %add3A_810 = arith.constant 27 : i32
        %add3A_811 = arith.addi %mul3A_66, %add3A_810 : i32
        %get3A_812 = arith.index_cast %add3A_811 : i32 to index
        %get3A_813 = arith.constant 0 : index
        %get3A_814 = tpu.vector_load %arg7[%get3A_812, %get3A_813] {strides = array<i32>} : memref<800x64xf32, #tpu.memory_space<vmem>>, vector<1x16xf32>,
        %get3A_815 = vector.shape_cast %get3A_814 : vector<1x16xf32> to vector<16xf32>
        %add3A_816 = arith.addf %add3A_788, %get3A_815 : vector<16xf32>
        %add3A_817 = arith.constant 27 : i32
        %add3A_818 = arith.addi %mul3A_66, %add3A_817 : i32
        %get3A_819 = arith.index_cast %add3A_818 : i32 to index
        %get3A_820 = arith.constant 16 : index
        %get3A_821 = tpu.vector_load %arg7[%get3A_819, %get3A_820] {strides = array<i32>} : memref<800x64xf32, #tpu.memory_space<vmem>>, vector<1x16xf32>,
        %get3A_822 = vector.shape_cast %get3A_821 : vector<1x16xf32> to vector<16xf32>
        %add3A_823 = arith.addf %add3A_795, %get3A_822 : vector<16xf32>
        %add3A_824 = arith.constant 27 : i32
        %add3A_825 = arith.addi %mul3A_66, %add3A_824 : i32
        %get3A_826 = arith.index_cast %add3A_825 : i32 to index
        %get3A_827 = arith.constant 32 : index
        %get3A_828 = tpu.vector_load %arg7[%get3A_826, %get3A_827] {strides = array<i32>} : memref<800x64xf32, #tpu.memory_space<vmem>>, vector<1x16xf32>,
        %get3A_829 = vector.shape_cast %get3A_828 : vector<1x16xf32> to vector<16xf32>
        %add3A_830 = arith.addf %add3A_802, %get3A_829 : vector<16xf32>
        %add3A_831 = arith.constant 27 : i32
        %add3A_832 = arith.addi %mul3A_66, %add3A_831 : i32
        %get3A_833 = arith.index_cast %add3A_832 : i32 to index
        %get3A_834 = arith.constant 48 : index
        %get3A_835 = tpu.vector_load %arg7[%get3A_833, %get3A_834] {strides = array<i32>} : memref<800x64xf32, #tpu.memory_space<vmem>>, vector<1x16xf32>,
        %get3A_836 = vector.shape_cast %get3A_835 : vector<1x16xf32> to vector<16xf32>
        %add3A_837 = arith.addf %add3A_809, %get3A_836 : vector<16xf32>
        %add3A_838 = arith.constant 28 : i32
        %add3A_839 = arith.addi %mul3A_66, %add3A_838 : i32
        %get3A_840 = arith.index_cast %add3A_839 : i32 to index
        %get3A_841 = arith.constant 0 : index
        %get3A_842 = tpu.vector_load %arg7[%get3A_840, %get3A_841] {strides = array<i32>} : memref<800x64xf32, #tpu.memory_space<vmem>>, vector<1x16xf32>,
        %get3A_843 = vector.shape_cast %get3A_842 : vector<1x16xf32> to vector<16xf32>
        %add3A_844 = arith.addf %add3A_816, %get3A_843 : vector<16xf32>
        %add3A_845 = arith.constant 28 : i32
        %add3A_846 = arith.addi %mul3A_66, %add3A_845 : i32
        %get3A_847 = arith.index_cast %add3A_846 : i32 to index
        %get3A_848 = arith.constant 16 : index
        %get3A_849 = tpu.vector_load %arg7[%get3A_847, %get3A_848] {strides = array<i32>} : memref<800x64xf32, #tpu.memory_space<vmem>>, vector<1x16xf32>,
        %get3A_850 = vector.shape_cast %get3A_849 : vector<1x16xf32> to vector<16xf32>
        %add3A_851 = arith.addf %add3A_823, %get3A_850 : vector<16xf32>
        %add3A_852 = arith.constant 28 : i32
        %add3A_853 = arith.addi %mul3A_66, %add3A_852 : i32
        %get3A_854 = arith.index_cast %add3A_853 : i32 to index
        %get3A_855 = arith.constant 32 : index
        %get3A_856 = tpu.vector_load %arg7[%get3A_854, %get3A_855] {strides = array<i32>} : memref<800x64xf32, #tpu.memory_space<vmem>>, vector<1x16xf32>,
        %get3A_857 = vector.shape_cast %get3A_856 : vector<1x16xf32> to vector<16xf32>
        %add3A_858 = arith.addf %add3A_830, %get3A_857 : vector<16xf32>
        %add3A_859 = arith.constant 28 : i32
        %add3A_860 = arith.addi %mul3A_66, %add3A_859 : i32
        %get3A_861 = arith.index_cast %add3A_860 : i32 to index
        %get3A_862 = arith.constant 48 : index
        %get3A_863 = tpu.vector_load %arg7[%get3A_861, %get3A_862] {strides = array<i32>} : memref<800x64xf32, #tpu.memory_space<vmem>>, vector<1x16xf32>,
        %get3A_864 = vector.shape_cast %get3A_863 : vector<1x16xf32> to vector<16xf32>
        %add3A_865 = arith.addf %add3A_837, %get3A_864 : vector<16xf32>
        %add3A_866 = arith.constant 29 : i32
        %add3A_867 = arith.addi %mul3A_66, %add3A_866 : i32
        %get3A_868 = arith.index_cast %add3A_867 : i32 to index
        %get3A_869 = arith.constant 0 : index
        %get3A_870 = tpu.vector_load %arg7[%get3A_868, %get3A_869] {strides = array<i32>} : memref<800x64xf32, #tpu.memory_space<vmem>>, vector<1x16xf32>,
        %get3A_871 = vector.shape_cast %get3A_870 : vector<1x16xf32> to vector<16xf32>
        %add3A_872 = arith.addf %add3A_844, %get3A_871 : vector<16xf32>
        %add3A_873 = arith.constant 29 : i32
        %add3A_874 = arith.addi %mul3A_66, %add3A_873 : i32
        %get3A_875 = arith.index_cast %add3A_874 : i32 to index
        %get3A_876 = arith.constant 16 : index
        %get3A_877 = tpu.vector_load %arg7[%get3A_875, %get3A_876] {strides = array<i32>} : memref<800x64xf32, #tpu.memory_space<vmem>>, vector<1x16xf32>,
        %get3A_878 = vector.shape_cast %get3A_877 : vector<1x16xf32> to vector<16xf32>
        %add3A_879 = arith.addf %add3A_851, %get3A_878 : vector<16xf32>
        %add3A_880 = arith.constant 29 : i32
        %add3A_881 = arith.addi %mul3A_66, %add3A_880 : i32
        %get3A_882 = arith.index_cast %add3A_881 : i32 to index
        %get3A_883 = arith.constant 32 : index
        %get3A_884 = tpu.vector_load %arg7[%get3A_882, %get3A_883] {strides = array<i32>} : memref<800x64xf32, #tpu.memory_space<vmem>>, vector<1x16xf32>,
        %get3A_885 = vector.shape_cast %get3A_884 : vector<1x16xf32> to vector<16xf32>
        %add3A_886 = arith.addf %add3A_858, %get3A_885 : vector<16xf32>
        %add3A_887 = arith.constant 29 : i32
        %add3A_888 = arith.addi %mul3A_66, %add3A_887 : i32
        %get3A_889 = arith.index_cast %add3A_888 : i32 to index
        %get3A_890 = arith.constant 48 : index
        %get3A_891 = tpu.vector_load %arg7[%get3A_889, %get3A_890] {strides = array<i32>} : memref<800x64xf32, #tpu.memory_space<vmem>>, vector<1x16xf32>,
        %get3A_892 = vector.shape_cast %get3A_891 : vector<1x16xf32> to vector<16xf32>
        %add3A_893 = arith.addf %add3A_865, %get3A_892 : vector<16xf32>
        %add3A_894 = arith.constant 30 : i32
        %add3A_895 = arith.addi %mul3A_66, %add3A_894 : i32
        %get3A_896 = arith.index_cast %add3A_895 : i32 to index
        %get3A_897 = arith.constant 0 : index
        %get3A_898 = tpu.vector_load %arg7[%get3A_896, %get3A_897] {strides = array<i32>} : memref<800x64xf32, #tpu.memory_space<vmem>>, vector<1x16xf32>,
        %get3A_899 = vector.shape_cast %get3A_898 : vector<1x16xf32> to vector<16xf32>
        %add3A_900 = arith.addf %add3A_872, %get3A_899 : vector<16xf32>
        %add3A_901 = arith.constant 30 : i32
        %add3A_902 = arith.addi %mul3A_66, %add3A_901 : i32
        %get3A_903 = arith.index_cast %add3A_902 : i32 to index
        %get3A_904 = arith.constant 16 : index
        %get3A_905 = tpu.vector_load %arg7[%get3A_903, %get3A_904] {strides = array<i32>} : memref<800x64xf32, #tpu.memory_space<vmem>>, vector<1x16xf32>,
        %get3A_906 = vector.shape_cast %get3A_905 : vector<1x16xf32> to vector<16xf32>
        %add3A_907 = arith.addf %add3A_879, %get3A_906 : vector<16xf32>
        %add3A_908 = arith.constant 30 : i32
        %add3A_909 = arith.addi %mul3A_66, %add3A_908 : i32
        %get3A_910 = arith.index_cast %add3A_909 : i32 to index
        %get3A_911 = arith.constant 32 : index
        %get3A_912 = tpu.vector_load %arg7[%get3A_910, %get3A_911] {strides = array<i32>} : memref<800x64xf32, #tpu.memory_space<vmem>>, vector<1x16xf32>,
        %get3A_913 = vector.shape_cast %get3A_912 : vector<1x16xf32> to vector<16xf32>
        %add3A_914 = arith.addf %add3A_886, %get3A_913 : vector<16xf32>
        %add3A_915 = arith.constant 30 : i32
        %add3A_916 = arith.addi %mul3A_66, %add3A_915 : i32
        %get3A_917 = arith.index_cast %add3A_916 : i32 to index
        %get3A_918 = arith.constant 48 : index
        %get3A_919 = tpu.vector_load %arg7[%get3A_917, %get3A_918] {strides = array<i32>} : memref<800x64xf32, #tpu.memory_space<vmem>>, vector<1x16xf32>,
        %get3A_920 = vector.shape_cast %get3A_919 : vector<1x16xf32> to vector<16xf32>
        %add3A_921 = arith.addf %add3A_893, %get3A_920 : vector<16xf32>
        %add3A_922 = arith.constant 31 : i32
        %add3A_923 = arith.addi %mul3A_66, %add3A_922 : i32
        %get3A_924 = arith.index_cast %add3A_923 : i32 to index
        %get3A_925 = arith.constant 0 : index
        %get3A_926 = tpu.vector_load %arg7[%get3A_924, %get3A_925] {strides = array<i32>} : memref<800x64xf32, #tpu.memory_space<vmem>>, vector<1x16xf32>,
        %get3A_927 = vector.shape_cast %get3A_926 : vector<1x16xf32> to vector<16xf32>
        %add3A_928 = arith.addf %add3A_900, %get3A_927 : vector<16xf32>
        %add3A_929 = arith.constant 31 : i32
        %add3A_930 = arith.addi %mul3A_66, %add3A_929 : i32
        %get3A_931 = arith.index_cast %add3A_930 : i32 to index
        %get3A_932 = arith.constant 16 : index
        %get3A_933 = tpu.vector_load %arg7[%get3A_931, %get3A_932] {strides = array<i32>} : memref<800x64xf32, #tpu.memory_space<vmem>>, vector<1x16xf32>,
        %get3A_934 = vector.shape_cast %get3A_933 : vector<1x16xf32> to vector<16xf32>
        %add3A_935 = arith.addf %add3A_907, %get3A_934 : vector<16xf32>
        %add3A_936 = arith.constant 31 : i32
        %add3A_937 = arith.addi %mul3A_66, %add3A_936 : i32
        %get3A_938 = arith.index_cast %add3A_937 : i32 to index
        %get3A_939 = arith.constant 32 : index
        %get3A_940 = tpu.vector_load %arg7[%get3A_938, %get3A_939] {strides = array<i32>} : memref<800x64xf32, #tpu.memory_space<vmem>>, vector<1x16xf32>,
        %get3A_941 = vector.shape_cast %get3A_940 : vector<1x16xf32> to vector<16xf32>
        %add3A_942 = arith.addf %add3A_914, %get3A_941 : vector<16xf32>
        %add3A_943 = arith.constant 31 : i32
        %add3A_944 = arith.addi %mul3A_66, %add3A_943 : i32
        %get3A_945 = arith.index_cast %add3A_944 : i32 to index
        %get3A_946 = arith.constant 48 : index
        %get3A_947 = tpu.vector_load %arg7[%get3A_945, %get3A_946] {strides = array<i32>} : memref<800x64xf32, #tpu.memory_space<vmem>>, vector<1x16xf32>,
        %get3A_948 = vector.shape_cast %get3A_947 : vector<1x16xf32> to vector<16xf32>
        %add3A_949 = arith.addf %add3A_921, %get3A_948 : vector<16xf32>
        %add3A_950 = arith.constant 32 : i32
        %add3A_951 = arith.addi %mul3A_66, %add3A_950 : i32
        %get3A_952 = arith.index_cast %add3A_951 : i32 to index
        %get3A_953 = arith.constant 0 : index
        %get3A_954 = tpu.vector_load %arg7[%get3A_952, %get3A_953] {strides = array<i32>} : memref<800x64xf32, #tpu.memory_space<vmem>>, vector<1x16xf32>,
        %get3A_955 = vector.shape_cast %get3A_954 : vector<1x16xf32> to vector<16xf32>
        %add3A_956 = arith.addf %add3A_928, %get3A_955 : vector<16xf32>
        %add3A_957 = arith.constant 32 : i32
        %add3A_958 = arith.addi %mul3A_66, %add3A_957 : i32
        %get3A_959 = arith.index_cast %add3A_958 : i32 to index
        %get3A_960 = arith.constant 16 : index
        %get3A_961 = tpu.vector_load %arg7[%get3A_959, %get3A_960] {strides = array<i32>} : memref<800x64xf32, #tpu.memory_space<vmem>>, vector<1x16xf32>,
        %get3A_962 = vector.shape_cast %get3A_961 : vector<1x16xf32> to vector<16xf32>
        %add3A_963 = arith.addf %add3A_935, %get3A_962 : vector<16xf32>
        %add3A_964 = arith.constant 32 : i32
        %add3A_965 = arith.addi %mul3A_66, %add3A_964 : i32
        %get3A_966 = arith.index_cast %add3A_965 : i32 to index
        %get3A_967 = arith.constant 32 : index
        %get3A_968 = tpu.vector_load %arg7[%get3A_966, %get3A_967] {strides = array<i32>} : memref<800x64xf32, #tpu.memory_space<vmem>>, vector<1x16xf32>,
        %get3A_969 = vector.shape_cast %get3A_968 : vector<1x16xf32> to vector<16xf32>
        %add3A_970 = arith.addf %add3A_942, %get3A_969 : vector<16xf32>
        %add3A_971 = arith.constant 32 : i32
        %add3A_972 = arith.addi %mul3A_66, %add3A_971 : i32
        %get3A_973 = arith.index_cast %add3A_972 : i32 to index
        %get3A_974 = arith.constant 48 : index
        %get3A_975 = tpu.vector_load %arg7[%get3A_973, %get3A_974] {strides = array<i32>} : memref<800x64xf32, #tpu.memory_space<vmem>>, vector<1x16xf32>,
        %get3A_976 = vector.shape_cast %get3A_975 : vector<1x16xf32> to vector<16xf32>
        %add3A_977 = arith.addf %add3A_949, %get3A_976 : vector<16xf32>
        %add3A_978 = arith.constant 33 : i32
        %add3A_979 = arith.addi %mul3A_66, %add3A_978 : i32
        %get3A_980 = arith.index_cast %add3A_979 : i32 to index
        %get3A_981 = arith.constant 0 : index
        %get3A_982 = tpu.vector_load %arg7[%get3A_980, %get3A_981] {strides = array<i32>} : memref<800x64xf32, #tpu.memory_space<vmem>>, vector<1x16xf32>,
        %get3A_983 = vector.shape_cast %get3A_982 : vector<1x16xf32> to vector<16xf32>
        %add3A_984 = arith.addf %add3A_956, %get3A_983 : vector<16xf32>
        %add3A_985 = arith.constant 33 : i32
        %add3A_986 = arith.addi %mul3A_66, %add3A_985 : i32
        %get3A_987 = arith.index_cast %add3A_986 : i32 to index
        %get3A_988 = arith.constant 16 : index
        %get3A_989 = tpu.vector_load %arg7[%get3A_987, %get3A_988] {strides = array<i32>} : memref<800x64xf32, #tpu.memory_space<vmem>>, vector<1x16xf32>,
        %get3A_990 = vector.shape_cast %get3A_989 : vector<1x16xf32> to vector<16xf32>
        %add3A_991 = arith.addf %add3A_963, %get3A_990 : vector<16xf32>
        %add3A_992 = arith.constant 33 : i32
        %add3A_993 = arith.addi %mul3A_66, %add3A_992 : i32
        %get3A_994 = arith.index_cast %add3A_993 : i32 to index
        %get3A_995 = arith.constant 32 : index
        %get3A_996 = tpu.vector_load %arg7[%get3A_994, %get3A_995] {strides = array<i32>} : memref<800x64xf32, #tpu.memory_space<vmem>>, vector<1x16xf32>,
        %get3A_997 = vector.shape_cast %get3A_996 : vector<1x16xf32> to vector<16xf32>
        %add3A_998 = arith.addf %add3A_970, %get3A_997 : vector<16xf32>
        %add3A_999 = arith.constant 33 : i32
        %add3A_1000 = arith.addi %mul3A_66, %add3A_999 : i32
        %get3A_1001 = arith.index_cast %add3A_1000 : i32 to index
        %get3A_1002 = arith.constant 48 : index
        %get3A_1003 = tpu.vector_load %arg7[%get3A_1001, %get3A_1002] {strides = array<i32>} : memref<800x64xf32, #tpu.memory_space<vmem>>, vector<1x16xf32>,
        %get3A_1004 = vector.shape_cast %get3A_1003 : vector<1x16xf32> to vector<16xf32>
        %add3A_1005 = arith.addf %add3A_977, %get3A_1004 : vector<16xf32>
        %add3A_1006 = arith.constant 34 : i32
        %add3A_1007 = arith.addi %mul3A_66, %add3A_1006 : i32
        %get3A_1008 = arith.index_cast %add3A_1007 : i32 to index
        %get3A_1009 = arith.constant 0 : index
        %get3A_1010 = tpu.vector_load %arg7[%get3A_1008, %get3A_1009] {strides = array<i32>} : memref<800x64xf32, #tpu.memory_space<vmem>>, vector<1x16xf32>,
        %get3A_1011 = vector.shape_cast %get3A_1010 : vector<1x16xf32> to vector<16xf32>
        %add3A_1012 = arith.addf %add3A_984, %get3A_1011 : vector<16xf32>
        %add3A_1013 = arith.constant 34 : i32
        %add3A_1014 = arith.addi %mul3A_66, %add3A_1013 : i32
        %get3A_1015 = arith.index_cast %add3A_1014 : i32 to index
        %get3A_1016 = arith.constant 16 : index
        %get3A_1017 = tpu.vector_load %arg7[%get3A_1015, %get3A_1016] {strides = array<i32>} : memref<800x64xf32, #tpu.memory_space<vmem>>, vector<1x16xf32>,
        %get3A_1018 = vector.shape_cast %get3A_1017 : vector<1x16xf32> to vector<16xf32>
        %add3A_1019 = arith.addf %add3A_991, %get3A_1018 : vector<16xf32>
        %add3A_1020 = arith.constant 34 : i32
        %add3A_1021 = arith.addi %mul3A_66, %add3A_1020 : i32
        %get3A_1022 = arith.index_cast %add3A_1021 : i32 to index
        %get3A_1023 = arith.constant 32 : index
        %get3A_1024 = tpu.vector_load %arg7[%get3A_1022, %get3A_1023] {strides = array<i32>} : memref<800x64xf32, #tpu.memory_space<vmem>>, vector<1x16xf32>,
        %get3A_1025 = vector.shape_cast %get3A_1024 : vector<1x16xf32> to vector<16xf32>
        %add3A_1026 = arith.addf %add3A_998, %get3A_1025 : vector<16xf32>
        %add3A_1027 = arith.constant 34 : i32
        %add3A_1028 = arith.addi %mul3A_66, %add3A_1027 : i32
        %get3A_1029 = arith.index_cast %add3A_1028 : i32 to index
        %get3A_1030 = arith.constant 48 : index
        %get3A_1031 = tpu.vector_load %arg7[%get3A_1029, %get3A_1030] {strides = array<i32>} : memref<800x64xf32, #tpu.memory_space<vmem>>, vector<1x16xf32>,
        %get3A_1032 = vector.shape_cast %get3A_1031 : vector<1x16xf32> to vector<16xf32>
        %add3A_1033 = arith.addf %add3A_1005, %get3A_1032 : vector<16xf32>
        %add3A_1034 = arith.constant 35 : i32
        %add3A_1035 = arith.addi %mul3A_66, %add3A_1034 : i32
        %get3A_1036 = arith.index_cast %add3A_1035 : i32 to index
        %get3A_1037 = arith.constant 0 : index
        %get3A_1038 = tpu.vector_load %arg7[%get3A_1036, %get3A_1037] {strides = array<i32>} : memref<800x64xf32, #tpu.memory_space<vmem>>, vector<1x16xf32>,
        %get3A_1039 = vector.shape_cast %get3A_1038 : vector<1x16xf32> to vector<16xf32>
        %add3A_1040 = arith.addf %add3A_1012, %get3A_1039 : vector<16xf32>
        %add3A_1041 = arith.constant 35 : i32
        %add3A_1042 = arith.addi %mul3A_66, %add3A_1041 : i32
        %get3A_1043 = arith.index_cast %add3A_1042 : i32 to index
        %get3A_1044 = arith.constant 16 : index
        %get3A_1045 = tpu.vector_load %arg7[%get3A_1043, %get3A_1044] {strides = array<i32>} : memref<800x64xf32, #tpu.memory_space<vmem>>, vector<1x16xf32>,
        %get3A_1046 = vector.shape_cast %get3A_1045 : vector<1x16xf32> to vector<16xf32>
        %add3A_1047 = arith.addf %add3A_1019, %get3A_1046 : vector<16xf32>
        %add3A_1048 = arith.constant 35 : i32
        %add3A_1049 = arith.addi %mul3A_66, %add3A_1048 : i32
        %get3A_1050 = arith.index_cast %add3A_1049 : i32 to index
        %get3A_1051 = arith.constant 32 : index
        %get3A_1052 = tpu.vector_load %arg7[%get3A_1050, %get3A_1051] {strides = array<i32>} : memref<800x64xf32, #tpu.memory_space<vmem>>, vector<1x16xf32>,
        %get3A_1053 = vector.shape_cast %get3A_1052 : vector<1x16xf32> to vector<16xf32>
        %add3A_1054 = arith.addf %add3A_1026, %get3A_1053 : vector<16xf32>
        %add3A_1055 = arith.constant 35 : i32
        %add3A_1056 = arith.addi %mul3A_66, %add3A_1055 : i32
        %get3A_1057 = arith.index_cast %add3A_1056 : i32 to index
        %get3A_1058 = arith.constant 48 : index
        %get3A_1059 = tpu.vector_load %arg7[%get3A_1057, %get3A_1058] {strides = array<i32>} : memref<800x64xf32, #tpu.memory_space<vmem>>, vector<1x16xf32>,
        %get3A_1060 = vector.shape_cast %get3A_1059 : vector<1x16xf32> to vector<16xf32>
        %add3A_1061 = arith.addf %add3A_1033, %get3A_1060 : vector<16xf32>
        %add3A_1062 = arith.constant 36 : i32
        %add3A_1063 = arith.addi %mul3A_66, %add3A_1062 : i32
        %get3A_1064 = arith.index_cast %add3A_1063 : i32 to index
        %get3A_1065 = arith.constant 0 : index
        %get3A_1066 = tpu.vector_load %arg7[%get3A_1064, %get3A_1065] {strides = array<i32>} : memref<800x64xf32, #tpu.memory_space<vmem>>, vector<1x16xf32>,
        %get3A_1067 = vector.shape_cast %get3A_1066 : vector<1x16xf32> to vector<16xf32>
        %add3A_1068 = arith.addf %add3A_1040, %get3A_1067 : vector<16xf32>
        %add3A_1069 = arith.constant 36 : i32
        %add3A_1070 = arith.addi %mul3A_66, %add3A_1069 : i32
        %get3A_1071 = arith.index_cast %add3A_1070 : i32 to index
        %get3A_1072 = arith.constant 16 : index
        %get3A_1073 = tpu.vector_load %arg7[%get3A_1071, %get3A_1072] {strides = array<i32>} : memref<800x64xf32, #tpu.memory_space<vmem>>, vector<1x16xf32>,
        %get3A_1074 = vector.shape_cast %get3A_1073 : vector<1x16xf32> to vector<16xf32>
        %add3A_1075 = arith.addf %add3A_1047, %get3A_1074 : vector<16xf32>
        %add3A_1076 = arith.constant 36 : i32
        %add3A_1077 = arith.addi %mul3A_66, %add3A_1076 : i32
        %get3A_1078 = arith.index_cast %add3A_1077 : i32 to index
        %get3A_1079 = arith.constant 32 : index
        %get3A_1080 = tpu.vector_load %arg7[%get3A_1078, %get3A_1079] {strides = array<i32>} : memref<800x64xf32, #tpu.memory_space<vmem>>, vector<1x16xf32>,
        %get3A_1081 = vector.shape_cast %get3A_1080 : vector<1x16xf32> to vector<16xf32>
        %add3A_1082 = arith.addf %add3A_1054, %get3A_1081 : vector<16xf32>
        %add3A_1083 = arith.constant 36 : i32
        %add3A_1084 = arith.addi %mul3A_66, %add3A_1083 : i32
        %get3A_1085 = arith.index_cast %add3A_1084 : i32 to index
        %get3A_1086 = arith.constant 48 : index
        %get3A_1087 = tpu.vector_load %arg7[%get3A_1085, %get3A_1086] {strides = array<i32>} : memref<800x64xf32, #tpu.memory_space<vmem>>, vector<1x16xf32>,
        %get3A_1088 = vector.shape_cast %get3A_1087 : vector<1x16xf32> to vector<16xf32>
        %add3A_1089 = arith.addf %add3A_1061, %get3A_1088 : vector<16xf32>
        %add3A_1090 = arith.constant 37 : i32
        %add3A_1091 = arith.addi %mul3A_66, %add3A_1090 : i32
        %get3A_1092 = arith.index_cast %add3A_1091 : i32 to index
        %get3A_1093 = arith.constant 0 : index
        %get3A_1094 = tpu.vector_load %arg7[%get3A_1092, %get3A_1093] {strides = array<i32>} : memref<800x64xf32, #tpu.memory_space<vmem>>, vector<1x16xf32>,
        %get3A_1095 = vector.shape_cast %get3A_1094 : vector<1x16xf32> to vector<16xf32>
        %add3A_1096 = arith.addf %add3A_1068, %get3A_1095 : vector<16xf32>
        %add3A_1097 = arith.constant 37 : i32
        %add3A_1098 = arith.addi %mul3A_66, %add3A_1097 : i32
        %get3A_1099 = arith.index_cast %add3A_1098 : i32 to index
        %get3A_1100 = arith.constant 16 : index
        %get3A_1101 = tpu.vector_load %arg7[%get3A_1099, %get3A_1100] {strides = array<i32>} : memref<800x64xf32, #tpu.memory_space<vmem>>, vector<1x16xf32>,
        %get3A_1102 = vector.shape_cast %get3A_1101 : vector<1x16xf32> to vector<16xf32>
        %add3A_1103 = arith.addf %add3A_1075, %get3A_1102 : vector<16xf32>
        %add3A_1104 = arith.constant 37 : i32
        %add3A_1105 = arith.addi %mul3A_66, %add3A_1104 : i32
        %get3A_1106 = arith.index_cast %add3A_1105 : i32 to index
        %get3A_1107 = arith.constant 32 : index
        %get3A_1108 = tpu.vector_load %arg7[%get3A_1106, %get3A_1107] {strides = array<i32>} : memref<800x64xf32, #tpu.memory_space<vmem>>, vector<1x16xf32>,
        %get3A_1109 = vector.shape_cast %get3A_1108 : vector<1x16xf32> to vector<16xf32>
        %add3A_1110 = arith.addf %add3A_1082, %get3A_1109 : vector<16xf32>
        %add3A_1111 = arith.constant 37 : i32
        %add3A_1112 = arith.addi %mul3A_66, %add3A_1111 : i32
        %get3A_1113 = arith.index_cast %add3A_1112 : i32 to index
        %get3A_1114 = arith.constant 48 : index
        %get3A_1115 = tpu.vector_load %arg7[%get3A_1113, %get3A_1114] {strides = array<i32>} : memref<800x64xf32, #tpu.memory_space<vmem>>, vector<1x16xf32>,
        %get3A_1116 = vector.shape_cast %get3A_1115 : vector<1x16xf32> to vector<16xf32>
        %add3A_1117 = arith.addf %add3A_1089, %get3A_1116 : vector<16xf32>
        %add3A_1118 = arith.constant 38 : i32
        %add3A_1119 = arith.addi %mul3A_66, %add3A_1118 : i32
        %get3A_1120 = arith.index_cast %add3A_1119 : i32 to index
        %get3A_1121 = arith.constant 0 : index
        %get3A_1122 = tpu.vector_load %arg7[%get3A_1120, %get3A_1121] {strides = array<i32>} : memref<800x64xf32, #tpu.memory_space<vmem>>, vector<1x16xf32>,
        %get3A_1123 = vector.shape_cast %get3A_1122 : vector<1x16xf32> to vector<16xf32>
        %add3A_1124 = arith.addf %add3A_1096, %get3A_1123 : vector<16xf32>
        %add3A_1125 = arith.constant 38 : i32
        %add3A_1126 = arith.addi %mul3A_66, %add3A_1125 : i32
        %get3A_1127 = arith.index_cast %add3A_1126 : i32 to index
        %get3A_1128 = arith.constant 16 : index
        %get3A_1129 = tpu.vector_load %arg7[%get3A_1127, %get3A_1128] {strides = array<i32>} : memref<800x64xf32, #tpu.memory_space<vmem>>, vector<1x16xf32>,
        %get3A_1130 = vector.shape_cast %get3A_1129 : vector<1x16xf32> to vector<16xf32>
        %add3A_1131 = arith.addf %add3A_1103, %get3A_1130 : vector<16xf32>
        %add3A_1132 = arith.constant 38 : i32
        %add3A_1133 = arith.addi %mul3A_66, %add3A_1132 : i32
        %get3A_1134 = arith.index_cast %add3A_1133 : i32 to index
        %get3A_1135 = arith.constant 32 : index
        %get3A_1136 = tpu.vector_load %arg7[%get3A_1134, %get3A_1135] {strides = array<i32>} : memref<800x64xf32, #tpu.memory_space<vmem>>, vector<1x16xf32>,
        %get3A_1137 = vector.shape_cast %get3A_1136 : vector<1x16xf32> to vector<16xf32>
        %add3A_1138 = arith.addf %add3A_1110, %get3A_1137 : vector<16xf32>
        %add3A_1139 = arith.constant 38 : i32
        %add3A_1140 = arith.addi %mul3A_66, %add3A_1139 : i32
        %get3A_1141 = arith.index_cast %add3A_1140 : i32 to index
        %get3A_1142 = arith.constant 48 : index
        %get3A_1143 = tpu.vector_load %arg7[%get3A_1141, %get3A_1142] {strides = array<i32>} : memref<800x64xf32, #tpu.memory_space<vmem>>, vector<1x16xf32>,
        %get3A_1144 = vector.shape_cast %get3A_1143 : vector<1x16xf32> to vector<16xf32>
        %add3A_1145 = arith.addf %add3A_1117, %get3A_1144 : vector<16xf32>
        %add3A_1146 = arith.constant 39 : i32
        %add3A_1147 = arith.addi %mul3A_66, %add3A_1146 : i32
        %get3A_1148 = arith.index_cast %add3A_1147 : i32 to index
        %get3A_1149 = arith.constant 0 : index
        %get3A_1150 = tpu.vector_load %arg7[%get3A_1148, %get3A_1149] {strides = array<i32>} : memref<800x64xf32, #tpu.memory_space<vmem>>, vector<1x16xf32>,
        %get3A_1151 = vector.shape_cast %get3A_1150 : vector<1x16xf32> to vector<16xf32>
        %add3A_1152 = arith.addf %add3A_1124, %get3A_1151 : vector<16xf32>
        %add3A_1153 = arith.constant 39 : i32
        %add3A_1154 = arith.addi %mul3A_66, %add3A_1153 : i32
        %get3A_1155 = arith.index_cast %add3A_1154 : i32 to index
        %get3A_1156 = arith.constant 16 : index
        %get3A_1157 = tpu.vector_load %arg7[%get3A_1155, %get3A_1156] {strides = array<i32>} : memref<800x64xf32, #tpu.memory_space<vmem>>, vector<1x16xf32>,
        %get3A_1158 = vector.shape_cast %get3A_1157 : vector<1x16xf32> to vector<16xf32>
        %add3A_1159 = arith.addf %add3A_1131, %get3A_1158 : vector<16xf32>
        %add3A_1160 = arith.constant 39 : i32
        %add3A_1161 = arith.addi %mul3A_66, %add3A_1160 : i32
        %get3A_1162 = arith.index_cast %add3A_1161 : i32 to index
        %get3A_1163 = arith.constant 32 : index
        %get3A_1164 = tpu.vector_load %arg7[%get3A_1162, %get3A_1163] {strides = array<i32>} : memref<800x64xf32, #tpu.memory_space<vmem>>, vector<1x16xf32>,
        %get3A_1165 = vector.shape_cast %get3A_1164 : vector<1x16xf32> to vector<16xf32>
        %add3A_1166 = arith.addf %add3A_1138, %get3A_1165 : vector<16xf32>
        %add3A_1167 = arith.constant 39 : i32
        %add3A_1168 = arith.addi %mul3A_66, %add3A_1167 : i32
        %get3A_1169 = arith.index_cast %add3A_1168 : i32 to index
        %get3A_1170 = arith.constant 48 : index
        %get3A_1171 = tpu.vector_load %arg7[%get3A_1169, %get3A_1170] {strides = array<i32>} : memref<800x64xf32, #tpu.memory_space<vmem>>, vector<1x16xf32>,
        %get3A_1172 = vector.shape_cast %get3A_1171 : vector<1x16xf32> to vector<16xf32>
        %add3A_1173 = arith.addf %add3A_1145, %get3A_1172 : vector<16xf32>
        %add3A_1174 = arith.constant 40 : i32
        %add3A_1175 = arith.addi %mul3A_66, %add3A_1174 : i32
        %get3A_1176 = arith.index_cast %add3A_1175 : i32 to index
        %get3A_1177 = arith.constant 0 : index
        %get3A_1178 = tpu.vector_load %arg7[%get3A_1176, %get3A_1177] {strides = array<i32>} : memref<800x64xf32, #tpu.memory_space<vmem>>, vector<1x16xf32>,
        %get3A_1179 = vector.shape_cast %get3A_1178 : vector<1x16xf32> to vector<16xf32>
        %add3A_1180 = arith.addf %add3A_1152, %get3A_1179 : vector<16xf32>
        %add3A_1181 = arith.constant 40 : i32
        %add3A_1182 = arith.addi %mul3A_66, %add3A_1181 : i32
        %get3A_1183 = arith.index_cast %add3A_1182 : i32 to index
        %get3A_1184 = arith.constant 16 : index
        %get3A_1185 = tpu.vector_load %arg7[%get3A_1183, %get3A_1184] {strides = array<i32>} : memref<800x64xf32, #tpu.memory_space<vmem>>, vector<1x16xf32>,
        %get3A_1186 = vector.shape_cast %get3A_1185 : vector<1x16xf32> to vector<16xf32>
        %add3A_1187 = arith.addf %add3A_1159, %get3A_1186 : vector<16xf32>
        %add3A_1188 = arith.constant 40 : i32
        %add3A_1189 = arith.addi %mul3A_66, %add3A_1188 : i32
        %get3A_1190 = arith.index_cast %add3A_1189 : i32 to index
        %get3A_1191 = arith.constant 32 : index
        %get3A_1192 = tpu.vector_load %arg7[%get3A_1190, %get3A_1191] {strides = array<i32>} : memref<800x64xf32, #tpu.memory_space<vmem>>, vector<1x16xf32>,
        %get3A_1193 = vector.shape_cast %get3A_1192 : vector<1x16xf32> to vector<16xf32>
        %add3A_1194 = arith.addf %add3A_1166, %get3A_1193 : vector<16xf32>
        %add3A_1195 = arith.constant 40 : i32
        %add3A_1196 = arith.addi %mul3A_66, %add3A_1195 : i32
        %get3A_1197 = arith.index_cast %add3A_1196 : i32 to index
        %get3A_1198 = arith.constant 48 : index
        %get3A_1199 = tpu.vector_load %arg7[%get3A_1197, %get3A_1198] {strides = array<i32>} : memref<800x64xf32, #tpu.memory_space<vmem>>, vector<1x16xf32>,
        %get3A_1200 = vector.shape_cast %get3A_1199 : vector<1x16xf32> to vector<16xf32>
        %add3A_1201 = arith.addf %add3A_1173, %get3A_1200 : vector<16xf32>
        %add3A_1202 = arith.constant 41 : i32
        %add3A_1203 = arith.addi %mul3A_66, %add3A_1202 : i32
        %get3A_1204 = arith.index_cast %add3A_1203 : i32 to index
        %get3A_1205 = arith.constant 0 : index
        %get3A_1206 = tpu.vector_load %arg7[%get3A_1204, %get3A_1205] {strides = array<i32>} : memref<800x64xf32, #tpu.memory_space<vmem>>, vector<1x16xf32>,
        %get3A_1207 = vector.shape_cast %get3A_1206 : vector<1x16xf32> to vector<16xf32>
        %add3A_1208 = arith.addf %add3A_1180, %get3A_1207 : vector<16xf32>
        %add3A_1209 = arith.constant 41 : i32
        %add3A_1210 = arith.addi %mul3A_66, %add3A_1209 : i32
        %get3A_1211 = arith.index_cast %add3A_1210 : i32 to index
        %get3A_1212 = arith.constant 16 : index
        %get3A_1213 = tpu.vector_load %arg7[%get3A_1211, %get3A_1212] {strides = array<i32>} : memref<800x64xf32, #tpu.memory_space<vmem>>, vector<1x16xf32>,
        %get3A_1214 = vector.shape_cast %get3A_1213 : vector<1x16xf32> to vector<16xf32>
        %add3A_1215 = arith.addf %add3A_1187, %get3A_1214 : vector<16xf32>
        %add3A_1216 = arith.constant 41 : i32
        %add3A_1217 = arith.addi %mul3A_66, %add3A_1216 : i32
        %get3A_1218 = arith.index_cast %add3A_1217 : i32 to index
        %get3A_1219 = arith.constant 32 : index
        %get3A_1220 = tpu.vector_load %arg7[%get3A_1218, %get3A_1219] {strides = array<i32>} : memref<800x64xf32, #tpu.memory_space<vmem>>, vector<1x16xf32>,
        %get3A_1221 = vector.shape_cast %get3A_1220 : vector<1x16xf32> to vector<16xf32>
        %add3A_1222 = arith.addf %add3A_1194, %get3A_1221 : vector<16xf32>
        %add3A_1223 = arith.constant 41 : i32
        %add3A_1224 = arith.addi %mul3A_66, %add3A_1223 : i32
        %get3A_1225 = arith.index_cast %add3A_1224 : i32 to index
        %get3A_1226 = arith.constant 48 : index
        %get3A_1227 = tpu.vector_load %arg7[%get3A_1225, %get3A_1226] {strides = array<i32>} : memref<800x64xf32, #tpu.memory_space<vmem>>, vector<1x16xf32>,
        %get3A_1228 = vector.shape_cast %get3A_1227 : vector<1x16xf32> to vector<16xf32>
        %add3A_1229 = arith.addf %add3A_1201, %get3A_1228 : vector<16xf32>
        %add3A_1230 = arith.constant 42 : i32
        %add3A_1231 = arith.addi %mul3A_66, %add3A_1230 : i32
        %get3A_1232 = arith.index_cast %add3A_1231 : i32 to index
        %get3A_1233 = arith.constant 0 : index
        %get3A_1234 = tpu.vector_load %arg7[%get3A_1232, %get3A_1233] {strides = array<i32>} : memref<800x64xf32, #tpu.memory_space<vmem>>, vector<1x16xf32>,
        %get3A_1235 = vector.shape_cast %get3A_1234 : vector<1x16xf32> to vector<16xf32>
        %add3A_1236 = arith.addf %add3A_1208, %get3A_1235 : vector<16xf32>
        %add3A_1237 = arith.constant 42 : i32
        %add3A_1238 = arith.addi %mul3A_66, %add3A_1237 : i32
        %get3A_1239 = arith.index_cast %add3A_1238 : i32 to index
        %get3A_1240 = arith.constant 16 : index
        %get3A_1241 = tpu.vector_load %arg7[%get3A_1239, %get3A_1240] {strides = array<i32>} : memref<800x64xf32, #tpu.memory_space<vmem>>, vector<1x16xf32>,
        %get3A_1242 = vector.shape_cast %get3A_1241 : vector<1x16xf32> to vector<16xf32>
        %add3A_1243 = arith.addf %add3A_1215, %get3A_1242 : vector<16xf32>
        %add3A_1244 = arith.constant 42 : i32
        %add3A_1245 = arith.addi %mul3A_66, %add3A_1244 : i32
        %get3A_1246 = arith.index_cast %add3A_1245 : i32 to index
        %get3A_1247 = arith.constant 32 : index
        %get3A_1248 = tpu.vector_load %arg7[%get3A_1246, %get3A_1247] {strides = array<i32>} : memref<800x64xf32, #tpu.memory_space<vmem>>, vector<1x16xf32>,
        %get3A_1249 = vector.shape_cast %get3A_1248 : vector<1x16xf32> to vector<16xf32>
        %add3A_1250 = arith.addf %add3A_1222, %get3A_1249 : vector<16xf32>
        %add3A_1251 = arith.constant 42 : i32
        %add3A_1252 = arith.addi %mul3A_66, %add3A_1251 : i32
        %get3A_1253 = arith.index_cast %add3A_1252 : i32 to index
        %get3A_1254 = arith.constant 48 : index
        %get3A_1255 = tpu.vector_load %arg7[%get3A_1253, %get3A_1254] {strides = array<i32>} : memref<800x64xf32, #tpu.memory_space<vmem>>, vector<1x16xf32>,
        %get3A_1256 = vector.shape_cast %get3A_1255 : vector<1x16xf32> to vector<16xf32>
        %add3A_1257 = arith.addf %add3A_1229, %get3A_1256 : vector<16xf32>
        %add3A_1258 = arith.constant 43 : i32
        %add3A_1259 = arith.addi %mul3A_66, %add3A_1258 : i32
        %get3A_1260 = arith.index_cast %add3A_1259 : i32 to index
        %get3A_1261 = arith.constant 0 : index
        %get3A_1262 = tpu.vector_load %arg7[%get3A_1260, %get3A_1261] {strides = array<i32>} : memref<800x64xf32, #tpu.memory_space<vmem>>, vector<1x16xf32>,
        %get3A_1263 = vector.shape_cast %get3A_1262 : vector<1x16xf32> to vector<16xf32>
        %add3A_1264 = arith.addf %add3A_1236, %get3A_1263 : vector<16xf32>
        %add3A_1265 = arith.constant 43 : i32
        %add3A_1266 = arith.addi %mul3A_66, %add3A_1265 : i32
        %get3A_1267 = arith.index_cast %add3A_1266 : i32 to index
        %get3A_1268 = arith.constant 16 : index
        %get3A_1269 = tpu.vector_load %arg7[%get3A_1267, %get3A_1268] {strides = array<i32>} : memref<800x64xf32, #tpu.memory_space<vmem>>, vector<1x16xf32>,
        %get3A_1270 = vector.shape_cast %get3A_1269 : vector<1x16xf32> to vector<16xf32>
        %add3A_1271 = arith.addf %add3A_1243, %get3A_1270 : vector<16xf32>
        %add3A_1272 = arith.constant 43 : i32
        %add3A_1273 = arith.addi %mul3A_66, %add3A_1272 : i32
        %get3A_1274 = arith.index_cast %add3A_1273 : i32 to index
        %get3A_1275 = arith.constant 32 : index
        %get3A_1276 = tpu.vector_load %arg7[%get3A_1274, %get3A_1275] {strides = array<i32>} : memref<800x64xf32, #tpu.memory_space<vmem>>, vector<1x16xf32>,
        %get3A_1277 = vector.shape_cast %get3A_1276 : vector<1x16xf32> to vector<16xf32>
        %add3A_1278 = arith.addf %add3A_1250, %get3A_1277 : vector<16xf32>
        %add3A_1279 = arith.constant 43 : i32
        %add3A_1280 = arith.addi %mul3A_66, %add3A_1279 : i32
        %get3A_1281 = arith.index_cast %add3A_1280 : i32 to index
        %get3A_1282 = arith.constant 48 : index
        %get3A_1283 = tpu.vector_load %arg7[%get3A_1281, %get3A_1282] {strides = array<i32>} : memref<800x64xf32, #tpu.memory_space<vmem>>, vector<1x16xf32>,
        %get3A_1284 = vector.shape_cast %get3A_1283 : vector<1x16xf32> to vector<16xf32>
        %add3A_1285 = arith.addf %add3A_1257, %get3A_1284 : vector<16xf32>
        %add3A_1286 = arith.constant 44 : i32
        %add3A_1287 = arith.addi %mul3A_66, %add3A_1286 : i32
        %get3A_1288 = arith.index_cast %add3A_1287 : i32 to index
        %get3A_1289 = arith.constant 0 : index
        %get3A_1290 = tpu.vector_load %arg7[%get3A_1288, %get3A_1289] {strides = array<i32>} : memref<800x64xf32, #tpu.memory_space<vmem>>, vector<1x16xf32>,
        %get3A_1291 = vector.shape_cast %get3A_1290 : vector<1x16xf32> to vector<16xf32>
        %add3A_1292 = arith.addf %add3A_1264, %get3A_1291 : vector<16xf32>
        %add3A_1293 = arith.constant 44 : i32
        %add3A_1294 = arith.addi %mul3A_66, %add3A_1293 : i32
        %get3A_1295 = arith.index_cast %add3A_1294 : i32 to index
        %get3A_1296 = arith.constant 16 : index
        %get3A_1297 = tpu.vector_load %arg7[%get3A_1295, %get3A_1296] {strides = array<i32>} : memref<800x64xf32, #tpu.memory_space<vmem>>, vector<1x16xf32>,
        %get3A_1298 = vector.shape_cast %get3A_1297 : vector<1x16xf32> to vector<16xf32>
        %add3A_1299 = arith.addf %add3A_1271, %get3A_1298 : vector<16xf32>
        %add3A_1300 = arith.constant 44 : i32
        %add3A_1301 = arith.addi %mul3A_66, %add3A_1300 : i32
        %get3A_1302 = arith.index_cast %add3A_1301 : i32 to index
        %get3A_1303 = arith.constant 32 : index
        %get3A_1304 = tpu.vector_load %arg7[%get3A_1302, %get3A_1303] {strides = array<i32>} : memref<800x64xf32, #tpu.memory_space<vmem>>, vector<1x16xf32>,
        %get3A_1305 = vector.shape_cast %get3A_1304 : vector<1x16xf32> to vector<16xf32>
        %add3A_1306 = arith.addf %add3A_1278, %get3A_1305 : vector<16xf32>
        %add3A_1307 = arith.constant 44 : i32
        %add3A_1308 = arith.addi %mul3A_66, %add3A_1307 : i32
        %get3A_1309 = arith.index_cast %add3A_1308 : i32 to index
        %get3A_1310 = arith.constant 48 : index
        %get3A_1311 = tpu.vector_load %arg7[%get3A_1309, %get3A_1310] {strides = array<i32>} : memref<800x64xf32, #tpu.memory_space<vmem>>, vector<1x16xf32>,
        %get3A_1312 = vector.shape_cast %get3A_1311 : vector<1x16xf32> to vector<16xf32>
        %add3A_1313 = arith.addf %add3A_1285, %get3A_1312 : vector<16xf32>
        %add3A_1314 = arith.constant 45 : i32
        %add3A_1315 = arith.addi %mul3A_66, %add3A_1314 : i32
        %get3A_1316 = arith.index_cast %add3A_1315 : i32 to index
        %get3A_1317 = arith.constant 0 : index
        %get3A_1318 = tpu.vector_load %arg7[%get3A_1316, %get3A_1317] {strides = array<i32>} : memref<800x64xf32, #tpu.memory_space<vmem>>, vector<1x16xf32>,
        %get3A_1319 = vector.shape_cast %get3A_1318 : vector<1x16xf32> to vector<16xf32>
        %add3A_1320 = arith.addf %add3A_1292, %get3A_1319 : vector<16xf32>
        %add3A_1321 = arith.constant 45 : i32
        %add3A_1322 = arith.addi %mul3A_66, %add3A_1321 : i32
        %get3A_1323 = arith.index_cast %add3A_1322 : i32 to index
        %get3A_1324 = arith.constant 16 : index
        %get3A_1325 = tpu.vector_load %arg7[%get3A_1323, %get3A_1324] {strides = array<i32>} : memref<800x64xf32, #tpu.memory_space<vmem>>, vector<1x16xf32>,
        %get3A_1326 = vector.shape_cast %get3A_1325 : vector<1x16xf32> to vector<16xf32>
        %add3A_1327 = arith.addf %add3A_1299, %get3A_1326 : vector<16xf32>
        %add3A_1328 = arith.constant 45 : i32
        %add3A_1329 = arith.addi %mul3A_66, %add3A_1328 : i32
        %get3A_1330 = arith.index_cast %add3A_1329 : i32 to index
        %get3A_1331 = arith.constant 32 : index
        %get3A_1332 = tpu.vector_load %arg7[%get3A_1330, %get3A_1331] {strides = array<i32>} : memref<800x64xf32, #tpu.memory_space<vmem>>, vector<1x16xf32>,
        %get3A_1333 = vector.shape_cast %get3A_1332 : vector<1x16xf32> to vector<16xf32>
        %add3A_1334 = arith.addf %add3A_1306, %get3A_1333 : vector<16xf32>
        %add3A_1335 = arith.constant 45 : i32
        %add3A_1336 = arith.addi %mul3A_66, %add3A_1335 : i32
        %get3A_1337 = arith.index_cast %add3A_1336 : i32 to index
        %get3A_1338 = arith.constant 48 : index
        %get3A_1339 = tpu.vector_load %arg7[%get3A_1337, %get3A_1338] {strides = array<i32>} : memref<800x64xf32, #tpu.memory_space<vmem>>, vector<1x16xf32>,
        %get3A_1340 = vector.shape_cast %get3A_1339 : vector<1x16xf32> to vector<16xf32>
        %add3A_1341 = arith.addf %add3A_1313, %get3A_1340 : vector<16xf32>
        %add3A_1342 = arith.constant 46 : i32
        %add3A_1343 = arith.addi %mul3A_66, %add3A_1342 : i32
        %get3A_1344 = arith.index_cast %add3A_1343 : i32 to index
        %get3A_1345 = arith.constant 0 : index
        %get3A_1346 = tpu.vector_load %arg7[%get3A_1344, %get3A_1345] {strides = array<i32>} : memref<800x64xf32, #tpu.memory_space<vmem>>, vector<1x16xf32>,
        %get3A_1347 = vector.shape_cast %get3A_1346 : vector<1x16xf32> to vector<16xf32>
        %add3A_1348 = arith.addf %add3A_1320, %get3A_1347 : vector<16xf32>
        %add3A_1349 = arith.constant 46 : i32
        %add3A_1350 = arith.addi %mul3A_66, %add3A_1349 : i32
        %get3A_1351 = arith.index_cast %add3A_1350 : i32 to index
        %get3A_1352 = arith.constant 16 : index
        %get3A_1353 = tpu.vector_load %arg7[%get3A_1351, %get3A_1352] {strides = array<i32>} : memref<800x64xf32, #tpu.memory_space<vmem>>, vector<1x16xf32>,
        %get3A_1354 = vector.shape_cast %get3A_1353 : vector<1x16xf32> to vector<16xf32>
        %add3A_1355 = arith.addf %add3A_1327, %get3A_1354 : vector<16xf32>
        %add3A_1356 = arith.constant 46 : i32
        %add3A_1357 = arith.addi %mul3A_66, %add3A_1356 : i32
        %get3A_1358 = arith.index_cast %add3A_1357 : i32 to index
        %get3A_1359 = arith.constant 32 : index
        %get3A_1360 = tpu.vector_load %arg7[%get3A_1358, %get3A_1359] {strides = array<i32>} : memref<800x64xf32, #tpu.memory_space<vmem>>, vector<1x16xf32>,
        %get3A_1361 = vector.shape_cast %get3A_1360 : vector<1x16xf32> to vector<16xf32>
        %add3A_1362 = arith.addf %add3A_1334, %get3A_1361 : vector<16xf32>
        %add3A_1363 = arith.constant 46 : i32
        %add3A_1364 = arith.addi %mul3A_66, %add3A_1363 : i32
        %get3A_1365 = arith.index_cast %add3A_1364 : i32 to index
        %get3A_1366 = arith.constant 48 : index
        %get3A_1367 = tpu.vector_load %arg7[%get3A_1365, %get3A_1366] {strides = array<i32>} : memref<800x64xf32, #tpu.memory_space<vmem>>, vector<1x16xf32>,
        %get3A_1368 = vector.shape_cast %get3A_1367 : vector<1x16xf32> to vector<16xf32>
        %add3A_1369 = arith.addf %add3A_1341, %get3A_1368 : vector<16xf32>
        %add3A_1370 = arith.constant 47 : i32
        %add3A_1371 = arith.addi %mul3A_66, %add3A_1370 : i32
        %get3A_1372 = arith.index_cast %add3A_1371 : i32 to index
        %get3A_1373 = arith.constant 0 : index
        %get3A_1374 = tpu.vector_load %arg7[%get3A_1372, %get3A_1373] {strides = array<i32>} : memref<800x64xf32, #tpu.memory_space<vmem>>, vector<1x16xf32>,
        %get3A_1375 = vector.shape_cast %get3A_1374 : vector<1x16xf32> to vector<16xf32>
        %add3A_1376 = arith.addf %add3A_1348, %get3A_1375 : vector<16xf32>
        %add3A_1377 = arith.constant 47 : i32
        %add3A_1378 = arith.addi %mul3A_66, %add3A_1377 : i32
        %get3A_1379 = arith.index_cast %add3A_1378 : i32 to index
        %get3A_1380 = arith.constant 16 : index
        %get3A_1381 = tpu.vector_load %arg7[%get3A_1379, %get3A_1380] {strides = array<i32>} : memref<800x64xf32, #tpu.memory_space<vmem>>, vector<1x16xf32>,
        %get3A_1382 = vector.shape_cast %get3A_1381 : vector<1x16xf32> to vector<16xf32>
        %add3A_1383 = arith.addf %add3A_1355, %get3A_1382 : vector<16xf32>
        %add3A_1384 = arith.constant 47 : i32
        %add3A_1385 = arith.addi %mul3A_66, %add3A_1384 : i32
        %get3A_1386 = arith.index_cast %add3A_1385 : i32 to index
        %get3A_1387 = arith.constant 32 : index
        %get3A_1388 = tpu.vector_load %arg7[%get3A_1386, %get3A_1387] {strides = array<i32>} : memref<800x64xf32, #tpu.memory_space<vmem>>, vector<1x16xf32>,
        %get3A_1389 = vector.shape_cast %get3A_1388 : vector<1x16xf32> to vector<16xf32>
        %add3A_1390 = arith.addf %add3A_1362, %get3A_1389 : vector<16xf32>
        %add3A_1391 = arith.constant 47 : i32
        %add3A_1392 = arith.addi %mul3A_66, %add3A_1391 : i32
        %get3A_1393 = arith.index_cast %add3A_1392 : i32 to index
        %get3A_1394 = arith.constant 48 : index
        %get3A_1395 = tpu.vector_load %arg7[%get3A_1393, %get3A_1394] {strides = array<i32>} : memref<800x64xf32, #tpu.memory_space<vmem>>, vector<1x16xf32>,
        %get3A_1396 = vector.shape_cast %get3A_1395 : vector<1x16xf32> to vector<16xf32>
        %add3A_1397 = arith.addf %add3A_1369, %get3A_1396 : vector<16xf32>
        %add3A_1398 = arith.constant 48 : i32
        %add3A_1399 = arith.addi %mul3A_66, %add3A_1398 : i32
        %get3A_1400 = arith.index_cast %add3A_1399 : i32 to index
        %get3A_1401 = arith.constant 0 : index
        %get3A_1402 = tpu.vector_load %arg7[%get3A_1400, %get3A_1401] {strides = array<i32>} : memref<800x64xf32, #tpu.memory_space<vmem>>, vector<1x16xf32>,
        %get3A_1403 = vector.shape_cast %get3A_1402 : vector<1x16xf32> to vector<16xf32>
        %add3A_1404 = arith.addf %add3A_1376, %get3A_1403 : vector<16xf32>
        %add3A_1405 = arith.constant 48 : i32
        %add3A_1406 = arith.addi %mul3A_66, %add3A_1405 : i32
        %get3A_1407 = arith.index_cast %add3A_1406 : i32 to index
        %get3A_1408 = arith.constant 16 : index
        %get3A_1409 = tpu.vector_load %arg7[%get3A_1407, %get3A_1408] {strides = array<i32>} : memref<800x64xf32, #tpu.memory_space<vmem>>, vector<1x16xf32>,
        %get3A_1410 = vector.shape_cast %get3A_1409 : vector<1x16xf32> to vector<16xf32>
        %add3A_1411 = arith.addf %add3A_1383, %get3A_1410 : vector<16xf32>
        %add3A_1412 = arith.constant 48 : i32
        %add3A_1413 = arith.addi %mul3A_66, %add3A_1412 : i32
        %get3A_1414 = arith.index_cast %add3A_1413 : i32 to index
        %get3A_1415 = arith.constant 32 : index
        %get3A_1416 = tpu.vector_load %arg7[%get3A_1414, %get3A_1415] {strides = array<i32>} : memref<800x64xf32, #tpu.memory_space<vmem>>, vector<1x16xf32>,
        %get3A_1417 = vector.shape_cast %get3A_1416 : vector<1x16xf32> to vector<16xf32>
        %add3A_1418 = arith.addf %add3A_1390, %get3A_1417 : vector<16xf32>
        %add3A_1419 = arith.constant 48 : i32
        %add3A_1420 = arith.addi %mul3A_66, %add3A_1419 : i32
        %get3A_1421 = arith.index_cast %add3A_1420 : i32 to index
        %get3A_1422 = arith.constant 48 : index
        %get3A_1423 = tpu.vector_load %arg7[%get3A_1421, %get3A_1422] {strides = array<i32>} : memref<800x64xf32, #tpu.memory_space<vmem>>, vector<1x16xf32>,
        %get3A_1424 = vector.shape_cast %get3A_1423 : vector<1x16xf32> to vector<16xf32>
        %add3A_1425 = arith.addf %add3A_1397, %get3A_1424 : vector<16xf32>
        %add3A_1426 = arith.constant 49 : i32
        %add3A_1427 = arith.addi %mul3A_66, %add3A_1426 : i32
        %get3A_1428 = arith.index_cast %add3A_1427 : i32 to index
        %get3A_1429 = arith.constant 0 : index
        %get3A_1430 = tpu.vector_load %arg7[%get3A_1428, %get3A_1429] {strides = array<i32>} : memref<800x64xf32, #tpu.memory_space<vmem>>, vector<1x16xf32>,
        %get3A_1431 = vector.shape_cast %get3A_1430 : vector<1x16xf32> to vector<16xf32>
        %add3A_1432 = arith.addf %add3A_1404, %get3A_1431 : vector<16xf32>
        %add3A_1433 = arith.constant 49 : i32
        %add3A_1434 = arith.addi %mul3A_66, %add3A_1433 : i32
        %get3A_1435 = arith.index_cast %add3A_1434 : i32 to index
        %get3A_1436 = arith.constant 16 : index
        %get3A_1437 = tpu.vector_load %arg7[%get3A_1435, %get3A_1436] {strides = array<i32>} : memref<800x64xf32, #tpu.memory_space<vmem>>, vector<1x16xf32>,
        %get3A_1438 = vector.shape_cast %get3A_1437 : vector<1x16xf32> to vector<16xf32>
        %add3A_1439 = arith.addf %add3A_1411, %get3A_1438 : vector<16xf32>
        %add3A_1440 = arith.constant 49 : i32
        %add3A_1441 = arith.addi %mul3A_66, %add3A_1440 : i32
        %get3A_1442 = arith.index_cast %add3A_1441 : i32 to index
        %get3A_1443 = arith.constant 32 : index
        %get3A_1444 = tpu.vector_load %arg7[%get3A_1442, %get3A_1443] {strides = array<i32>} : memref<800x64xf32, #tpu.memory_space<vmem>>, vector<1x16xf32>,
        %get3A_1445 = vector.shape_cast %get3A_1444 : vector<1x16xf32> to vector<16xf32>
        %add3A_1446 = arith.addf %add3A_1418, %get3A_1445 : vector<16xf32>
        %add3A_1447 = arith.constant 49 : i32
        %add3A_1448 = arith.addi %mul3A_66, %add3A_1447 : i32
        %get3A_1449 = arith.index_cast %add3A_1448 : i32 to index
        %get3A_1450 = arith.constant 48 : index
        %get3A_1451 = tpu.vector_load %arg7[%get3A_1449, %get3A_1450] {strides = array<i32>} : memref<800x64xf32, #tpu.memory_space<vmem>>, vector<1x16xf32>,
        %get3A_1452 = vector.shape_cast %get3A_1451 : vector<1x16xf32> to vector<16xf32>
        %add3A_1453 = arith.addf %add3A_1425, %get3A_1452 : vector<16xf32>
        %mul3A_1454 = arith.constant 2.000000e-02 : f32
        %mul3A_1455 = vector.broadcast %mul3A_1454 : f32 to vector<16xf32>
        %mul3A_1456 = arith.mulf %add3A_1432, %mul3A_1455 : vector<16xf32>
        %swap3A = arith.index_cast %scan3A_64 : i32 to index
        %swap3A_1457 = arith.constant 0 : index
        %swap3A_1458 = tpu.vector_load %arg8[%swap3A, %swap3A_1457] {strides = array<i32>} : memref<16x64xf32, #tpu.memory_space<vmem>>, vector<1x16xf32>,
        %swap3A_1459 = vector.shape_cast %swap3A_1458 : vector<1x16xf32> to vector<16xf32>
        %swap3A_1460 = vector.shape_cast %mul3A_1456 : vector<16xf32> to vector<1x16xf32>
        tpu.vector_store %arg8[%swap3A, %swap3A_1457], %swap3A_1460 {strides = array<i32>} : memref<16x64xf32, #tpu.memory_space<vmem>>, vector<1x16xf32>,
        %mul3A_1461 = arith.constant 2.000000e-02 : f32
        %mul3A_1462 = vector.broadcast %mul3A_1461 : f32 to vector<16xf32>
        %mul3A_1463 = arith.mulf %add3A_1439, %mul3A_1462 : vector<16xf32>
        %swap3A_1464 = arith.index_cast %scan3A_64 : i32 to index
        %swap3A_1465 = arith.constant 16 : index
        %swap3A_1466 = tpu.vector_load %arg8[%swap3A_1464, %swap3A_1465] {strides = array<i32>} : memref<16x64xf32, #tpu.memory_space<vmem>>, vector<1x16xf32>,
        %swap3A_1467 = vector.shape_cast %swap3A_1466 : vector<1x16xf32> to vector<16xf32>
        %swap3A_1468 = vector.shape_cast %mul3A_1463 : vector<16xf32> to vector<1x16xf32>
        tpu.vector_store %arg8[%swap3A_1464, %swap3A_1465], %swap3A_1468 {strides = array<i32>} : memref<16x64xf32, #tpu.memory_space<vmem>>, vector<1x16xf32>,
        %mul3A_1469 = arith.constant 2.000000e-02 : f32
        %mul3A_1470 = vector.broadcast %mul3A_1469 : f32 to vector<16xf32>
        %mul3A_1471 = arith.mulf %add3A_1446, %mul3A_1470 : vector<16xf32>
        %swap3A_1472 = arith.index_cast %scan3A_64 : i32 to index
        %swap3A_1473 = arith.constant 32 : index
        %swap3A_1474 = tpu.vector_load %arg8[%swap3A_1472, %swap3A_1473] {strides = array<i32>} : memref<16x64xf32, #tpu.memory_space<vmem>>, vector<1x16xf32>,
        %swap3A_1475 = vector.shape_cast %swap3A_1474 : vector<1x16xf32> to vector<16xf32>
        %swap3A_1476 = vector.shape_cast %mul3A_1471 : vector<16xf32> to vector<1x16xf32>
        tpu.vector_store %arg8[%swap3A_1472, %swap3A_1473], %swap3A_1476 {strides = array<i32>} : memref<16x64xf32, #tpu.memory_space<vmem>>, vector<1x16xf32>,
        %mul3A_1477 = arith.constant 2.000000e-02 : f32
        %mul3A_1478 = vector.broadcast %mul3A_1477 : f32 to vector<16xf32>
        %mul3A_1479 = arith.mulf %add3A_1453, %mul3A_1478 : vector<16xf32>
        %swap3A_1480 = arith.index_cast %scan3A_64 : i32 to index
        %swap3A_1481 = arith.constant 48 : index
        %swap3A_1482 = tpu.vector_load %arg8[%swap3A_1480, %swap3A_1481] {strides = array<i32>} : memref<16x64xf32, #tpu.memory_space<vmem>>, vector<1x16xf32>,
        %swap3A_1483 = vector.shape_cast %swap3A_1482 : vector<1x16xf32> to vector<16xf32>
        %swap3A_1484 = vector.shape_cast %mul3A_1479 : vector<16xf32> to vector<1x16xf32>
        tpu.vector_store %arg8[%swap3A_1480, %swap3A_1481], %swap3A_1484 {strides = array<i32>} : memref<16x64xf32, #tpu.memory_space<vmem>>, vector<1x16xf32>,
      }
      %scan3A_63 = arith.constant 16 : i32
      "tpu.region"() ({
        %run_scoped3A = tpu.sem_alloc : memref<!tpu.dma_semaphore, #tpu.memory_space<semaphore_mem>>
        %dma_start3A_64 = arith.constant 0 : i32
        %dma_start3A_65 = tpu.memref_slice %arg4[%add3A_57, %dma_start3A_64] : memref<16384x64xf32, #tpu.memory_space<hbm>> -> memref<16x64xf32, #tpu.memory_space<hbm>>
        %dma_start3A_66 = arith.constant 0 : i32
        %dma_start3A_67 = tpu.memref_slice %arg4[%add3A_57, %dma_start3A_66] : memref<16384x64xf32, #tpu.memory_space<hbm>> -> memref<16x64xf32, #tpu.memory_space<hbm>>
        tpu.enqueue_dma source(%arg8 : memref<16x64xf32, #tpu.memory_space<vmem>>) target(%dma_start3A_67 : memref<16x64xf32, #tpu.memory_space<hbm>>) target_semaphore(%run_scoped3A : memref<!tpu.dma_semaphore, #tpu.memory_space<semaphore_mem>>)
        %dma_wait3A_68 = arith.constant 0 : i32
        %dma_wait3A_69 = tpu.memref_slice %arg4[%add3A_57, %dma_wait3A_68] : memref<16384x64xf32, #tpu.memory_space<hbm>> -> memref<16x64xf32, #tpu.memory_space<hbm>>
        %dma_wait3A_70 = arith.constant 0 : i32
        %dma_wait3A_71 = tpu.memref_slice %arg4[%add3A_57, %dma_wait3A_70] : memref<16384x64xf32, #tpu.memory_space<hbm>> -> memref<16x64xf32, #tpu.memory_space<hbm>>
        tpu.wait_dma2 semaphore(%run_scoped3A : memref<!tpu.dma_semaphore, #tpu.memory_space<semaphore_mem>>) src(%arg8 : memref<16x64xf32, #tpu.memory_space<vmem>>) dst(%dma_wait3A_71 : memref<16x64xf32, #tpu.memory_space<hbm>>)
        tpu.yield
      }) : () -> ()
    }
    %scan3A_15 = arith.constant 16 : i32
    return
  }
}

module attributes {stable_mosaic.version = 14 : i64} {
  func.func @_mlp_body(%arg0: i32, %arg1: memref<2048x64xf32, #tpu.memory_space<vmem>>, %arg2: memref<64x128xf32, #tpu.memory_space<vmem>>, %arg3: memref<1x128xf32, #tpu.memory_space<vmem>>, %arg4: memref<1x128xf32, #tpu.memory_space<vmem>>, %arg5: memref<1x1xf32, #tpu.memory_space<vmem>>, %arg6: memref<2048x1xf32, #tpu.memory_space<vmem>>) attributes {dimension_semantics = [#tpu.dimension_semantics<arbitrary>], iteration_bounds = array<i64: 8>, scalar_prefetch = 0 : i64, scratch_operands = 0 : i64, tpu.core_type = #tpu.core_type<tc>, window_params = [{transform_indices = @transform_0, window_bounds = array<i64: 2048, 64>}, {pipeline_mode = #tpu.pipeline_mode<synchronous>, transform_indices = @transform_1, window_bounds = array<i64: 64, 128>}, {pipeline_mode = #tpu.pipeline_mode<synchronous>, transform_indices = @transform_2, window_bounds = array<i64: 1, 128>}, {pipeline_mode = #tpu.pipeline_mode<synchronous>, transform_indices = @transform_3, window_bounds = array<i64: 1, 128>}, {pipeline_mode = #tpu.pipeline_mode<synchronous>, transform_indices = @transform_4, window_bounds = array<i64: 1, 1>}, {transform_indices = @transform_5, window_bounds = array<i64: 2048, 1>}]} {
    %get3A = arith.constant 0 : index
    %get3A_0 = arith.constant 0 : index
    %get3A_1 = vector.load %arg1[%get3A, %get3A_0] : memref<2048x64xf32, #tpu.memory_space<vmem>>, vector<2048x64xf32>
    %get3A_2 = arith.constant 0 : index
    %get3A_3 = arith.constant 0 : index
    %get3A_4 = vector.load %arg2[%get3A_2, %get3A_3] : memref<64x128xf32, #tpu.memory_space<vmem>>, vector<64x128xf32>
    %dot_general3A = arith.constant dense<0.000000e+00> : vector<2048x128xf32>
    %dot_general3A_5 = tpu.matmul %get3A_1, %get3A_4, %dot_general3A {dimension_numbers = #tpu.dot_dimension_numbers<[1], [0], [0], [1], [0, 0, 1, 1], [], []>, transpose_lhs_hint = false} : vector<2048x64xf32>, vector<64x128xf32>, vector<2048x128xf32> -> vector<2048x128xf32>
    %get3A_6 = arith.constant 0 : index
    %get3A_7 = arith.constant 0 : index
    %get3A_8 = vector.load %arg3[%get3A_6, %get3A_7] : memref<1x128xf32, #tpu.memory_space<vmem>>, vector<1x128xf32>
    %add3A = vector.broadcast %get3A_8 : vector<1x128xf32> to vector<2048x128xf32>
    %add3A_9 = arith.addf %dot_general3A_5, %add3A : vector<2048x128xf32>
    %max3A = arith.constant 0.000000e+00 : f32
    %max3A_10 = vector.broadcast %max3A : f32 to vector<2048x128xf32>
    %max3A_11 = arith.maximumf %add3A_9, %max3A_10 : vector<2048x128xf32>
    %get3A_12 = arith.constant 0 : index
    %get3A_13 = arith.constant 0 : index
    %get3A_14 = vector.load %arg4[%get3A_12, %get3A_13] : memref<1x128xf32, #tpu.memory_space<vmem>>, vector<1x128xf32>
    %mul3A = vector.broadcast %get3A_14 : vector<1x128xf32> to vector<2048x128xf32>
    %mul3A_15 = arith.mulf %max3A_11, %mul3A : vector<2048x128xf32>
    %reduce_sum3A = arith.constant dense<0.000000e+00> : vector<2048xf32>
    %reduce_sum3A_16 = vector.multi_reduction <add>, %mul3A_15, %reduce_sum3A [1] : vector<2048x128xf32> to vector<2048xf32>
    %broadcast_in_dim3A = vector.shape_cast %reduce_sum3A_16 : vector<2048xf32> to vector<2048x1xf32>
    %get3A_17 = arith.constant 0 : index
    %get3A_18 = arith.constant 0 : index
    %get3A_19 = vector.load %arg5[%get3A_17, %get3A_18] : memref<1x1xf32, #tpu.memory_space<vmem>>, vector<1x1xf32>
    %add3A_20 = vector.broadcast %get3A_19 : vector<1x1xf32> to vector<2048x1xf32>
    %add3A_21 = arith.addf %broadcast_in_dim3A, %add3A_20 : vector<2048x1xf32>
    %neg3A = arith.constant 0.000000e+00 : f32
    %neg3A_22 = vector.broadcast %neg3A : f32 to vector<2048x1xf32>
    %neg3A_23 = arith.subf %neg3A_22, %add3A_21 : vector<2048x1xf32>
    %exp3A = math.exp %neg3A_23 : vector<2048x1xf32>
    %add3A_24 = arith.constant 1.000000e+00 : f32
    %add3A_25 = vector.broadcast %add3A_24 : f32 to vector<2048x1xf32>
    %add3A_26 = arith.addf %add3A_25, %exp3A : vector<2048x1xf32>
    %div3A = arith.constant 1.000000e+00 : f32
    %div3A_27 = vector.broadcast %div3A : f32 to vector<2048x1xf32>
    %div3A_28 = arith.divf %div3A_27, %add3A_26 : vector<2048x1xf32>
    %swap3A = arith.constant 0 : index
    %swap3A_29 = arith.constant 0 : index
    %swap3A_30 = vector.load %arg6[%swap3A, %swap3A_29] : memref<2048x1xf32, #tpu.memory_space<vmem>>, vector<2048x1xf32>
    tpu.vector_store %arg6[%swap3A, %swap3A_29], %div3A_28 {strides = array<i32>} : memref<2048x1xf32, #tpu.memory_space<vmem>>, vector<2048x1xf32>,
    return
  }
  func.func @transform_0(%arg0: i32) -> (i32, i32) {
    %c0_i32 = arith.constant 0 : i32
    %c0_i32_0 = arith.constant 0 : i32
    return %arg0, %c0_i32 : i32, i32
  }
  func.func @transform_1(%arg0: i32) -> (i32, i32) {
    %c0_i32 = arith.constant 0 : i32
    %c0_i32_0 = arith.constant 0 : i32
    %c0_i32_1 = arith.constant 0 : i32
    return %c0_i32, %c0_i32_0 : i32, i32
  }
  func.func @transform_2(%arg0: i32) -> (i32, i32) {
    %c0_i32 = arith.constant 0 : i32
    %c0_i32_0 = arith.constant 0 : i32
    %c0_i32_1 = arith.constant 0 : i32
    return %c0_i32, %c0_i32_0 : i32, i32
  }
  func.func @transform_3(%arg0: i32) -> (i32, i32) {
    %c0_i32 = arith.constant 0 : i32
    %c0_i32_0 = arith.constant 0 : i32
    %c0_i32_1 = arith.constant 0 : i32
    return %c0_i32, %c0_i32_0 : i32, i32
  }
  func.func @transform_4(%arg0: i32) -> (i32, i32) {
    %c0_i32 = arith.constant 0 : i32
    %c0_i32_0 = arith.constant 0 : i32
    %c0_i32_1 = arith.constant 0 : i32
    return %c0_i32, %c0_i32_0 : i32, i32
  }
  func.func @transform_5(%arg0: i32) -> (i32, i32) {
    %c0_i32 = arith.constant 0 : i32
    %c0_i32_0 = arith.constant 0 : i32
    return %arg0, %c0_i32 : i32, i32
  }
}

</mosaic_0001>

<sc_bundles>
// kernel: kernel.4.cloned.1.call-start
scs
__scs_entry_jumppad:
0x0: {  	(pc) =	sbr.rel $0x88, $3  }
0x1: {  	(tag) =	ssettag $0x0;
	lr =	simm.s32 $0x1  }
0x2: {  	[smem:$0x3F9B] =	sst lr;
	_ =	strace $0xD0000000  }
0x3: {  	_ = 	snop  }
0x4: {  	_ = 	snop  }
0x5: {  	_ = 	snop  }
0x6: {  	_ = 	snop  }
0x7: {  	_ = 	snop  }
__scs_overlays_trampoline_lowered:
0x8: {  	[smem:$0x3FAA] =	sst s0  }
0x9: {  	[smem:$0x3FAB] =	sst s1  }
0xa: {  	[smem:$0x3FAC] =	sst s2  }
0xb: {  	[smem:$0x3FAD] =	sst s3  }
0xc: {  	[smem:$0x3FAE] =	sst s4  }
0xd: {  	[smem:$0x3FAF] =	sst s5  }
0xe: {  	[smem:$0x3FB0] =	sst s6  }
0xf: {  	[smem:$0x3FB1] =	sst s7  }
0x10: {  	[smem:$0x3FB2] =	sst s8  }
0x11: {  	[smem:$0x3FB3] =	sst s9;
	s0 =	simm.s32 @!p0 $0x0  }
0x12: {  	s1 =	sld [smem:$0x3F99];
	s0 =	simm.s32 @p0 $0x1  }
0x13: {  	[smem:$0x3FB4] =	sst s0;
	s0 =	simm.s32 @!p1 $0x0  }
0x14: {  	s2 =	sld [smem:$0x3F98];
	s0 =	simm.s32 @p1 $0x1  }
0x15: {  	[smem:$0x3FB5] =	sst s0;
	s0 =	simm.s32 @!p2 $0x0  }
0x16: {  	s3 =	sld [smem:$0x3FDB];
	s0 =	simm.s32 @p2 $0x1  }
0x17: {  	s4 =	simm.s32 $0x1BF5;
	[smem:$0x3FB7] =	sst s0  }
0x18: {  	s0 =	sld [smem:$0x3F9A];
	_ =	swait.ge [sflag:s4], $0x0  }
0x19: {  	s7 =	sld [smem:$0x3F9B]  }
0x1a: {  	s8 =	sadd.s32 $0xFFFFE003, lr  }
0x1b: {  	s9 =	sadd.s32 $0xFFFFFEF7, lr;
	s5 =	simm.s32 $0xFFFFFFFF;
	p2 =	slt.u32 s8, $0xFFFFF086  }
0x1c: {  	p1 =	slt.u32 s9, $0xF7A;
	s5 =	simm.s32 @!p2 $0x0  }
0x1d: {  	s5 =	simm.s32 @p1 $0x1;
	p0 =	seq.s32 s7, s2  }
0x1e: {  	s7 =	smul.u32 @!p0 $0xF7A, s2;
	p2 =	seq.s32 @!p0 s5, $0x0  }
0x1f: {  	s9 =	smul.u32 $0xF7A, s1;
	s8 =	simm.s32 @!p0 $0x1BF5;
	p2 =	por !p2, p0  }
0x20: {  	[sflag:s8] =	ssyncset.s32 @!p0 $0xFFFFF086;
	s6 =	sadd.s32 @!p0 s3, s7;
	s7 =	simm.s32 @!p0 $0x108  }
0x21: {  	s3 =	sadd.s32 s3, s9;
	s6 =	sadd.s32 @!p0 $0x88, s6;
	s7 =	simm.s32 @p2 $0x1082  }
0x22: {  	[simem:s7], [sflag:s8] =	dma.local @!p0 [hbm:s6], $0xF7A  }
0x23: {  	s9 =	sor.u32 $0xD0000000, s2;
	s6 =	simm.s32 $0x108;
	_ =	swait.ge @!p0 [sflag:s8], $0x0  }
0x24: {  	s3 =	sadd.s32 $0x88, s3;
	s6 =	simm.s32 @!p1 $0x1082;
	[sflag:s4] =	ssyncset.s32 $0xFFFFF086  }
0x25: {  	[simem:s6], [sflag:s4] =	dma.local [hbm:s3], $0xF7A  }
0x26: {  	[smem:$0x3F9B] =	sst s1;
	(tag) =	ssettag s2;
	_ =	strace s9  }
0x27: {  	s1 =	sld [smem:$0x3FAB]  }
0x28: {  	s2 =	sld [smem:$0x3FAC]  }
0x29: {  	s4 =	sld [smem:$0x3FAE]  }
0x2a: {  	p0 =	seq.s32 s5, $0x0;
	s5 =	sld [smem:$0x3FAF]  }
0x2b: {  	s6 =	sld [smem:$0x3FB0]  }
0x2c: {  	s7 =	sld [smem:$0x3FB1]  }
0x2d: {  	s3 =	simm.s32 $0x108;
	s8 =	sld [smem:$0x3FB2]  }
0x2e: {  	s3 =	simm.s32 @!p0 $0x1082;
	s9 =	sld [smem:$0x3FB3]  }
0x2f: {  	lr =	sadd.s32 s0, s3;
	s0 =	sld [smem:$0x3FAA]  }
0x30: {  	s3 =	sld [smem:$0x3FAD]  }
0x31: {  	[smem:$0x3FB6] =	sst s10  }
0x32: {  	s10 =	sld [smem:$0x3FB4];
	_ =	sdelay $0x3  }
0x33: {  	p0 =	seq.s32 s10, $0x1;
	s10 =	sld [smem:$0x3FB6];
	_ =	sdelay $0x3  }
0x34: {  	[smem:$0x3FB6] =	sst s10  }
0x35: {  	s10 =	sld [smem:$0x3FB5];
	_ =	sdelay $0x3  }
0x36: {  	p1 =	seq.s32 s10, $0x1;
	s10 =	sld [smem:$0x3FB6];
	_ =	sdelay $0x3  }
0x37: {  	[smem:$0x3FB6] =	sst s10  }
0x38: {  	s10 =	sld [smem:$0x3FB7]  }
0x39: {  	_ = 	snop;
	(pc) =	sbr.ind lr, $3  }
0x3a: {  	_ = 	snop  }
0x3b: {  	_ = 	snop  }
0x3c: {  	p2 =	seq.s32 s10, $0x1;
	s10 =	sld [smem:$0x3FB6]  }
0x3d: {  	_ =	shalt  }
0x3e: {  	_ =	shalt  }
0x3f: {  	_ =	shalt  }
0x40: {  	_ =	shalt  }
0x41: {  	_ =	shalt  }
0x42: {  	_ =	shalt  }
0x43: {  	_ =	shalt  }
0x44: {  	_ =	shalt  }
0x45: {  	_ =	shalt  }
0x46: {  	_ =	shalt  }
0x47: {  	_ =	shalt  }
0x48: {  	_ =	shalt  }
0x49: {  	_ =	shalt  }
0x4a: {  	_ =	shalt  }
0x4b: {  	_ =	shalt  }
0x4c: {  	_ =	shalt  }
0x4d: {  	_ =	shalt  }
0x4e: {  	_ =	shalt  }
0x4f: {  	_ =	shalt  }
0x50: {  	_ =	shalt  }
0x51: {  	_ =	shalt  }
0x52: {  	_ =	shalt  }
0x53: {  	_ =	shalt  }
0x54: {  	_ =	shalt  }
0x55: {  	_ =	shalt  }
0x56: {  	_ =	shalt  }
0x57: {  	_ =	shalt  }
0x58: {  	_ =	shalt  }
0x59: {  	_ =	shalt  }
0x5a: {  	_ =	shalt  }
0x5b: {  	_ =	shalt  }
0x5c: {  	_ =	shalt  }
0x5d: {  	_ =	shalt  }
0x5e: {  	_ =	shalt  }
0x5f: {  	_ =	shalt  }
0x60: {  	_ =	shalt  }
0x61: {  	_ =	shalt  }
0x62: {  	_ =	shalt  }
0x63: {  	_ =	shalt  }
0x64: {  	_ =	shalt  }
0x65: {  	_ =	shalt  }
0x66: {  	_ =	shalt  }
0x67: {  	_ =	shalt  }
0x68: {  	_ =	shalt  }
0x69: {  	_ =	shalt  }
0x6a: {  	_ =	shalt  }
0x6b: {  	_ =	shalt  }
0x6c: {  	_ =	shalt  }
0x6d: {  	_ =	shalt  }
0x6e: {  	_ =	shalt  }
0x6f: {  	_ =	shalt  }
0x70: {  	_ =	shalt  }
0x71: {  	_ =	shalt  }
0x72: {  	_ =	shalt  }
0x73: {  	_ =	shalt  }
0x74: {  	_ =	shalt  }
0x75: {  	_ =	shalt  }
0x76: {  	_ =	shalt  }
0x77: {  	_ =	shalt  }
0x78: {  	_ =	shalt  }
0x79: {  	_ =	shalt  }
0x7a: {  	_ =	shalt  }
0x7b: {  	_ =	shalt  }
0x7c: {  	_ =	shalt  }
0x7d: {  	_ =	shalt  }
0x7e: {  	_ =	shalt  }
0x7f: {  	_ =	shalt  }
0x80: {  	_ =	shalt  }
0x81: {  	_ =	shalt  }
0x82: {  	_ =	shalt  }
0x83: {  	_ =	shalt  }
0x84: {  	_ =	shalt  }
0x85: {  	_ =	shalt  }
0x86: {  	_ =	shalt  }
0x87: {  	_ =	shalt  }
.Lfunc_end0:
.L_simem_size_0:
called_computation_lowered:
.L_overlay_start_0:
0x88: {  	s2 =	sld [smem:$0x3FD9]  }
0x89: {  	s3 =	sld [smem:$0x3FFE];
	_ =	sdelay $0x1  }
0x8a: {  	s1 =	srdreg.scid  }
0x8b: {  	s0 =	sand.u32 $0x1, s1  }
0x8c: {  	s16 =	sshll.u32 s0, $0xA;
	s2 =	sadd.s32 s3, s2  }
0x8d: {  	s2 =	sadd.s32 s2, s16  }
0x8e: {  	[smem:$0x3FC2] =	sst s2  }
0x8f: {  	_ = 	snop  }
0x90: {  	(tm) =	ssettm $0x1  }
0x91: {  	s17 =	sld [smem:$0x3FFB];
	_ =	sdelay $0x3  }
0x92: {  	_ =	strace s17  }
0x93: {  	s2 =	sld [smem:$0x3FFC];
	_ =	sdelay $0x3  }
0x94: {  	_ =	strace s2  }
0x95: {  	s2 =	sld [smem:$0x3FFD];
	_ =	sdelay $0x3  }
0x96: {  	_ =	strace s2  }
0x97: {  	_ =	strace $0x8FFFFFFF  }
0x98: {  	s18 =	sld [smem:$0x3FDB];
	_ =	sdelay $0x1  }
0x99: {  	s19 =	simm.s32 $_scs_section_size  }
0x9a: {  	s4 =	simm.s32 $_size__tile_overlayer_lowered;
	s5 =	simm.s32 $_tile_overlayer_lowered  }
0x9b: {  	s22 =	simm.s32 $0x1BFF;
	s21 =	sshll.u32 s5, $0x1;
	s2 =	sadd.s32 s19, s18  }
0x9c: {  	s6 =	simm.s32 $0x0;
	s20 =	sshll.u32 s4, $0x1;
	s4 =	sadd.s32 s21, s2  }
0x9d: {  	[timem:s6], [sflag:s22] =	dma.local [hbm:s4], s20  }
0x9e: {  	_ =	swait.ge [sflag:s22], s20  }
0x9f: {  	s3 =	ssub.s32 $0x0, s20;
	[sflag:s22] =	ssyncset.done $0x0  }
0xa0: {  	[sflag:s22] =	ssyncadd.s32 s3;
	_ =	sdelay $0x1  }
0xa1: {  	s23 =	simm.s32 $0x1B8B  }
0xa2: {  	_ =	swait.ge [sflag:s23], $0x1  }
0xa3: {  	[sflag:s23] =	ssyncset.done $0x0  }
0xa4: {  	s25 =	simm.s32 $0x1B8E;
	s24 =	sld [smem:$0x3FFE];
	[sflag:s23] =	ssyncadd.s32 $0xFFFFFFFF  }
0xa5: {  	s26 =	simm.s32 $execute0_lowered;
	[smem:$0x3FD2] =	sst s25  }
0xa6: {  	s4 =	sshll.u32 s26, $0x1;
	_ =	strace $0x80000046;
	[dreg:$0x1] =	wrdreg $0xFFFFFFFF  }
0xa7: {  	s28 =	simm.s32 $_size_execute0_lowered;
	s2 =	sadd.s32 s2, s4;
	[dreg:$0x0] =	wrdreg $0x0  }
0xa8: {  	s4 =	sshll.u32 s28, $0x1;
	[dreg:$0x2] =	wrdreg s2  }
0xa9: {  	[dreg:$0x3] =	wrdreg s4  }
0xaa: {  	[dreg:$0x4] =	wrdreg $0xC0  }
0xab: {  	_ =	task [dreg:s6], $0x5FFFF  }
0xac: {  	[dreg:$0x1] =	wrdreg $0xFFFFFFFF  }
0xad: {  	[dreg:$0x0] =	wrdreg $0x60  }
0xae: {  	[dreg:$0x2] =	wrdreg s24  }
0xaf: {  	[dreg:$0x3] =	wrdreg $0x9  }
0xb0: {  	_ =	task.clear_ibuf [dreg:s6], $0x4FFFF;
	_ =	strace $0x90000046  }
0xb1: {  	s29 =	simm.s32 $0x9;
	_ =	strace $0x80000048  }
0xb2: {  	_ =	swait.ge [sflag:s29], $0x1  }
0xb3: {  	[sflag:s29] =	ssyncadd.s32 $0xFFFFFFFF  }
0xb4: {  	_ =	strace $0x90000048  }
0xb5: {  	_ =	sfence  }
0xb6: {  	s30 =	sld [smem:$0x0];
	_ =	sdelay $0x2  }
0xb7: {  	s31 =	sshll.u32 s1, $0xD;
	s1 =	sshrl.u32 s1, $0x2  }
0xb8: {  	s3 =	sand.u32 $0x4000, s31;
	s1 =	sadd.s32 s1, s30  }
0xb9: {  	s0 =	sor.u32 s3, s0;
	s1 =	sshll.u32 s1, $0x11  }
0xba: {  	s0 =	sor.u32 s1, s0  }
0xbb: {  	s0 =	sadd.s32 $0x8F2B, s0  }
0xbc: {  	[sflag:s0] =	ssyncadd.remote.s32 $0x1  }
0xbd: {  	_ =	sfence.sel $0xFFFF  }
0xbe: {  	[dreg:$0x0] =	wrdreg $0xFFFFFFFF;
	(pc) =	sbr.abs _section_cstart, $3  }
0xbf: {  	[dreg:$0x1] =	wrdreg $0xFFFFFFFF  }
0xc0: {  	_ =	task.clear_ibuf [dreg:s6], $0x2FFFF;
	_ =	strace $0x9FFFFFFF  }
0xc1: {  	(tm) =	ssettm $0x7FFFFFFF  }
tec
execute0_lowered:
.L_overlay_start_1:
0x0: {  	(tag) =	ssettag $0x1  }
0x1: {  	s1 =	srdreg.scid;
	s0 =	stileid.u32  }
0x2: {  	s4 =	rddreg [dreg:$0x0];
	s2 =	simm.s32 $0x0;
	s8 =	simm.s32 $0x320  }
0x3: {  	s9 =	simm.s32 $0x6400;
	s10 =	simm.s32 $0x12C00;
	s11 =	simm.s32 $0x1  }
0x4: {  	s12 =	simm.s32 $0x1F400;
	s13 =	simm.s32 $0x2;
	s14 =	simm.s32 $0x0  }
0x5: {  	s3 =	sand.u32 $0x1, s1;
	s5 =	sshll.u32 s0, $0x1;
	[smem:$0x7FF] =	sst s2  }
0x6: {  	s1 =	rddreg [dreg:$0x1];
	s5 =	sor.u32 s3, s5;
	_ =	strace $0x80000047  }
0x7: {  	s7 =	ssub.s32 $0x2, s3;
	s6 =	smul.u32 $0xC80, s5;
	s5 =	sshll.u32 s5, $0xC  }
0x8: {  	s3 =	sadd.s32 $0xF43000, s4;
	s31 =	sshrl.u32 s7, $0x1;
	s5 =	sadd.s32 s5, s4  }
0x9: {  	s7 =	ssub.s32 s7, s31;
	s6 =	sadd.s32 s6, s4;
	s5 =	sadd.s32 $0x19C00, s5  }
0xa: {  	s4 =	sadd.s32 $0xC00, s6;
	s6 =	smax.u32 s7, $0x1;
	s7 =	simm.s32 $0x3  }
.LBB2_1:
0xb: {  	[tilespmem:s2], [sflag:$0x3] =	stream.linear.gather [hbm4b:s4+s2], $0x6400, $0x38;
	[tilespmem:$0x1F800] =	vst v63  }
0xc: {  	_ =	swait.ge [sflag:s7], $0x6400  }
0xd: {  	[sflag:s7] =	ssyncset.done $0x0  }
0xe: {  	s15 =	simm.s32 $0x0;
	[sflag:s7] =	ssyncadd.s32 $0xFFFF9C00  }
0xf: {  	[tilespmem:s9], [sflag:$0x1] =	stream.indirect.gather [hbm4b:s3+s8], $0x40, s2, s8, $0xb8;
	[tilespmem:$0x1F800] =	vst v63  }
.LBB2_2:
0x10: {  	s16 =	sshllo.u32 s15, $0x1  }
0x11: {  	s17 =	smul.u32 $0xC80, s16;
	_ =	sdelay $0x1  }
0x12: {  	s17 =	sshra.s32 s17, $0x2  }
0x13: {  	[tilespmem:s10], [sflag:$0x2] =	stream.indirect.gather [hbm4b:s3+s8], $0x40, s17, s8, $0xb8;
	[tilespmem:$0x1F800] =	vst v63  }
0x14: {  	_ =	swait.ge [sflag:s11], $0xC800  }
0x15: {  	[sflag:s11] =	ssyncset.done $0x0  }
0x16: {  	s17 =	simm.s32 $0x0;
	[sflag:s11] =	ssyncadd.s32 $0xFFFF3800  }
.LBB2_3:
0x17: {  	s18 =	smul.u32 $0x3200, s17;
	_ =	sdelay $0x1  }
0x18: {  	s18 =	sshra.s32 s18, $0x2  }
0x19: {  	v56 =	vld [tilespmem:s18+$0x67F0];
	_ =	sdelay $0x4  }
0x1a: {  	[tilespmem:$0x1FD80] =	vst v56;
	v56 =	vld [tilespmem:s18+$0x6810];
	_ =	sdelay $0x4  }
0x1b: {  	[tilespmem:$0x1FD90] =	vst v56;
	v56 =	vld [tilespmem:s18+$0x6820];
	_ =	sdelay $0x1  }
0x1c: {  	v3 =	vld [tilespmem:s18+$0x6400]  }
0x1d: {  	v4 =	vld [tilespmem:s18+$0x6410]  }
0x1e: {  	v5 =	vld [tilespmem:s18+$0x6420]  }
0x1f: {  	[tilespmem:$0x1FDA0] =	vst v56;
	v56 =	vld [tilespmem:s18+$0x6830]  }
0x20: {  	v16 =	vld [tilespmem:s18+$0x6430]  }
0x21: {  	v17 =	vld [tilespmem:s18+$0x6440]  }
0x22: {  	v20 =	vld [tilespmem:s18+$0x6450]  }
0x23: {  	v21 =	vld [tilespmem:s18+$0x6460]  }
0x24: {  	[tilespmem:$0x1FDC0] =	vst v56;
	v56 =	vld [tilespmem:s18+$0x6840]  }
0x25: {  	v32 =	vld [tilespmem:s18+$0x6470]  }
0x26: {  	v33 =	vld [tilespmem:s18+$0x6480]  }
0x27: {  	v36 =	vld [tilespmem:s18+$0x6490]  }
0x28: {  	v37 =	vld [tilespmem:s18+$0x64A0]  }
0x29: {  	[tilespmem:$0x1FDB0] =	vst v56;
	v56 =	vld [tilespmem:s18+$0x6850]  }
0x2a: {  	v48 =	vld [tilespmem:s18+$0x64B0]  }
0x2b: {  	v49 =	vld [tilespmem:s18+$0x64C0]  }
0x2c: {  	v52 =	vld [tilespmem:s18+$0x64D0]  }
0x2d: {  	v53 =	vld [tilespmem:s18+$0x64E0]  }
0x2e: {  	[tilespmem:$0x1FDD0] =	vst v56;
	v56 =	vld [tilespmem:s18+$0x6860]  }
0x2f: {  	v62 =	vld [tilespmem:s18+$0x64F0]  }
0x30: {  	v63 =	vld [tilespmem:s18+$0x6500]  }
0x31: {  	v0 =	vld [tilespmem:s18+$0x6510]  }
0x32: {  	v2 =	vld [tilespmem:s18+$0x6520]  }
0x33: {  	[tilespmem:$0x1FDE0] =	vst v56;
	v56 =	vld [tilespmem:s18+$0x6870]  }
0x34: {  	v9 =	vld [tilespmem:s18+$0x6530]  }
0x35: {  	v1 =	vld [tilespmem:s18+$0x6540]  }
0x36: {  	v6 =	vld [tilespmem:s18+$0x6550]  }
0x37: {  	v8 =	vld [tilespmem:s18+$0x6560]  }
0x38: {  	[tilespmem:$0x1FE00] =	vst v56;
	v56 =	vld [tilespmem:s18+$0x6880]  }
0x39: {  	v13 =	vld [tilespmem:s18+$0x6570]  }
0x3a: {  	v7 =	vld [tilespmem:s18+$0x6580]  }
0x3b: {  	v10 =	vld [tilespmem:s18+$0x6590]  }
0x3c: {  	v12 =	vld [tilespmem:s18+$0x65A0]  }
0x3d: {  	[tilespmem:$0x1FDF0] =	vst v56;
	v56 =	vld [tilespmem:s18+$0x6890]  }
0x3e: {  	v19 =	vld [tilespmem:s18+$0x65B0]  }
0x3f: {  	v11 =	vld [tilespmem:s18+$0x65C0]  }
0x40: {  	v14 =	vld [tilespmem:s18+$0x65D0]  }
0x41: {  	v18 =	vld [tilespmem:s18+$0x65E0]  }
0x42: {  	[tilespmem:$0x1FE10] =	vst v56;
	v56 =	vld [tilespmem:s18+$0x68A0]  }
0x43: {  	v25 =	vld [tilespmem:s18+$0x65F0]  }
0x44: {  	v15 =	vld [tilespmem:s18+$0x6600]  }
0x45: {  	v22 =	vld [tilespmem:s18+$0x6610]  }
0x46: {  	v24 =	vld [tilespmem:s18+$0x6620]  }
0x47: {  	[tilespmem:$0x1FE20] =	vst v56;
	v56 =	vld [tilespmem:s18+$0x68B0]  }
0x48: {  	v29 =	vld [tilespmem:s18+$0x6630]  }
0x49: {  	v23 =	vld [tilespmem:s18+$0x6640]  }
0x4a: {  	v26 =	vld [tilespmem:s18+$0x6650]  }
0x4b: {  	v28 =	vld [tilespmem:s18+$0x6660]  }
0x4c: {  	[tilespmem:$0x1FE40] =	vst v56;
	v56 =	vld [tilespmem:s18+$0x68C0]  }
0x4d: {  	v35 =	vld [tilespmem:s18+$0x6670]  }
0x4e: {  	v27 =	vld [tilespmem:s18+$0x6680]  }
0x4f: {  	v30 =	vld [tilespmem:s18+$0x6690]  }
0x50: {  	v34 =	vld [tilespmem:s18+$0x66A0]  }
0x51: {  	[tilespmem:$0x1FE30] =	vst v56;
	v56 =	vld [tilespmem:s18+$0x68D0]  }
0x52: {  	v41 =	vld [tilespmem:s18+$0x66B0]  }
0x53: {  	v31 =	vld [tilespmem:s18+$0x66C0]  }
0x54: {  	v38 =	vld [tilespmem:s18+$0x66D0]  }
0x55: {  	v40 =	vld [tilespmem:s18+$0x66E0]  }
0x56: {  	[tilespmem:$0x1FE50] =	vst v56;
	v56 =	vld [tilespmem:s18+$0x68E0]  }
0x57: {  	v45 =	vld [tilespmem:s18+$0x66F0]  }
0x58: {  	v39 =	vld [tilespmem:s18+$0x6700]  }
0x59: {  	v42 =	vld [tilespmem:s18+$0x6710]  }
0x5a: {  	v44 =	vld [tilespmem:s18+$0x6720]  }
0x5b: {  	[tilespmem:$0x1FE60] =	vst v56;
	v56 =	vld [tilespmem:s18+$0x68F0]  }
0x5c: {  	v51 =	vld [tilespmem:s18+$0x6730]  }
0x5d: {  	v43 =	vld [tilespmem:s18+$0x6740]  }
0x5e: {  	v46 =	vld [tilespmem:s18+$0x6750]  }
0x5f: {  	v50 =	vld [tilespmem:s18+$0x6760]  }
0x60: {  	[tilespmem:$0x1FE80] =	vst v56;
	v56 =	vld [tilespmem:s18+$0x6900]  }
0x61: {  	v60 =	vld [tilespmem:s18+$0x6770]  }
0x62: {  	v47 =	vld [tilespmem:s18+$0x6780]  }
0x63: {  	v54 =	vld [tilespmem:s18+$0x6790]  }
0x64: {  	v61 =	vld [tilespmem:s18+$0x67A0]  }
0x65: {  	[tilespmem:$0x1FE70] =	vst v56;
	v56 =	vld [tilespmem:s18+$0x6910]  }
0x66: {  	v55 =	vld [tilespmem:s18+$0x67B0]  }
0x67: {  	v58 =	vld [tilespmem:s18+$0x67D0]  }
0x68: {  	v57 =	vld [tilespmem:s18+$0x67E0]  }
0x69: {  	v59 =	vld [tilespmem:s18+$0x6800]  }
0x6a: {  	[tilespmem:$0x1FE90] =	vst v56;
	v56 =	vld [tilespmem:s18+$0x6920]  }
0x6b: {  	[tilespmem:$0x1FD70] =	vst v55;
	v55 =	vld [tilespmem:s18+$0x67C0]  }
0x6c: {  	v17 =	vadd.f32 v17, v3;
	v3 =	vld [tilespmem:s18+$0x6A90]  }
0x6d: {  	v20 =	vadd.f32 v20, v4;
	v4 =	vld [tilespmem:s18+$0x6AA0]  }
0x6e: {  	v21 =	vadd.f32 v21, v5;
	v5 =	vld [tilespmem:s18+$0x6AB0]  }
0x6f: {  	v17 =	vadd.f32 v33, v17;
	[tilespmem:$0x1FEA0] =	vst v56;
	v56 =	vld [tilespmem:s18+$0x6930]  }
0x70: {  	v32 =	vadd.f32 v32, v16;
	v16 =	vld [tilespmem:s18+$0x6AC0];
	v20 =	vadd.f32 v36, v20  }
0x71: {  	v21 =	vadd.f32 v37, v21;
	v33 =	vadd.f32 v49, v17;
	v17 =	vld [tilespmem:s18+$0x6AD0]  }
0x72: {  	v36 =	vadd.f32 v52, v20;
	v20 =	vld [tilespmem:s18+$0x6AE0]  }
0x73: {  	v32 =	vadd.f32 v48, v32;
	v37 =	vadd.f32 v53, v21;
	v21 =	vld [tilespmem:s18+$0x6AF0]  }
0x74: {  	[tilespmem:$0x1FEC0] =	vst v56;
	v56 =	vld [tilespmem:s18+$0x6940]  }
0x75: {  	v48 =	vadd.f32 v62, v32;
	v32 =	vld [tilespmem:s18+$0x6B00]  }
0x76: {  	v49 =	vld [tilespmem:s18+$0x6B50]  }
0x77: {  	v52 =	vld [tilespmem:s18+$0x6B60]  }
0x78: {  	v0 =	vadd.f32 v0, v36;
	v36 =	vld [tilespmem:s18+$0x6B20]  }
0x79: {  	[tilespmem:$0x1FEB0] =	vst v56;
	v56 =	vld [tilespmem:s18+$0x6950]  }
0x7a: {  	v33 =	vadd.f32 v63, v33;
	v2 =	vadd.f32 v2, v37;
	v37 =	vld [tilespmem:s18+$0x6B30]  }
0x7b: {  	v9 =	vadd.f32 v9, v48;
	v48 =	vld [tilespmem:s18+$0x6B40]  }
0x7c: {  	v1 =	vadd.f32 v1, v33;
	v33 =	vld [tilespmem:s18+$0x6B10]  }
0x7d: {  	v2 =	vadd.f32 v8, v2;
	v8 =	vld [tilespmem:s18+$0x6B90]  }
0x7e: {  	[tilespmem:$0x1FED0] =	vst v56;
	v56 =	vld [tilespmem:s18+$0x6960]  }
0x7f: {  	v53 =	vadd.f32 v13, v9;
	v9 =	vld [tilespmem:s18+$0x6BA0]  }
0x80: {  	v13 =	vld [tilespmem:s18+$0x6BE0]  }
0x81: {  	v0 =	vadd.f32 v6, v0;
	v6 =	vadd.f32 v19, v53;
	v53 =	vld [tilespmem:s18+$0x6B70]  }
0x82: {  	v1 =	vadd.f32 v7, v1;
	v7 =	vld [tilespmem:s18+$0x6B80]  }
0x83: {  	[tilespmem:$0x1FEE0] =	vst v56;
	v56 =	vld [tilespmem:s18+$0x6970]  }
0x84: {  	v0 =	vadd.f32 v10, v0;
	v10 =	vld [tilespmem:s18+$0x6BB0]  }
0x85: {  	v2 =	vadd.f32 v12, v2;
	v12 =	vld [tilespmem:s18+$0x6BD0]  }
0x86: {  	v19 =	vld [tilespmem:s18+$0x6C20]  }
0x87: {  	v1 =	vadd.f32 v11, v1;
	v11 =	vld [tilespmem:s18+$0x6BC0]  }
0x88: {  	[tilespmem:$0x1FF00] =	vst v56;
	v56 =	vld [tilespmem:s18+$0x6980]  }
0x89: {  	v0 =	vadd.f32 v14, v0;
	v14 =	vld [tilespmem:s18+$0x6BF0]  }
0x8a: {  	v2 =	vadd.f32 v18, v2;
	v18 =	vld [tilespmem:s18+$0x6C10]  }
0x8b: {  	v6 =	vadd.f32 v25, v6;
	v25 =	vld [tilespmem:s18+$0x6C60]  }
0x8c: {  	v1 =	vadd.f32 v15, v1;
	v15 =	vld [tilespmem:s18+$0x6C00]  }
0x8d: {  	[tilespmem:$0x1FEF0] =	vst v56;
	v56 =	vld [tilespmem:s18+$0x6990]  }
0x8e: {  	v0 =	vadd.f32 v22, v0;
	v22 =	vld [tilespmem:s18+$0x6C30]  }
0x8f: {  	v2 =	vadd.f32 v24, v2;
	v24 =	vld [tilespmem:s18+$0x6C50]  }
0x90: {  	v6 =	vadd.f32 v29, v6;
	v29 =	vld [tilespmem:s18+$0x6CA0]  }
0x91: {  	v1 =	vadd.f32 v23, v1;
	v2 =	vadd.f32 v28, v2;
	v23 =	vld [tilespmem:s18+$0x6C40]  }
0x92: {  	v0 =	vadd.f32 v26, v0;
	v6 =	vadd.f32 v35, v6;
	[tilespmem:$0x1FF10] =	vst v56;
	v56 =	vld [tilespmem:s18+$0x69A0]  }
0x93: {  	v26 =	vld [tilespmem:s18+$0x6C70];
	v1 =	vadd.f32 v27, v1;
	v2 =	vadd.f32 v34, v2  }
0x94: {  	v28 =	vld [tilespmem:s18+$0x6C90];
	v0 =	vadd.f32 v30, v0;
	v6 =	vadd.f32 v41, v6  }
0x95: {  	v62 =	vld [tilespmem:$0x1FDC0];
	v1 =	vadd.f32 v31, v1;
	v2 =	vadd.f32 v40, v2  }
0x96: {  	v27 =	vld [tilespmem:s18+$0x6C80];
	v0 =	vadd.f32 v38, v0;
	v6 =	vadd.f32 v45, v6  }
0x97: {  	v1 =	vadd.f32 v39, v1;
	v2 =	vadd.f32 v44, v2;
	[tilespmem:$0x1FF20] =	vst v56;
	v56 =	vld [tilespmem:s18+$0x69B0]  }
0x98: {  	v30 =	vld [tilespmem:s18+$0x6CB0];
	v0 =	vadd.f32 v42, v0;
	v6 =	vadd.f32 v51, v6  }
0x99: {  	v31 =	vld [tilespmem:s18+$0x6CC0];
	v1 =	vadd.f32 v43, v1;
	v2 =	vadd.f32 v50, v2  }
0x9a: {  	v0 =	vadd.f32 v46, v0;
	v6 =	vadd.f32 v60, v6;
	v60 =	vld [tilespmem:$0x1FDA0]  }
0x9b: {  	v1 =	vadd.f32 v47, v1;
	v2 =	vadd.f32 v61, v2;
	v61 =	vld [tilespmem:$0x1FDB0]  }
0x9c: {  	[tilespmem:$0x1FF40] =	vst v56;
	v56 =	vld [tilespmem:s18+$0x69C0]  }
0x9d: {  	v0 =	vadd.f32 v54, v0;
	v1 =	vadd.f32 v55, v1;
	v55 =	vld [tilespmem:$0x1FD70]  }
0x9e: {  	v63 =	vld [tilespmem:$0x1FDD0]  }
0x9f: {  	v0 =	vadd.f32 v58, v0;
	v58 =	vld [tilespmem:$0x1FD80]  }
0xa0: {  	v34 =	vld [tilespmem:$0x1FDE0]  }
0xa1: {  	v2 =	vadd.f32 v57, v2;
	[tilespmem:$0x1FF30] =	vst v56;
	v56 =	vld [tilespmem:s18+$0x69D0]  }
0xa2: {  	v1 =	vadd.f32 v59, v1;
	v59 =	vld [tilespmem:$0x1FD90];
	v6 =	vadd.f32 v55, v6  }
0xa3: {  	v2 =	vadd.f32 v60, v2;
	v38 =	vld [tilespmem:$0x1FE00]  }
0xa4: {  	v6 =	vadd.f32 v58, v6;
	v35 =	vld [tilespmem:$0x1FDF0]  }
0xa5: {  	v2 =	vadd.f32 v34, v2;
	v34 =	vld [tilespmem:s18+$0x6CD0]  }
0xa6: {  	v6 =	vadd.f32 v62, v6;
	[tilespmem:$0x1FF50] =	vst v56;
	v56 =	vld [tilespmem:s18+$0x69E0]  }
0xa7: {  	v1 =	vadd.f32 v61, v1;
	v39 =	vld [tilespmem:$0x1FE10]  }
0xa8: {  	v0 =	vadd.f32 v59, v0;
	v6 =	vadd.f32 v38, v6;
	v38 =	vld [tilespmem:s18+$0x6CF0]  }
0xa9: {  	v1 =	vadd.f32 v35, v1;
	v35 =	vld [tilespmem:s18+$0x6CE0]  }
0xaa: {  	v0 =	vadd.f32 v63, v0;
	v40 =	vld [tilespmem:$0x1FE20]  }
0xab: {  	[tilespmem:$0x1FF60] =	vst v56;
	v56 =	vld [tilespmem:s18+$0x69F0]  }
0xac: {  	v0 =	vadd.f32 v39, v0;
	v39 =	vld [tilespmem:s18+$0x6D00]  }
0xad: {  	v42 =	vld [tilespmem:$0x1FE40]  }
0xae: {  	v41 =	vld [tilespmem:$0x1FE30]  }
0xaf: {  	v2 =	vadd.f32 v40, v2;
	v40 =	vld [tilespmem:s18+$0x6D10]  }
0xb0: {  	[tilespmem:$0x1FF80] =	vst v56;
	v56 =	vld [tilespmem:s18+$0x6A00]  }
0xb1: {  	v43 =	vld [tilespmem:$0x1FE50]  }
0xb2: {  	v6 =	vadd.f32 v42, v6;
	v42 =	vld [tilespmem:s18+$0x6D30]  }
0xb3: {  	v1 =	vadd.f32 v41, v1;
	v41 =	vld [tilespmem:s18+$0x6D20]  }
0xb4: {  	v44 =	vld [tilespmem:$0x1FE60]  }
0xb5: {  	[tilespmem:$0x1FF70] =	vst v56;
	v56 =	vld [tilespmem:s18+$0x6A10]  }
0xb6: {  	v0 =	vadd.f32 v43, v0;
	v43 =	vld [tilespmem:s18+$0x6D40]  }
0xb7: {  	v46 =	vld [tilespmem:$0x1FE80]  }
0xb8: {  	v45 =	vld [tilespmem:$0x1FE70]  }
0xb9: {  	v2 =	vadd.f32 v44, v2;
	v44 =	vld [tilespmem:s18+$0x6D50]  }
0xba: {  	[tilespmem:$0x1FF90] =	vst v56;
	v56 =	vld [tilespmem:s18+$0x6A20]  }
0xbb: {  	v47 =	vld [tilespmem:$0x1FE90]  }
0xbc: {  	v6 =	vadd.f32 v46, v6;
	v46 =	vld [tilespmem:s18+$0x6D70]  }
0xbd: {  	v1 =	vadd.f32 v45, v1;
	v45 =	vld [tilespmem:s18+$0x6D60]  }
0xbe: {  	v50 =	vld [tilespmem:$0x1FEA0]  }
0xbf: {  	[tilespmem:$0x1FFA0] =	vst v56;
	v56 =	vld [tilespmem:s18+$0x6A30]  }
0xc0: {  	v0 =	vadd.f32 v47, v0;
	v47 =	vld [tilespmem:s18+$0x6D80]  }
0xc1: {  	v54 =	vld [tilespmem:$0x1FEC0]  }
0xc2: {  	v51 =	vld [tilespmem:$0x1FEB0]  }
0xc3: {  	v55 =	vld [tilespmem:$0x1FED0]  }
0xc4: {  	[tilespmem:$0x1FFC0] =	vst v56;
	v56 =	vld [tilespmem:s18+$0x6A40]  }
0xc5: {  	v57 =	vld [tilespmem:$0x1FEE0]  }
0xc6: {  	v59 =	vld [tilespmem:$0x1FF00]  }
0xc7: {  	v58 =	vld [tilespmem:$0x1FEF0]  }
0xc8: {  	v60 =	vld [tilespmem:$0x1FF10]  }
0xc9: {  	[tilespmem:$0x1FFB0] =	vst v56;
	v56 =	vld [tilespmem:s18+$0x6A50]  }
0xca: {  	v61 =	vld [tilespmem:$0x1FF20]  }
0xcb: {  	v63 =	vld [tilespmem:$0x1FF40]  }
0xcc: {  	v62 =	vld [tilespmem:$0x1FF30]  }
0xcd: {  	v2 =	vadd.f32 v50, v2;
	v50 =	vld [tilespmem:$0x1FF50]  }
0xce: {  	[tilespmem:$0x1FFD0] =	vst v56;
	v56 =	vld [tilespmem:s18+$0x6A60]  }
0xcf: {  	v1 =	vadd.f32 v51, v1;
	v51 =	vld [tilespmem:$0x1FF60]  }
0xd0: {  	v0 =	vadd.f32 v55, v0;
	v55 =	vld [tilespmem:$0x1FF80]  }
0xd1: {  	v6 =	vadd.f32 v54, v6;
	v54 =	vld [tilespmem:$0x1FF70]  }
0xd2: {  	v2 =	vadd.f32 v57, v2;
	v57 =	vld [tilespmem:$0x1FF90]  }
0xd3: {  	[tilespmem:$0x1FFE0] =	vst v56;
	v56 =	vld [tilespmem:s18+$0x6A70]  }
0xd4: {  	v1 =	vadd.f32 v58, v1;
	v58 =	vld [tilespmem:$0x1FFA0]  }
0xd5: {  	v0 =	vadd.f32 v60, v0;
	v60 =	vld [tilespmem:$0x1FFC0]  }
0xd6: {  	v6 =	vadd.f32 v59, v6;
	v2 =	vadd.f32 v61, v2;
	v61 =	vld [tilespmem:$0x1FFD0]  }
0xd7: {  	v1 =	vadd.f32 v62, v1;
	v0 =	vadd.f32 v50, v0;
	v62 =	vld [tilespmem:$0x1FFE0]  }
0xd8: {  	v6 =	vadd.f32 v63, v6;
	v2 =	vadd.f32 v51, v2;
	v59 =	vld [tilespmem:$0x1FFB0];
	[tilespmem:$0x1FFF0] =	vst v56  }
0xd9: {  	v0 =	vadd.f32 v57, v0;
	v63 =	vld [tilespmem:$0x1FFF0]  }
0xda: {  	v6 =	vadd.f32 v55, v6;
	v2 =	vadd.f32 v58, v2;
	v56 =	vld [tilespmem:s18+$0x6A80]  }
0xdb: {  	v50 =	vld [tilespmem:s18+$0x6D90];
	v1 =	vadd.f32 v54, v1;
	v0 =	vadd.f32 v61, v0  }
0xdc: {  	v51 =	vld [tilespmem:s18+$0x6DA0];
	v6 =	vadd.f32 v60, v6;
	v2 =	vadd.f32 v62, v2  }
0xdd: {  	v55 =	vld [tilespmem:s18+$0x6E30];
	v1 =	vadd.f32 v59, v1;
	v0 =	vadd.f32 v3, v0  }
0xde: {  	v54 =	vld [tilespmem:s18+$0x6DB0];
	v2 =	vadd.f32 v4, v2;
	v6 =	vadd.f32 v63, v6  }
0xdf: {  	v57 =	vld [tilespmem:s18+$0x6E50];
	v0 =	vadd.f32 v17, v0;
	v1 =	vadd.f32 v56, v1  }
0xe0: {  	v58 =	vld [tilespmem:s18+$0x6E60];
	v2 =	vadd.f32 v20, v2;
	v5 =	vadd.f32 v5, v6  }
0xe1: {  	v60 =	vld [tilespmem:s18+$0x6E80];
	v0 =	vadd.f32 v33, v0;
	v1 =	vadd.f32 v16, v1  }
0xe2: {  	v59 =	vld [tilespmem:s18+$0x6E70];
	v2 =	vadd.f32 v36, v2;
	v5 =	vadd.f32 v21, v5  }
0xe3: {  	v61 =	vld [tilespmem:s18+$0x6E90];
	v0 =	vadd.f32 v49, v0;
	v1 =	vadd.f32 v32, v1  }
0xe4: {  	v3 =	vld [tilespmem:s18+$0x6DC0];
	v2 =	vadd.f32 v52, v2;
	v5 =	vadd.f32 v37, v5  }
0xe5: {  	v17 =	vld [tilespmem:s18+$0x6E00];
	v0 =	vadd.f32 v8, v0;
	v1 =	vadd.f32 v48, v1  }
0xe6: {  	v62 =	vld [tilespmem:s18+$0x6EA0];
	v2 =	vadd.f32 v9, v2;
	v5 =	vadd.f32 v53, v5  }
0xe7: {  	v33 =	vld [tilespmem:s18+$0x6ED0];
	v0 =	vadd.f32 v12, v0;
	v1 =	vadd.f32 v7, v1  }
0xe8: {  	v4 =	vld [tilespmem:s18+$0x6DD0];
	v2 =	vadd.f32 v13, v2;
	v5 =	vadd.f32 v10, v5  }
0xe9: {  	v49 =	vld [tilespmem:s18+$0x6E20];
	v0 =	vadd.f32 v18, v0;
	v1 =	vadd.f32 v11, v1  }
0xea: {  	v56 =	vld [tilespmem:s18+$0x6E40];
	v2 =	vadd.f32 v19, v2;
	v5 =	vadd.f32 v14, v5  }
0xeb: {  	v63 =	vld [tilespmem:s18+$0x6EB0];
	v0 =	vadd.f32 v24, v0;
	v1 =	vadd.f32 v15, v1  }
0xec: {  	v16 =	vld [tilespmem:s18+$0x6DF0];
	v2 =	vadd.f32 v25, v2;
	v5 =	vadd.f32 v22, v5  }
0xed: {  	v36 =	vld [tilespmem:s18+$0x6EF0];
	v0 =	vadd.f32 v28, v0;
	v1 =	vadd.f32 v23, v1  }
0xee: {  	v6 =	vld [tilespmem:s18+$0x6DE0];
	v2 =	vadd.f32 v29, v2;
	v5 =	vadd.f32 v26, v5  }
0xef: {  	v32 =	vld [tilespmem:s18+$0x6EC0];
	v0 =	vadd.f32 v34, v0;
	v1 =	vadd.f32 v27, v1  }
0xf0: {  	v52 =	vld [tilespmem:s18+$0x6FF0];
	v2 =	vadd.f32 v35, v2;
	v5 =	vadd.f32 v30, v5  }
0xf1: {  	v48 =	vld [tilespmem:s18+$0x6E10];
	v0 =	vadd.f32 v40, v0;
	v1 =	vadd.f32 v31, v1  }
0xf2: {  	v37 =	vld [tilespmem:s18+$0x6F00];
	v2 =	vadd.f32 v41, v2;
	v5 =	vadd.f32 v38, v5  }
0xf3: {  	v53 =	vld [tilespmem:s18+$0x7000];
	v0 =	vadd.f32 v44, v0;
	v1 =	vadd.f32 v39, v1  }
0xf4: {  	v34 =	vld [tilespmem:s18+$0x6EE0];
	v2 =	vadd.f32 v45, v2;
	v5 =	vadd.f32 v42, v5  }
0xf5: {  	v40 =	vld [tilespmem:s18+$0x6F30];
	v0 =	vadd.f32 v50, v0;
	v1 =	vadd.f32 v43, v1  }
0xf6: {  	v44 =	vld [tilespmem:s18+$0x6F70];
	v2 =	vadd.f32 v51, v2;
	v5 =	vadd.f32 v46, v5  }
0xf7: {  	v50 =	vld [tilespmem:s18+$0x6FD0];
	v0 =	vadd.f32 v4, v0;
	v1 =	vadd.f32 v47, v1  }
0xf8: {  	v41 =	vld [tilespmem:s18+$0x6F40];
	v2 =	vadd.f32 v6, v2;
	v5 =	vadd.f32 v54, v5  }
0xf9: {  	v39 =	vld [tilespmem:s18+$0x6F20];
	v0 =	vadd.f32 v48, v0;
	v1 =	vadd.f32 v3, v1  }
0xfa: {  	v45 =	vld [tilespmem:s18+$0x6F80];
	v2 =	vadd.f32 v49, v2;
	v5 =	vadd.f32 v16, v5  }
0xfb: {  	v38 =	vld [tilespmem:s18+$0x6F10];
	v0 =	vadd.f32 v57, v0;
	v1 =	vadd.f32 v17, v1  }
0xfc: {  	v48 =	vld [tilespmem:s18+$0x6FB0];
	v2 =	vadd.f32 v58, v2;
	v5 =	vadd.f32 v55, v5  }
0xfd: {  	v43 =	vld [tilespmem:s18+$0x6F60];
	v0 =	vadd.f32 v61, v0;
	v1 =	vadd.f32 v56, v1  }
0xfe: {  	v42 =	vld [tilespmem:s18+$0x6F50];
	v2 =	vadd.f32 v62, v2;
	v5 =	vadd.f32 v59, v5  }
0xff: {  	v51 =	vld [tilespmem:s18+$0x6FE0];
	v0 =	vadd.f32 v33, v0;
	v1 =	vadd.f32 v60, v1  }
0x100: {  	v46 =	vld [tilespmem:s18+$0x6F90];
	v2 =	vadd.f32 v34, v2;
	v5 =	vadd.f32 v63, v5  }
0x101: {  	v47 =	vld [tilespmem:s18+$0x6FA0];
	v0 =	vadd.f32 v38, v0;
	v1 =	vadd.f32 v32, v1  }
0x102: {  	v49 =	vld [tilespmem:s18+$0x6FC0];
	v2 =	vadd.f32 v39, v2;
	v5 =	vadd.f32 v36, v5  }
0x103: {  	v54 =	vld [tilespmem:s18+$0x7010];
	v0 =	vadd.f32 v42, v0;
	v1 =	vadd.f32 v37, v1  }
0x104: {  	v58 =	vld [tilespmem:s18+$0x7050];
	v2 =	vadd.f32 v43, v2;
	v5 =	vadd.f32 v40, v5  }
0x105: {  	v55 =	vld [tilespmem:s18+$0x7020];
	v0 =	vadd.f32 v46, v0;
	v1 =	vadd.f32 v41, v1  }
0x106: {  	v56 =	vld [tilespmem:s18+$0x7030];
	v2 =	vadd.f32 v47, v2;
	v5 =	vadd.f32 v44, v5  }
0x107: {  	v59 =	vld [tilespmem:s18+$0x7060];
	v0 =	vadd.f32 v50, v0;
	v1 =	vadd.f32 v45, v1  }
0x108: {  	v57 =	vld [tilespmem:s18+$0x7040];
	v2 =	vadd.f32 v51, v2;
	v5 =	vadd.f32 v48, v5  }
0x109: {  	v60 =	vld [tilespmem:s18+$0x7070];
	v0 =	vadd.f32 v54, v0;
	v1 =	vadd.f32 v49, v1  }
0x10a: {  	v2 =	vadd.f32 v55, v2;
	v5 =	vadd.f32 v52, v5  }
0x10b: {  	v0 =	vadd.f32 v58, v0;
	v1 =	vadd.f32 v53, v1  }
0x10c: {  	v2 =	vadd.f32 v59, v2;
	v61 =	vadd.f32 v56, v5  }
0x10d: {  	s31 =	sshll.u32 s17, $0x6;
	p0 =	sne.s32 s17, $0xF;
	v0 =	vmul.f32 $1.999999960e-02, v0;
	v1 =	vadd.f32 v57, v1  }
.Ltmp0:
0x10e: {  	s18 =	sand.u32 $0x3FFFFFC0, s31;
	v62 =	vmul.f32 $1.999999960e-02, v2;
	v3 =	vadd.f32 v60, v61;
	(pc) =	sbr.rel @p0 .LBB2_3-.Ltmp0, $4  }
0x10f: {  	[tilespmem:s18+$0x1F410] =	vst v0;
	v1 =	vmul.f32 $1.999999960e-02, v1  }
0x110: {  	[tilespmem:s18+$0x1F420] =	vst v62;
	v63 =	vmul.f32 $1.999999960e-02, v3  }
0x111: {  	[tilespmem:s18+$0x1F400] =	vst v1  }
0x112: {  	s17 =	sadd.s32 $0x1, s17;
	[tilespmem:s18+$0x1F430] =	vst v63  }
0x113: {  	s17 =	sshll.u32 s15, $0x8  }
0x114: {  	p0 =	seq.s32 s15, $0xF;
	s17 =	sadd.s32 s17, s5  }
0x115: {  	[hbm4b:s17+s2] =	stream.linear.scatter [tilespmem:s12], [sflag:$0x3], $0x400, $0x38;
	[tilespmem:$0x1F800] =	vst v63  }
0x116: {  	s17 =	smul.u32 @!p0 $0x1900, s15  }
0x117: {  	_ =	swait.ge [sflag:s7], $0x400  }
0x118: {  	s18 =	simm.s32 @!p0 $0x320;
	[sflag:s7] =	ssyncset.done $0x0;
	s17 =	sshra.s32 @!p0 s17, $0x2  }
0x119: {  	s19 =	simm.s32 @!p0 $0x6400;
	[sflag:s7] =	ssyncadd.s32 $0xFFFFFC00;
	s17 =	sadd.s32 @!p0 $0x640, s17  }
0x11a: {  	[tilespmem:s19], [sflag:$0x1] =	stream.indirect.gather @!p0 [hbm4b:s3+s18], $0x40, s17, s18, $0xb8;
	[tilespmem:$0x1F800] =	vst v63  }
0x11b: {  	_ =	swait.ge [sflag:s13], $0xC800  }
0x11c: {  	[sflag:s13] =	ssyncset.done $0x0  }
0x11d: {  	s17 =	simm.s32 $0x0;
	[sflag:s13] =	ssyncadd.s32 $0xFFFF3800  }
.LBB2_5:
0x11e: {  	s18 =	smul.u32 $0x3200, s17;
	_ =	sdelay $0x1  }
0x11f: {  	s18 =	sshra.s32 s18, $0x2  }
0x120: {  	v56 =	vld [tilespmem:s18+$0x12FF0];
	_ =	sdelay $0x4  }
0x121: {  	[tilespmem:$0x1FAF0] =	vst v56;
	v56 =	vld [tilespmem:s18+$0x13010];
	_ =	sdelay $0x4  }
0x122: {  	[tilespmem:$0x1FB00] =	vst v56;
	v56 =	vld [tilespmem:s18+$0x13020];
	_ =	sdelay $0x1  }
0x123: {  	v3 =	vld [tilespmem:s18+$0x12C00]  }
0x124: {  	v4 =	vld [tilespmem:s18+$0x12C10]  }
0x125: {  	v5 =	vld [tilespmem:s18+$0x12C20]  }
0x126: {  	[tilespmem:$0x1FB10] =	vst v56;
	v56 =	vld [tilespmem:s18+$0x13030]  }
0x127: {  	v16 =	vld [tilespmem:s18+$0x12C30]  }
0x128: {  	v17 =	vld [tilespmem:s18+$0x12C40]  }
0x129: {  	v20 =	vld [tilespmem:s18+$0x12C50]  }
0x12a: {  	v21 =	vld [tilespmem:s18+$0x12C60]  }
0x12b: {  	[tilespmem:$0x1FB30] =	vst v56;
	v56 =	vld [tilespmem:s18+$0x13040]  }
0x12c: {  	v32 =	vld [tilespmem:s18+$0x12C70]  }
0x12d: {  	v33 =	vld [tilespmem:s18+$0x12C80]  }
0x12e: {  	v36 =	vld [tilespmem:s18+$0x12C90]  }
0x12f: {  	v37 =	vld [tilespmem:s18+$0x12CA0]  }
0x130: {  	[tilespmem:$0x1FB20] =	vst v56;
	v56 =	vld [tilespmem:s18+$0x13050]  }
0x131: {  	v48 =	vld [tilespmem:s18+$0x12CB0]  }
0x132: {  	v49 =	vld [tilespmem:s18+$0x12CC0]  }
0x133: {  	v52 =	vld [tilespmem:s18+$0x12CD0]  }
0x134: {  	v53 =	vld [tilespmem:s18+$0x12CE0]  }
0x135: {  	[tilespmem:$0x1FB40] =	vst v56;
	v56 =	vld [tilespmem:s18+$0x13060]  }
0x136: {  	v62 =	vld [tilespmem:s18+$0x12CF0]  }
0x137: {  	v63 =	vld [tilespmem:s18+$0x12D00]  }
0x138: {  	v0 =	vld [tilespmem:s18+$0x12D10]  }
0x139: {  	v2 =	vld [tilespmem:s18+$0x12D20]  }
0x13a: {  	[tilespmem:$0x1FB50] =	vst v56;
	v56 =	vld [tilespmem:s18+$0x13070]  }
0x13b: {  	v9 =	vld [tilespmem:s18+$0x12D30]  }
0x13c: {  	v1 =	vld [tilespmem:s18+$0x12D40]  }
0x13d: {  	v6 =	vld [tilespmem:s18+$0x12D50]  }
0x13e: {  	v8 =	vld [tilespmem:s18+$0x12D60]  }
0x13f: {  	[tilespmem:$0x1FB70] =	vst v56;
	v56 =	vld [tilespmem:s18+$0x13080]  }
0x140: {  	v13 =	vld [tilespmem:s18+$0x12D70]  }
0x141: {  	v7 =	vld [tilespmem:s18+$0x12D80]  }
0x142: {  	v10 =	vld [tilespmem:s18+$0x12D90]  }
0x143: {  	v12 =	vld [tilespmem:s18+$0x12DA0]  }
0x144: {  	[tilespmem:$0x1FB60] =	vst v56;
	v56 =	vld [tilespmem:s18+$0x13090]  }
0x145: {  	v19 =	vld [tilespmem:s18+$0x12DB0]  }
0x146: {  	v11 =	vld [tilespmem:s18+$0x12DC0]  }
0x147: {  	v14 =	vld [tilespmem:s18+$0x12DD0]  }
0x148: {  	v18 =	vld [tilespmem:s18+$0x12DE0]  }
0x149: {  	[tilespmem:$0x1FB80] =	vst v56;
	v56 =	vld [tilespmem:s18+$0x130A0]  }
0x14a: {  	v25 =	vld [tilespmem:s18+$0x12DF0]  }
0x14b: {  	v15 =	vld [tilespmem:s18+$0x12E00]  }
0x14c: {  	v22 =	vld [tilespmem:s18+$0x12E10]  }
0x14d: {  	v24 =	vld [tilespmem:s18+$0x12E20]  }
0x14e: {  	[tilespmem:$0x1FB90] =	vst v56;
	v56 =	vld [tilespmem:s18+$0x130B0]  }
0x14f: {  	v29 =	vld [tilespmem:s18+$0x12E30]  }
0x150: {  	v23 =	vld [tilespmem:s18+$0x12E40]  }
0x151: {  	v26 =	vld [tilespmem:s18+$0x12E50]  }
0x152: {  	v28 =	vld [tilespmem:s18+$0x12E60]  }
0x153: {  	[tilespmem:$0x1FBB0] =	vst v56;
	v56 =	vld [tilespmem:s18+$0x130C0]  }
0x154: {  	v35 =	vld [tilespmem:s18+$0x12E70]  }
0x155: {  	v27 =	vld [tilespmem:s18+$0x12E80]  }
0x156: {  	v30 =	vld [tilespmem:s18+$0x12E90]  }
0x157: {  	v34 =	vld [tilespmem:s18+$0x12EA0]  }
0x158: {  	[tilespmem:$0x1FBA0] =	vst v56;
	v56 =	vld [tilespmem:s18+$0x130D0]  }
0x159: {  	v41 =	vld [tilespmem:s18+$0x12EB0]  }
0x15a: {  	v31 =	vld [tilespmem:s18+$0x12EC0]  }
0x15b: {  	v38 =	vld [tilespmem:s18+$0x12ED0]  }
0x15c: {  	v40 =	vld [tilespmem:s18+$0x12EE0]  }
0x15d: {  	[tilespmem:$0x1FBC0] =	vst v56;
	v56 =	vld [tilespmem:s18+$0x130E0]  }
0x15e: {  	v45 =	vld [tilespmem:s18+$0x12EF0]  }
0x15f: {  	v39 =	vld [tilespmem:s18+$0x12F00]  }
0x160: {  	v42 =	vld [tilespmem:s18+$0x12F10]  }
0x161: {  	v44 =	vld [tilespmem:s18+$0x12F20]  }
0x162: {  	[tilespmem:$0x1FBD0] =	vst v56;
	v56 =	vld [tilespmem:s18+$0x130F0]  }
0x163: {  	v51 =	vld [tilespmem:s18+$0x12F30]  }
0x164: {  	v43 =	vld [tilespmem:s18+$0x12F40]  }
0x165: {  	v46 =	vld [tilespmem:s18+$0x12F50]  }
0x166: {  	v50 =	vld [tilespmem:s18+$0x12F60]  }
0x167: {  	[tilespmem:$0x1FBF0] =	vst v56;
	v56 =	vld [tilespmem:s18+$0x13100]  }
0x168: {  	v60 =	vld [tilespmem:s18+$0x12F70]  }
0x169: {  	v47 =	vld [tilespmem:s18+$0x12F80]  }
0x16a: {  	v54 =	vld [tilespmem:s18+$0x12F90]  }
0x16b: {  	v61 =	vld [tilespmem:s18+$0x12FA0]  }
0x16c: {  	[tilespmem:$0x1FBE0] =	vst v56;
	v56 =	vld [tilespmem:s18+$0x13110]  }
0x16d: {  	v55 =	vld [tilespmem:s18+$0x12FB0]  }
0x16e: {  	v58 =	vld [tilespmem:s18+$0x12FD0]  }
0x16f: {  	v57 =	vld [tilespmem:s18+$0x12FE0]  }
0x170: {  	v59 =	vld [tilespmem:s18+$0x13000]  }
0x171: {  	[tilespmem:$0x1FC00] =	vst v56;
	v56 =	vld [tilespmem:s18+$0x13120]  }
0x172: {  	[tilespmem:$0x1FAE0] =	vst v55;
	v55 =	vld [tilespmem:s18+$0x12FC0]  }
0x173: {  	v17 =	vadd.f32 v17, v3;
	v3 =	vld [tilespmem:s18+$0x13290]  }
0x174: {  	v20 =	vadd.f32 v20, v4;
	v4 =	vld [tilespmem:s18+$0x132A0]  }
0x175: {  	v21 =	vadd.f32 v21, v5;
	v5 =	vld [tilespmem:s18+$0x132B0]  }
0x176: {  	v17 =	vadd.f32 v33, v17;
	[tilespmem:$0x1FC10] =	vst v56;
	v56 =	vld [tilespmem:s18+$0x13130]  }
0x177: {  	v32 =	vadd.f32 v32, v16;
	v16 =	vld [tilespmem:s18+$0x132C0];
	v20 =	vadd.f32 v36, v20  }
0x178: {  	v21 =	vadd.f32 v37, v21;
	v33 =	vadd.f32 v49, v17;
	v17 =	vld [tilespmem:s18+$0x132D0]  }
0x179: {  	v36 =	vadd.f32 v52, v20;
	v20 =	vld [tilespmem:s18+$0x132E0]  }
0x17a: {  	v32 =	vadd.f32 v48, v32;
	v37 =	vadd.f32 v53, v21;
	v21 =	vld [tilespmem:s18+$0x132F0]  }
0x17b: {  	[tilespmem:$0x1FC30] =	vst v56;
	v56 =	vld [tilespmem:s18+$0x13140]  }
0x17c: {  	v48 =	vadd.f32 v62, v32;
	v32 =	vld [tilespmem:s18+$0x13300]  }
0x17d: {  	v49 =	vld [tilespmem:s18+$0x13350]  }
0x17e: {  	v52 =	vld [tilespmem:s18+$0x13360]  }
0x17f: {  	v0 =	vadd.f32 v0, v36;
	v36 =	vld [tilespmem:s18+$0x13320]  }
0x180: {  	[tilespmem:$0x1FC20] =	vst v56;
	v56 =	vld [tilespmem:s18+$0x13150]  }
0x181: {  	v33 =	vadd.f32 v63, v33;
	v2 =	vadd.f32 v2, v37;
	v37 =	vld [tilespmem:s18+$0x13330]  }
0x182: {  	v9 =	vadd.f32 v9, v48;
	v48 =	vld [tilespmem:s18+$0x13340]  }
0x183: {  	v1 =	vadd.f32 v1, v33;
	v33 =	vld [tilespmem:s18+$0x13310]  }
0x184: {  	v2 =	vadd.f32 v8, v2;
	v8 =	vld [tilespmem:s18+$0x13390]  }
0x185: {  	[tilespmem:$0x1FC40] =	vst v56;
	v56 =	vld [tilespmem:s18+$0x13160]  }
0x186: {  	v53 =	vadd.f32 v13, v9;
	v9 =	vld [tilespmem:s18+$0x133A0]  }
0x187: {  	v13 =	vld [tilespmem:s18+$0x133E0]  }
0x188: {  	v0 =	vadd.f32 v6, v0;
	v6 =	vadd.f32 v19, v53;
	v53 =	vld [tilespmem:s18+$0x13370]  }
0x189: {  	v1 =	vadd.f32 v7, v1;
	v7 =	vld [tilespmem:s18+$0x13380]  }
0x18a: {  	[tilespmem:$0x1FC50] =	vst v56;
	v56 =	vld [tilespmem:s18+$0x13170]  }
0x18b: {  	v0 =	vadd.f32 v10, v0;
	v10 =	vld [tilespmem:s18+$0x133B0]  }
0x18c: {  	v2 =	vadd.f32 v12, v2;
	v12 =	vld [tilespmem:s18+$0x133D0]  }
0x18d: {  	v19 =	vld [tilespmem:s18+$0x13420]  }
0x18e: {  	v1 =	vadd.f32 v11, v1;
	v11 =	vld [tilespmem:s18+$0x133C0]  }
0x18f: {  	[tilespmem:$0x1FC70] =	vst v56;
	v56 =	vld [tilespmem:s18+$0x13180]  }
0x190: {  	v0 =	vadd.f32 v14, v0;
	v14 =	vld [tilespmem:s18+$0x133F0]  }
0x191: {  	v2 =	vadd.f32 v18, v2;
	v18 =	vld [tilespmem:s18+$0x13410]  }
0x192: {  	v6 =	vadd.f32 v25, v6;
	v25 =	vld [tilespmem:s18+$0x13460]  }
0x193: {  	v1 =	vadd.f32 v15, v1;
	v15 =	vld [tilespmem:s18+$0x13400]  }
0x194: {  	[tilespmem:$0x1FC60] =	vst v56;
	v56 =	vld [tilespmem:s18+$0x13190]  }
0x195: {  	v0 =	vadd.f32 v22, v0;
	v22 =	vld [tilespmem:s18+$0x13430]  }
0x196: {  	v2 =	vadd.f32 v24, v2;
	v24 =	vld [tilespmem:s18+$0x13450]  }
0x197: {  	v6 =	vadd.f32 v29, v6;
	v29 =	vld [tilespmem:s18+$0x134A0]  }
0x198: {  	v1 =	vadd.f32 v23, v1;
	v2 =	vadd.f32 v28, v2;
	v23 =	vld [tilespmem:s18+$0x13440]  }
0x199: {  	v0 =	vadd.f32 v26, v0;
	v6 =	vadd.f32 v35, v6;
	[tilespmem:$0x1FC80] =	vst v56;
	v56 =	vld [tilespmem:s18+$0x131A0]  }
0x19a: {  	v26 =	vld [tilespmem:s18+$0x13470];
	v1 =	vadd.f32 v27, v1;
	v2 =	vadd.f32 v34, v2  }
0x19b: {  	v28 =	vld [tilespmem:s18+$0x13490];
	v0 =	vadd.f32 v30, v0;
	v6 =	vadd.f32 v41, v6  }
0x19c: {  	v62 =	vld [tilespmem:$0x1FB30];
	v1 =	vadd.f32 v31, v1;
	v2 =	vadd.f32 v40, v2  }
0x19d: {  	v27 =	vld [tilespmem:s18+$0x13480];
	v0 =	vadd.f32 v38, v0;
	v6 =	vadd.f32 v45, v6  }
0x19e: {  	v1 =	vadd.f32 v39, v1;
	v2 =	vadd.f32 v44, v2;
	[tilespmem:$0x1FC90] =	vst v56;
	v56 =	vld [tilespmem:s18+$0x131B0]  }
0x19f: {  	v30 =	vld [tilespmem:s18+$0x134B0];
	v0 =	vadd.f32 v42, v0;
	v6 =	vadd.f32 v51, v6  }
0x1a0: {  	v31 =	vld [tilespmem:s18+$0x134C0];
	v1 =	vadd.f32 v43, v1;
	v2 =	vadd.f32 v50, v2  }
0x1a1: {  	v0 =	vadd.f32 v46, v0;
	v6 =	vadd.f32 v60, v6;
	v60 =	vld [tilespmem:$0x1FB10]  }
0x1a2: {  	v1 =	vadd.f32 v47, v1;
	v2 =	vadd.f32 v61, v2;
	v61 =	vld [tilespmem:$0x1FB20]  }
0x1a3: {  	[tilespmem:$0x1FCB0] =	vst v56;
	v56 =	vld [tilespmem:s18+$0x131C0]  }
0x1a4: {  	v0 =	vadd.f32 v54, v0;
	v1 =	vadd.f32 v55, v1;
	v55 =	vld [tilespmem:$0x1FAE0]  }
0x1a5: {  	v63 =	vld [tilespmem:$0x1FB40]  }
0x1a6: {  	v0 =	vadd.f32 v58, v0;
	v58 =	vld [tilespmem:$0x1FAF0]  }
0x1a7: {  	v34 =	vld [tilespmem:$0x1FB50]  }
0x1a8: {  	v2 =	vadd.f32 v57, v2;
	[tilespmem:$0x1FCA0] =	vst v56;
	v56 =	vld [tilespmem:s18+$0x131D0]  }
0x1a9: {  	v1 =	vadd.f32 v59, v1;
	v59 =	vld [tilespmem:$0x1FB00];
	v6 =	vadd.f32 v55, v6  }
0x1aa: {  	v2 =	vadd.f32 v60, v2;
	v38 =	vld [tilespmem:$0x1FB70]  }
0x1ab: {  	v6 =	vadd.f32 v58, v6;
	v35 =	vld [tilespmem:$0x1FB60]  }
0x1ac: {  	v2 =	vadd.f32 v34, v2;
	v34 =	vld [tilespmem:s18+$0x134D0]  }
0x1ad: {  	v6 =	vadd.f32 v62, v6;
	[tilespmem:$0x1FCC0] =	vst v56;
	v56 =	vld [tilespmem:s18+$0x131E0]  }
0x1ae: {  	v1 =	vadd.f32 v61, v1;
	v39 =	vld [tilespmem:$0x1FB80]  }
0x1af: {  	v0 =	vadd.f32 v59, v0;
	v6 =	vadd.f32 v38, v6;
	v38 =	vld [tilespmem:s18+$0x134F0]  }
0x1b0: {  	v1 =	vadd.f32 v35, v1;
	v35 =	vld [tilespmem:s18+$0x134E0]  }
0x1b1: {  	v0 =	vadd.f32 v63, v0;
	v40 =	vld [tilespmem:$0x1FB90]  }
0x1b2: {  	[tilespmem:$0x1FCD0] =	vst v56;
	v56 =	vld [tilespmem:s18+$0x131F0]  }
0x1b3: {  	v0 =	vadd.f32 v39, v0;
	v39 =	vld [tilespmem:s18+$0x13500]  }
0x1b4: {  	v42 =	vld [tilespmem:$0x1FBB0]  }
0x1b5: {  	v41 =	vld [tilespmem:$0x1FBA0]  }
0x1b6: {  	v2 =	vadd.f32 v40, v2;
	v40 =	vld [tilespmem:s18+$0x13510]  }
0x1b7: {  	[tilespmem:$0x1FCF0] =	vst v56;
	v56 =	vld [tilespmem:s18+$0x13200]  }
0x1b8: {  	v43 =	vld [tilespmem:$0x1FBC0]  }
0x1b9: {  	v6 =	vadd.f32 v42, v6;
	v42 =	vld [tilespmem:s18+$0x13530]  }
0x1ba: {  	v1 =	vadd.f32 v41, v1;
	v41 =	vld [tilespmem:s18+$0x13520]  }
0x1bb: {  	v44 =	vld [tilespmem:$0x1FBD0]  }
0x1bc: {  	[tilespmem:$0x1FCE0] =	vst v56;
	v56 =	vld [tilespmem:s18+$0x13210]  }
0x1bd: {  	v0 =	vadd.f32 v43, v0;
	v43 =	vld [tilespmem:s18+$0x13540]  }
0x1be: {  	v46 =	vld [tilespmem:$0x1FBF0]  }
0x1bf: {  	v45 =	vld [tilespmem:$0x1FBE0]  }
0x1c0: {  	v2 =	vadd.f32 v44, v2;
	v44 =	vld [tilespmem:s18+$0x13550]  }
0x1c1: {  	[tilespmem:$0x1FD00] =	vst v56;
	v56 =	vld [tilespmem:s18+$0x13220]  }
0x1c2: {  	v47 =	vld [tilespmem:$0x1FC00]  }
0x1c3: {  	v6 =	vadd.f32 v46, v6;
	v46 =	vld [tilespmem:s18+$0x13570]  }
0x1c4: {  	v1 =	vadd.f32 v45, v1;
	v45 =	vld [tilespmem:s18+$0x13560]  }
0x1c5: {  	v50 =	vld [tilespmem:$0x1FC10]  }
0x1c6: {  	[tilespmem:$0x1FD10] =	vst v56;
	v56 =	vld [tilespmem:s18+$0x13230]  }
0x1c7: {  	v0 =	vadd.f32 v47, v0;
	v47 =	vld [tilespmem:s18+$0x13580]  }
0x1c8: {  	v54 =	vld [tilespmem:$0x1FC30]  }
0x1c9: {  	v51 =	vld [tilespmem:$0x1FC20]  }
0x1ca: {  	v55 =	vld [tilespmem:$0x1FC40]  }
0x1cb: {  	[tilespmem:$0x1FD30] =	vst v56;
	v56 =	vld [tilespmem:s18+$0x13240]  }
0x1cc: {  	v57 =	vld [tilespmem:$0x1FC50]  }
0x1cd: {  	v59 =	vld [tilespmem:$0x1FC70]  }
0x1ce: {  	v58 =	vld [tilespmem:$0x1FC60]  }
0x1cf: {  	v60 =	vld [tilespmem:$0x1FC80]  }
0x1d0: {  	[tilespmem:$0x1FD20] =	vst v56;
	v56 =	vld [tilespmem:s18+$0x13250]  }
0x1d1: {  	v61 =	vld [tilespmem:$0x1FC90]  }
0x1d2: {  	v63 =	vld [tilespmem:$0x1FCB0]  }
0x1d3: {  	v62 =	vld [tilespmem:$0x1FCA0]  }
0x1d4: {  	v2 =	vadd.f32 v50, v2;
	v50 =	vld [tilespmem:$0x1FCC0]  }
0x1d5: {  	[tilespmem:$0x1FD40] =	vst v56;
	v56 =	vld [tilespmem:s18+$0x13260]  }
0x1d6: {  	v1 =	vadd.f32 v51, v1;
	v51 =	vld [tilespmem:$0x1FCD0]  }
0x1d7: {  	v0 =	vadd.f32 v55, v0;
	v55 =	vld [tilespmem:$0x1FCF0]  }
0x1d8: {  	v6 =	vadd.f32 v54, v6;
	v54 =	vld [tilespmem:$0x1FCE0]  }
0x1d9: {  	v2 =	vadd.f32 v57, v2;
	v57 =	vld [tilespmem:$0x1FD00]  }
0x1da: {  	[tilespmem:$0x1FD50] =	vst v56;
	v56 =	vld [tilespmem:s18+$0x13270]  }
0x1db: {  	v1 =	vadd.f32 v58, v1;
	v58 =	vld [tilespmem:$0x1FD10]  }
0x1dc: {  	v0 =	vadd.f32 v60, v0;
	v60 =	vld [tilespmem:$0x1FD30]  }
0x1dd: {  	v6 =	vadd.f32 v59, v6;
	v2 =	vadd.f32 v61, v2;
	v61 =	vld [tilespmem:$0x1FD40]  }
0x1de: {  	v1 =	vadd.f32 v62, v1;
	v0 =	vadd.f32 v50, v0;
	v62 =	vld [tilespmem:$0x1FD50]  }
0x1df: {  	v6 =	vadd.f32 v63, v6;
	v2 =	vadd.f32 v51, v2;
	v59 =	vld [tilespmem:$0x1FD20];
	[tilespmem:$0x1FD60] =	vst v56  }
0x1e0: {  	v0 =	vadd.f32 v57, v0;
	v63 =	vld [tilespmem:$0x1FD60]  }
0x1e1: {  	v6 =	vadd.f32 v55, v6;
	v2 =	vadd.f32 v58, v2;
	v56 =	vld [tilespmem:s18+$0x13280]  }
0x1e2: {  	v50 =	vld [tilespmem:s18+$0x13590];
	v1 =	vadd.f32 v54, v1;
	v0 =	vadd.f32 v61, v0  }
0x1e3: {  	v51 =	vld [tilespmem:s18+$0x135A0];
	v6 =	vadd.f32 v60, v6;
	v2 =	vadd.f32 v62, v2  }
0x1e4: {  	v55 =	vld [tilespmem:s18+$0x13630];
	v1 =	vadd.f32 v59, v1;
	v0 =	vadd.f32 v3, v0  }
0x1e5: {  	v54 =	vld [tilespmem:s18+$0x135B0];
	v2 =	vadd.f32 v4, v2;
	v6 =	vadd.f32 v63, v6  }
0x1e6: {  	v57 =	vld [tilespmem:s18+$0x13650];
	v0 =	vadd.f32 v17, v0;
	v1 =	vadd.f32 v56, v1  }
0x1e7: {  	v58 =	vld [tilespmem:s18+$0x13660];
	v2 =	vadd.f32 v20, v2;
	v5 =	vadd.f32 v5, v6  }
0x1e8: {  	v60 =	vld [tilespmem:s18+$0x13680];
	v0 =	vadd.f32 v33, v0;
	v1 =	vadd.f32 v16, v1  }
0x1e9: {  	v59 =	vld [tilespmem:s18+$0x13670];
	v2 =	vadd.f32 v36, v2;
	v5 =	vadd.f32 v21, v5  }
0x1ea: {  	v61 =	vld [tilespmem:s18+$0x13690];
	v0 =	vadd.f32 v49, v0;
	v1 =	vadd.f32 v32, v1  }
0x1eb: {  	v3 =	vld [tilespmem:s18+$0x135C0];
	v2 =	vadd.f32 v52, v2;
	v5 =	vadd.f32 v37, v5  }
0x1ec: {  	v17 =	vld [tilespmem:s18+$0x13600];
	v0 =	vadd.f32 v8, v0;
	v1 =	vadd.f32 v48, v1  }
0x1ed: {  	v62 =	vld [tilespmem:s18+$0x136A0];
	v2 =	vadd.f32 v9, v2;
	v5 =	vadd.f32 v53, v5  }
0x1ee: {  	v33 =	vld [tilespmem:s18+$0x136D0];
	v0 =	vadd.f32 v12, v0;
	v1 =	vadd.f32 v7, v1  }
0x1ef: {  	v4 =	vld [tilespmem:s18+$0x135D0];
	v2 =	vadd.f32 v13, v2;
	v5 =	vadd.f32 v10, v5  }
0x1f0: {  	v49 =	vld [tilespmem:s18+$0x13620];
	v0 =	vadd.f32 v18, v0;
	v1 =	vadd.f32 v11, v1  }
0x1f1: {  	v56 =	vld [tilespmem:s18+$0x13640];
	v2 =	vadd.f32 v19, v2;
	v5 =	vadd.f32 v14, v5  }
0x1f2: {  	v63 =	vld [tilespmem:s18+$0x136B0];
	v0 =	vadd.f32 v24, v0;
	v1 =	vadd.f32 v15, v1  }
0x1f3: {  	v16 =	vld [tilespmem:s18+$0x135F0];
	v2 =	vadd.f32 v25, v2;
	v5 =	vadd.f32 v22, v5  }
0x1f4: {  	v36 =	vld [tilespmem:s18+$0x136F0];
	v0 =	vadd.f32 v28, v0;
	v1 =	vadd.f32 v23, v1  }
0x1f5: {  	v6 =	vld [tilespmem:s18+$0x135E0];
	v2 =	vadd.f32 v29, v2;
	v5 =	vadd.f32 v26, v5  }
0x1f6: {  	v32 =	vld [tilespmem:s18+$0x136C0];
	v0 =	vadd.f32 v34, v0;
	v1 =	vadd.f32 v27, v1  }
0x1f7: {  	v52 =	vld [tilespmem:s18+$0x137F0];
	v2 =	vadd.f32 v35, v2;
	v5 =	vadd.f32 v30, v5  }
0x1f8: {  	v48 =	vld [tilespmem:s18+$0x13610];
	v0 =	vadd.f32 v40, v0;
	v1 =	vadd.f32 v31, v1  }
0x1f9: {  	v37 =	vld [tilespmem:s18+$0x13700];
	v2 =	vadd.f32 v41, v2;
	v5 =	vadd.f32 v38, v5  }
0x1fa: {  	v53 =	vld [tilespmem:s18+$0x13800];
	v0 =	vadd.f32 v44, v0;
	v1 =	vadd.f32 v39, v1  }
0x1fb: {  	v34 =	vld [tilespmem:s18+$0x136E0];
	v2 =	vadd.f32 v45, v2;
	v5 =	vadd.f32 v42, v5  }
0x1fc: {  	v40 =	vld [tilespmem:s18+$0x13730];
	v0 =	vadd.f32 v50, v0;
	v1 =	vadd.f32 v43, v1  }
0x1fd: {  	v44 =	vld [tilespmem:s18+$0x13770];
	v2 =	vadd.f32 v51, v2;
	v5 =	vadd.f32 v46, v5  }
0x1fe: {  	v50 =	vld [tilespmem:s18+$0x137D0];
	v0 =	vadd.f32 v4, v0;
	v1 =	vadd.f32 v47, v1  }
0x1ff: {  	v41 =	vld [tilespmem:s18+$0x13740];
	v2 =	vadd.f32 v6, v2;
	v5 =	vadd.f32 v54, v5  }
0x200: {  	v39 =	vld [tilespmem:s18+$0x13720];
	v0 =	vadd.f32 v48, v0;
	v1 =	vadd.f32 v3, v1  }
0x201: {  	v45 =	vld [tilespmem:s18+$0x13780];
	v2 =	vadd.f32 v49, v2;
	v5 =	vadd.f32 v16, v5  }
0x202: {  	v38 =	vld [tilespmem:s18+$0x13710];
	v0 =	vadd.f32 v57, v0;
	v1 =	vadd.f32 v17, v1  }
0x203: {  	v48 =	vld [tilespmem:s18+$0x137B0];
	v2 =	vadd.f32 v58, v2;
	v5 =	vadd.f32 v55, v5  }
0x204: {  	v43 =	vld [tilespmem:s18+$0x13760];
	v0 =	vadd.f32 v61, v0;
	v1 =	vadd.f32 v56, v1  }
0x205: {  	v42 =	vld [tilespmem:s18+$0x13750];
	v2 =	vadd.f32 v62, v2;
	v5 =	vadd.f32 v59, v5  }
0x206: {  	v51 =	vld [tilespmem:s18+$0x137E0];
	v0 =	vadd.f32 v33, v0;
	v1 =	vadd.f32 v60, v1  }
0x207: {  	v46 =	vld [tilespmem:s18+$0x13790];
	v2 =	vadd.f32 v34, v2;
	v5 =	vadd.f32 v63, v5  }
0x208: {  	v47 =	vld [tilespmem:s18+$0x137A0];
	v0 =	vadd.f32 v38, v0;
	v1 =	vadd.f32 v32, v1  }
0x209: {  	v49 =	vld [tilespmem:s18+$0x137C0];
	v2 =	vadd.f32 v39, v2;
	v5 =	vadd.f32 v36, v5  }
0x20a: {  	v54 =	vld [tilespmem:s18+$0x13810];
	v0 =	vadd.f32 v42, v0;
	v1 =	vadd.f32 v37, v1  }
0x20b: {  	v58 =	vld [tilespmem:s18+$0x13850];
	v2 =	vadd.f32 v43, v2;
	v5 =	vadd.f32 v40, v5  }
0x20c: {  	v55 =	vld [tilespmem:s18+$0x13820];
	v0 =	vadd.f32 v46, v0;
	v1 =	vadd.f32 v41, v1  }
0x20d: {  	v56 =	vld [tilespmem:s18+$0x13830];
	v2 =	vadd.f32 v47, v2;
	v5 =	vadd.f32 v44, v5  }
0x20e: {  	v59 =	vld [tilespmem:s18+$0x13860];
	v0 =	vadd.f32 v50, v0;
	v1 =	vadd.f32 v45, v1  }
0x20f: {  	v57 =	vld [tilespmem:s18+$0x13840];
	v2 =	vadd.f32 v51, v2;
	v5 =	vadd.f32 v48, v5  }
0x210: {  	v60 =	vld [tilespmem:s18+$0x13870];
	v0 =	vadd.f32 v54, v0;
	v1 =	vadd.f32 v49, v1  }
0x211: {  	v2 =	vadd.f32 v55, v2;
	v5 =	vadd.f32 v52, v5  }
0x212: {  	v0 =	vadd.f32 v58, v0;
	v1 =	vadd.f32 v53, v1  }
0x213: {  	v2 =	vadd.f32 v59, v2;
	v61 =	vadd.f32 v56, v5  }
0x214: {  	s31 =	sshll.u32 s17, $0x6;
	p0 =	sne.s32 s17, $0xF;
	v0 =	vmul.f32 $1.999999960e-02, v0;
	v1 =	vadd.f32 v57, v1  }
.Ltmp1:
0x215: {  	s18 =	sand.u32 $0x3FFFFFC0, s31;
	v62 =	vmul.f32 $1.999999960e-02, v2;
	v3 =	vadd.f32 v60, v61;
	(pc) =	sbr.rel @p0 .LBB2_5-.Ltmp1, $4  }
0x216: {  	[tilespmem:s18+$0x1F410] =	vst v0;
	v1 =	vmul.f32 $1.999999960e-02, v1  }
0x217: {  	[tilespmem:s18+$0x1F420] =	vst v62;
	v63 =	vmul.f32 $1.999999960e-02, v3  }
0x218: {  	[tilespmem:s18+$0x1F400] =	vst v1  }
0x219: {  	s17 =	sadd.s32 $0x1, s17;
	[tilespmem:s18+$0x1F430] =	vst v63  }
0x21a: {  	s15 =	sadd.s32 $0x1, s15  }
0x21b: {  	s16 =	sshll.u32 s16, $0x7;
	p0 =	sne.s32 s15, $0x10  }
.Ltmp2:
0x21c: {  	s16 =	sadd.s32 s16, s5;
	(pc) =	sbr.rel @p0 .LBB2_2-.Ltmp2, $4  }
0x21d: {  	[hbm4b:s16+s2] =	stream.linear.scatter [tilespmem:s12], [sflag:$0x3], $0x400, $0x38;
	[tilespmem:$0x1F800] =	vst v63  }
0x21e: {  	_ =	swait.ge [sflag:s7], $0x400  }
0x21f: {  	[sflag:s7] =	ssyncset.done $0x0  }
0x220: {  	[sflag:s7] =	ssyncadd.s32 $0xFFFFFC00  }
0x221: {  	s14 =	sadd.s32 $0x1, s14  }
0x222: {  	p0 =	sne.s32 s14, s6  }
.Ltmp3:
0x223: {  	_ = 	snop;
	(pc) =	sbr.rel @p0 .LBB2_1-.Ltmp3, $1  }
0x224: {  	_ =	sdelay $0x3  }
0x225: {  	_ =	sfence.sel $0x180000  }
0x226: {  	[bflag:$0x0] =	sbarrier.arrive $0xFFFF  }
0x227: {  	p0 =	sne.s32 s0, $0x0;
	_ =	strace $0x90000047  }
0x228: {  	s0 =	sadd.s32 @!p0 $0x100000, s1;
	[bflag:$0x2] =	sbarrier.arrive $0xFFFF  }
0x229: {  	[sflag:s0] =	ssyncadd.tile.s32 @!p0 $0x1;
	_ =	shalt  }
.Lfunc_end2:
_tile_overlayer_lowered:
.L_overlay_start_2:
0x22a: {  	(tag) =	ssettag $0x2  }
0x22b: {  	s0 =	rddreg [dreg:$0x0];
	s2 =	stileid.u32  }
0x22c: {  	s1 =	rddreg [dreg:$0x1];
	p0 =	sne.s32 s2, $0x0  }
0x22d: {  	s3 =	rddreg [dreg:$0x2];
	[bflag:$0x3] =	sbarrier.arrive $0xFFFF;
	s2 =	simm.s32 @!p0 $0x1C03  }
0x22e: {  	[timem:s3], [sflag:s2] =	dma.local @!p0 [hbm:s0], s1  }
0x22f: {  	s0 =	simm.s32 @!p0 $0x3  }
0x230: {  	_ =	swait.ge @!p0 [sflag:s0], s1  }
0x231: {  	s1 =	ssub.s32 @!p0 $0x0, s1;
	[sflag:s0] =	ssyncset.done @!p0 $0x0  }
0x232: {  	[sflag:s0] =	ssyncadd.s32 @!p0 s1  }
0x233: {  	[bflag:$0x3] =	sbarrier.arrive $0xFFFF  }
0x234: {  	_ =	shalt  }

</sc_bundles>
